<compile_context>
chip_gen: v7x
topology: tpu7x:2x2x1
jax: 0.10.2.dev20260603
libtpu: 0.0.44.dev20260713+nightly
codegen_flags: <defaults>
</compile_context>

<pallas_src>
import functools

import jax
import jax.numpy as jnp
from jax import lax
from jax.experimental import pallas as pl
from jax.experimental.pallas import tpu as pltpu
from jax.experimental.pallas import tpu_sc as plsc

ROWS = 128
COLS = 100000
TOPK = 5
L = 16
NC, NS = 2, 16
BC = 4096
GC = 128



@functools.lru_cache(maxsize=1)
def _make_sc_gather():
    mesh = plsc.VectorSubcoreMesh(core_axis_name="c", subcore_axis_name="s", num_cores=1)
    groups = ROWS // L

    @functools.partial(
        pl.kernel,
        mesh=mesh,
        out_type=jax.ShapeDtypeStruct((ROWS,), jnp.float32),
        compiler_params=pltpu.CompilerParams(needs_layout_passes=False),
        scratch_types=[
            pltpu.VMEM((L,), jnp.int32),
            pltpu.VMEM((L,), jnp.int32),
            pltpu.VMEM((L, 8, GC), jnp.float32),
            pltpu.VMEM((L,), jnp.float32),
            pltpu.SemaphoreType.DMA,
        ],
    )
    def sc_gather(x_hbm, cb_hbm, off_hbm, out_hbm,
                  cb_v, off_v, rows_v, val_v, sem):
        wid = lax.axis_index("s") * NC + lax.axis_index("c")

        @pl.when(wid < groups)
        def _():
            base = wid * L
            pltpu.sync_copy(cb_hbm.at[pl.ds(base, L)], cb_v)
            pltpu.sync_copy(off_hbm.at[pl.ds(base, L)], off_v)
            cb = cb_v[...]
            lane = lax.iota(jnp.int32, L)
            handles = []
            for j in range(L):
                cj = pl.multiple_of(jnp.max(jnp.where(lane == j, cb, -1)), GC)
                handles.append(pltpu.async_copy(
                    x_hbm.at[pl.ds(base + 8 * (j // 8), 8), pl.ds(cj, GC)],
                    rows_v.at[j], sem))
            for h in handles:
                h.wait()
            val_v[...] = plsc.load_gather(
                rows_v, [lax.iota(jnp.int32, L), lane % 8, off_v[...]])
            pltpu.sync_copy(val_v, out_hbm.at[pl.ds(base, L)])

    return sc_gather



NSTREAM = 2


def _fast_body(*args):
    xs = args[:NSTREAM]
    v_ref = args[NSTREAM]
    nc_ref, acc_ref, amb_ref, g_ref, e_ref = args[NSTREAM + 1:]
    j = pl.program_id(0)
    last = pl.num_programs(0) - 1
    v = v_ref[...]

    @pl.when(j == 0)
    def _init():
        g_ref[...] = jnp.zeros_like(g_ref)
        e_ref[...] = jnp.zeros_like(e_ref)

    def accum(xb):
        nch = 2
        cg = [None] * nch
        ce = [None] * nch
        for k in range(BC // 128):
            s = xb[:, k * 128:(k + 1) * 128]
            gt = (s > v).astype(jnp.float32)
            ge = (s >= v).astype(jnp.float32)
            i = k % nch
            cg[i] = gt if cg[i] is None else cg[i] + gt
            ce[i] = ge if ce[i] is None else ce[i] + ge
        g_ref[...] += cg[0] + cg[1]
        e_ref[...] += ce[0] + ce[1]

    @pl.when(j != last)
    def _main():
        for x_ref in xs:
            accum(x_ref[...])

    @pl.when(j == last)
    def _tail():
        col = lax.broadcasted_iota(jnp.int32, (ROWS, BC), 1)
        for t, x_ref in enumerate(xs):
            start = (last * NSTREAM + t) * BC
            accum(jnp.where(col < COLS - start, x_ref[...], -jnp.inf))
        g = jnp.sum(g_ref[...], axis=1, keepdims=True)
        e = jnp.sum(e_ref[...], axis=1, keepdims=True)
        correct = (g <= float(TOPK - 1)) & (e <= float(TOPK))
        ambiguous = (g <= float(TOPK - 1)) & (e >= float(TOPK + 1))
        nc = jnp.sum(correct.astype(jnp.int32))
        nc_ref[0, 0] = nc
        acc_ref[0, 0] = nc.astype(jnp.float32) * (1.0 / ROWS)
        amb_ref[0, 0] = jnp.sum(ambiguous.astype(jnp.int32))


def _fast_count(outputs, vvals):
    grid = (COLS + BC * NSTREAM - 1) // (BC * NSTREAM)

    maxb = (COLS + BC - 1) // BC - 1

    def _xmap(t):
        return lambda j: (0, jnp.minimum(j * NSTREAM + t, maxb))

    return pl.pallas_call(
        _fast_body,
        grid=(grid,),
        in_specs=[pl.BlockSpec((ROWS, BC), _xmap(t)) for t in range(NSTREAM)]
        + [pl.BlockSpec((ROWS, 1), lambda j: (0, 0))],
        out_specs=[
            pl.BlockSpec(memory_space=pltpu.SMEM),
            pl.BlockSpec(memory_space=pltpu.SMEM),
            pl.BlockSpec(memory_space=pltpu.SMEM),
        ],
        out_shape=[
            jax.ShapeDtypeStruct((1, 1), jnp.int32),
            jax.ShapeDtypeStruct((1, 1), jnp.float32),
            jax.ShapeDtypeStruct((1, 1), jnp.int32),
        ],
        scratch_shapes=[
            pltpu.VMEM((ROWS, 128), jnp.float32),
            pltpu.VMEM((ROWS, 128), jnp.float32),
        ],
    )(*([outputs] * NSTREAM), vvals)



def _exact_body(x_ref, v_ref, lab_ref, nc_ref, acc_ref, cnt_ref):
    j = pl.program_id(0)
    x = x_ref[...]
    v = v_ref[...]
    lab = lab_ref[...]
    col = j * BC + lax.broadcasted_iota(jnp.int32, (ROWS, BC), 1)
    valid = col < COLS
    beats = ((x > v) | ((x == v) & (col < lab))) & valid
    cnt = jnp.sum(beats.astype(jnp.int32), axis=1, keepdims=True)

    @pl.when(j == 0)
    def _init():
        cnt_ref[...] = jnp.zeros_like(cnt_ref)

    cnt_ref[...] += cnt

    @pl.when(j == pl.num_programs(0) - 1)
    def _fin():
        nc = jnp.sum((cnt_ref[...] < TOPK).astype(jnp.int32))
        nc_ref[0, 0] = nc
        acc_ref[0, 0] = nc.astype(jnp.float32) * (1.0 / ROWS)


def _exact_count(outputs, vvals, labels):
    grid = (COLS + BC - 1) // BC
    return pl.pallas_call(
        _exact_body,
        grid=(grid,),
        in_specs=[
            pl.BlockSpec((ROWS, BC), lambda j: (0, j)),
            pl.BlockSpec((ROWS, 1), lambda j: (0, 0)),
            pl.BlockSpec((ROWS, 1), lambda j: (0, 0)),
        ],
        out_specs=[
            pl.BlockSpec(memory_space=pltpu.SMEM),
            pl.BlockSpec(memory_space=pltpu.SMEM),
        ],
        out_shape=[
            jax.ShapeDtypeStruct((1, 1), jnp.int32),
            jax.ShapeDtypeStruct((1, 1), jnp.float32),
        ],
        scratch_shapes=[pltpu.VMEM((ROWS, 1), jnp.int32)],
    )(outputs, vvals, labels)


def kernel(outputs, labels):
    if outputs.ndim == 1:
        outputs = outputs[None, :]
    labels = labels.astype(jnp.int32)
    cb = (labels // GC) * GC
    off = labels % GC
    vvals = _make_sc_gather()(outputs, cb, off)
    v2d = vvals.reshape(ROWS, 1)
    nc_f, acc_f, amb = _fast_count(outputs, v2d)

    def _exact(_):
        nc, acc = _exact_count(outputs, v2d, labels.reshape(ROWS, 1))
        return acc[0, 0], nc[0, 0]

    def _fast(_):
        return acc_f[0, 0], nc_f[0, 0]

    accuracy, n_correct = lax.cond(amb[0, 0] > 0, _exact, _fast, None)
    return (accuracy, n_correct, jnp.int32(ROWS))

# --- scband reference (transcript-rebuilt; emitter-appended) ---
"""Pipeline reference for scband-classification-accuracy-59889023975967 (READ-ONLY COPY).

The authoritative reference and input builder live on the scoring server;
editing this copy changes nothing except your own understanding.
"""

import jax, jax.numpy as jnp
import numpy as np

TOP_K = 5


def setup_inputs(seed: int = 0) -> dict:
    key = jax.random.key(seed)
    k1, k2 = jax.random.split(key)
    outputs = jax.random.normal(k1, (128, 100000), dtype=jnp.float32)
    labels = jax.random.randint(k2, (128,), 0, 100000)
    return {"outputs": outputs, "labels": labels}


def reference(outputs, labels):
    # Faithful translation of ClassificationAccuracy.update with top_k=5,
    # followed by score(): accuracy = n_correct / n_scored.
    if outputs.ndim == 1:
        outputs = outputs[None, :]
    # top-k over class dimension (maps to sort/top_k primitive)
    _, top_k_labels = jax.lax.top_k(outputs, TOP_K)
    # labels[:, None] broadcast-compared against the top-k indices
    top_k_correct = top_k_labels == labels[:, None]
    correct_any = jnp.any(top_k_correct, axis=-1)
    n_correct = jnp.sum(correct_any.astype(jnp.int32))
    n_scored = jnp.asarray(labels.size, dtype=jnp.int32)
    accuracy = n_correct.astype(jnp.float32) / n_scored.astype(jnp.float32)
    return (accuracy, n_correct, n_scored)

if __name__ == "__main__":
    import jax
    _d = setup_inputs()
    print(jax.jit(kernel)(*tuple(_d.values())))

</pallas_src>

<mosaic_0001>
#map = affine_map<(d0, d1) -> (0, 0)>
#map1 = affine_map<(d0, d1) -> (0)>
module attributes {stable_mosaic.version = 14 : i64} {
  func.func @sc_gather(%arg0: i32, %arg1: i32, %arg2: memref<128x100000xf32, #tpu.memory_space<hbm>>, %arg3: memref<128xi32, #tpu.memory_space<hbm>>, %arg4: memref<128xi32, #tpu.memory_space<hbm>>, %arg5: memref<128xf32, #tpu.memory_space<hbm>>, %arg6: memref<16xi32, #tpu.memory_space<vmem>>, %arg7: memref<16xi32, #tpu.memory_space<vmem>>, %arg8: memref<16x8x128xf32, #tpu.memory_space<vmem>>, %arg9: memref<16xf32, #tpu.memory_space<vmem>>, %arg10: memref<!tpu.dma_semaphore, #tpu.memory_space<semaphore_mem>>) attributes {dimension_semantics = [#tpu.dimension_semantics<core_parallel>, #tpu.dimension_semantics<subcore_parallel>], iteration_bounds = array<i64: 1, 16>, scalar_prefetch = 0 : i64, scratch_operands = 5 : i64, tpu.core_type = #tpu.core_type<sc_vector_subcore>, window_params = [{transform_indices = #map}, {transform_indices = #map1}, {transform_indices = #map1}, {transform_indices = #map1}]} {
    %mul3A = arith.constant 2 : i32
    %mul3A_0 = arith.muli %arg1, %mul3A : i32
    %add3A = arith.addi %mul3A_0, %arg0 : i32
    %lt3A = arith.constant 8 : i32
    %lt3A_1 = arith.cmpi slt, %add3A, %lt3A : i32
    %convert_element_type3A = arith.extui %lt3A_1 : i1 to i32
    %cond3A = arith.constant 0 : i32
    %cond3A_2 = arith.cmpi ne, %convert_element_type3A, %cond3A : i32
    scf.if %cond3A_2 {
      %mul3A_3 = arith.constant 16 : i32
      %mul3A_4 = arith.muli %add3A, %mul3A_3 : i32
      "tpu.region"() ({
        %run_scoped3A = tpu.sem_alloc : memref<!tpu.dma_semaphore, #tpu.memory_space<semaphore_mem>>
        %dma_start3A_645 = tpu.memref_slice %arg3[%mul3A_4] : memref<128xi32, #tpu.memory_space<hbm>> -> memref<16xi32, #tpu.memory_space<hbm>>
        %dma_start3A_646 = tpu.memref_slice %arg3[%mul3A_4] : memref<128xi32, #tpu.memory_space<hbm>> -> memref<16xi32, #tpu.memory_space<hbm>>
        tpu.enqueue_dma source(%dma_start3A_646 : memref<16xi32, #tpu.memory_space<hbm>>) target(%arg6 : memref<16xi32, #tpu.memory_space<vmem>>) target_semaphore(%run_scoped3A : memref<!tpu.dma_semaphore, #tpu.memory_space<semaphore_mem>>)
        %dma_wait3A_647 = tpu.memref_slice %arg3[%mul3A_4] : memref<128xi32, #tpu.memory_space<hbm>> -> memref<16xi32, #tpu.memory_space<hbm>>
        %dma_wait3A_648 = tpu.memref_slice %arg3[%mul3A_4] : memref<128xi32, #tpu.memory_space<hbm>> -> memref<16xi32, #tpu.memory_space<hbm>>
        tpu.wait_dma2 semaphore(%run_scoped3A : memref<!tpu.dma_semaphore, #tpu.memory_space<semaphore_mem>>) src(%dma_wait3A_648 : memref<16xi32, #tpu.memory_space<hbm>>) dst(%arg6 : memref<16xi32, #tpu.memory_space<vmem>>)
        tpu.yield
      }) : () -> ()
      "tpu.region"() ({
        %run_scoped3A = tpu.sem_alloc : memref<!tpu.dma_semaphore, #tpu.memory_space<semaphore_mem>>
        %dma_start3A_645 = tpu.memref_slice %arg4[%mul3A_4] : memref<128xi32, #tpu.memory_space<hbm>> -> memref<16xi32, #tpu.memory_space<hbm>>
        %dma_start3A_646 = tpu.memref_slice %arg4[%mul3A_4] : memref<128xi32, #tpu.memory_space<hbm>> -> memref<16xi32, #tpu.memory_space<hbm>>
        tpu.enqueue_dma source(%dma_start3A_646 : memref<16xi32, #tpu.memory_space<hbm>>) target(%arg7 : memref<16xi32, #tpu.memory_space<vmem>>) target_semaphore(%run_scoped3A : memref<!tpu.dma_semaphore, #tpu.memory_space<semaphore_mem>>)
        %dma_wait3A_647 = tpu.memref_slice %arg4[%mul3A_4] : memref<128xi32, #tpu.memory_space<hbm>> -> memref<16xi32, #tpu.memory_space<hbm>>
        %dma_wait3A_648 = tpu.memref_slice %arg4[%mul3A_4] : memref<128xi32, #tpu.memory_space<hbm>> -> memref<16xi32, #tpu.memory_space<hbm>>
        tpu.wait_dma2 semaphore(%run_scoped3A : memref<!tpu.dma_semaphore, #tpu.memory_space<semaphore_mem>>) src(%dma_wait3A_648 : memref<16xi32, #tpu.memory_space<hbm>>) dst(%arg7 : memref<16xi32, #tpu.memory_space<vmem>>)
        tpu.yield
      }) : () -> ()
      %get3A = arith.constant 0 : index
      %get3A_5 = tpu.vector_load %arg6[%get3A] {strides = array<i32>} : memref<16xi32, #tpu.memory_space<vmem>>, vector<16xi32>,
      %iota3A = tpu.iota {dimensions = array<i32: 0>} : vector<16xi32>
      %eq3A = arith.constant 0 : i32
      %eq3A_6 = vector.broadcast %eq3A : i32 to vector<16xi32>
      %eq3A_7 = arith.cmpi eq, %iota3A, %eq3A_6 : vector<16xi32>
      %jit3A = arith.constant -1 : i32
      %broadcast_in_dim3A = vector.broadcast %jit3A : i32 to vector<16xi32>
      %select_n3A = arith.select %eq3A_7, %get3A_5, %broadcast_in_dim3A : vector<16xi1>, vector<16xi32>
      %reduce_max3A = arith.constant true
      %reduce_max3A_8 = vector.broadcast %reduce_max3A : i1 to vector<16xi1>
      %reduce_max3A_9 = arith.constant -2147483648 : i32
      %reduce_max3A_10 = vector.broadcast %reduce_max3A_9 : i32 to vector<16xi32>
      %reduce_max3A_11 = arith.xori %select_n3A, %reduce_max3A_10 : vector<16xi32>
      %reduce_max3A_12 = tpu.scan <max>, %reduce_max3A_11 masked %reduce_max3A_8 : vector<16xi32>, vector<16xi1> -> vector<16xi32>
      %reduce_max3A_13 = arith.xori %reduce_max3A_12, %reduce_max3A_10 : vector<16xi32>
      %reduce_max3A_14 = vector.extract %reduce_max3A_13[15] : i32 from vector<16xi32>
      %multiple_of3A = tpu.assume_multiple %reduce_max3A_14, 128 : i32
      %add3A_15 = arith.constant 0 : i32
      %add3A_16 = arith.addi %mul3A_4, %add3A_15 : i32
      %dma_start3A = arith.constant 0 : i32
      %dma_start3A_17 = arith.constant 0 : i32
      %dma_start3A_18 = arith.constant 0 : i32
      %dma_start3A_19 = tpu.memref_slice %arg8[%dma_start3A, %dma_start3A_17, %dma_start3A_18] : memref<16x8x128xf32, #tpu.memory_space<vmem>> -> memref<1x8x128xf32, #tpu.memory_space<vmem>>
      %dma_start3A_20 = tpu.memref_squeeze %dma_start3A_19 : memref<1x8x128xf32, #tpu.memory_space<vmem>> -> memref<8x128xf32, #tpu.memory_space<vmem>>
      %dma_start3A_21 = tpu.memref_slice %arg2[%add3A_16, %multiple_of3A] : memref<128x100000xf32, #tpu.memory_space<hbm>> -> memref<8x128xf32, #tpu.memory_space<hbm>>
      %dma_start3A_22 = arith.constant 0 : i32
      %dma_start3A_23 = arith.constant 0 : i32
      %dma_start3A_24 = tpu.memref_slice %arg8[%dma_start3A, %dma_start3A_22, %dma_start3A_23] : memref<16x8x128xf32, #tpu.memory_space<vmem>> -> memref<1x8x128xf32, #tpu.memory_space<vmem>>
      %dma_start3A_25 = tpu.memref_squeeze %dma_start3A_24 : memref<1x8x128xf32, #tpu.memory_space<vmem>> -> memref<8x128xf32, #tpu.memory_space<vmem>>
      %dma_start3A_26 = tpu.memref_slice %arg2[%add3A_16, %multiple_of3A] : memref<128x100000xf32, #tpu.memory_space<hbm>> -> memref<8x128xf32, #tpu.memory_space<hbm>>
      tpu.enqueue_dma source(%dma_start3A_26 : memref<8x128xf32, #tpu.memory_space<hbm>>) target(%dma_start3A_25 : memref<8x128xf32, #tpu.memory_space<vmem>>) target_semaphore(%arg10 : memref<!tpu.dma_semaphore, #tpu.memory_space<semaphore_mem>>)
      %eq3A_27 = arith.constant 1 : i32
      %eq3A_28 = vector.broadcast %eq3A_27 : i32 to vector<16xi32>
      %eq3A_29 = arith.cmpi eq, %iota3A, %eq3A_28 : vector<16xi32>
      %jit3A_30 = arith.constant -1 : i32
      %broadcast_in_dim3A_31 = vector.broadcast %jit3A_30 : i32 to vector<16xi32>
      %select_n3A_32 = arith.select %eq3A_29, %get3A_5, %broadcast_in_dim3A_31 : vector<16xi1>, vector<16xi32>
      %reduce_max3A_33 = arith.constant true
      %reduce_max3A_34 = vector.broadcast %reduce_max3A_33 : i1 to vector<16xi1>
      %reduce_max3A_35 = arith.constant -2147483648 : i32
      %reduce_max3A_36 = vector.broadcast %reduce_max3A_35 : i32 to vector<16xi32>
      %reduce_max3A_37 = arith.xori %select_n3A_32, %reduce_max3A_36 : vector<16xi32>
      %reduce_max3A_38 = tpu.scan <max>, %reduce_max3A_37 masked %reduce_max3A_34 : vector<16xi32>, vector<16xi1> -> vector<16xi32>
      %reduce_max3A_39 = arith.xori %reduce_max3A_38, %reduce_max3A_36 : vector<16xi32>
      %reduce_max3A_40 = vector.extract %reduce_max3A_39[15] : i32 from vector<16xi32>
      %multiple_of3A_41 = tpu.assume_multiple %reduce_max3A_40, 128 : i32
      %add3A_42 = arith.constant 0 : i32
      %add3A_43 = arith.addi %mul3A_4, %add3A_42 : i32
      %dma_start3A_44 = arith.constant 1 : i32
      %dma_start3A_45 = arith.constant 0 : i32
      %dma_start3A_46 = arith.constant 0 : i32
      %dma_start3A_47 = tpu.memref_slice %arg8[%dma_start3A_44, %dma_start3A_45, %dma_start3A_46] : memref<16x8x128xf32, #tpu.memory_space<vmem>> -> memref<1x8x128xf32, #tpu.memory_space<vmem>>
      %dma_start3A_48 = tpu.memref_squeeze %dma_start3A_47 : memref<1x8x128xf32, #tpu.memory_space<vmem>> -> memref<8x128xf32, #tpu.memory_space<vmem>>
      %dma_start3A_49 = tpu.memref_slice %arg2[%add3A_43, %multiple_of3A_41] : memref<128x100000xf32, #tpu.memory_space<hbm>> -> memref<8x128xf32, #tpu.memory_space<hbm>>
      %dma_start3A_50 = arith.constant 0 : i32
      %dma_start3A_51 = arith.constant 0 : i32
      %dma_start3A_52 = tpu.memref_slice %arg8[%dma_start3A_44, %dma_start3A_50, %dma_start3A_51] : memref<16x8x128xf32, #tpu.memory_space<vmem>> -> memref<1x8x128xf32, #tpu.memory_space<vmem>>
      %dma_start3A_53 = tpu.memref_squeeze %dma_start3A_52 : memref<1x8x128xf32, #tpu.memory_space<vmem>> -> memref<8x128xf32, #tpu.memory_space<vmem>>
      %dma_start3A_54 = tpu.memref_slice %arg2[%add3A_43, %multiple_of3A_41] : memref<128x100000xf32, #tpu.memory_space<hbm>> -> memref<8x128xf32, #tpu.memory_space<hbm>>
      tpu.enqueue_dma source(%dma_start3A_54 : memref<8x128xf32, #tpu.memory_space<hbm>>) target(%dma_start3A_53 : memref<8x128xf32, #tpu.memory_space<vmem>>) target_semaphore(%arg10 : memref<!tpu.dma_semaphore, #tpu.memory_space<semaphore_mem>>)
      %eq3A_55 = arith.constant 2 : i32
      %eq3A_56 = vector.broadcast %eq3A_55 : i32 to vector<16xi32>
      %eq3A_57 = arith.cmpi eq, %iota3A, %eq3A_56 : vector<16xi32>
      %jit3A_58 = arith.constant -1 : i32
      %broadcast_in_dim3A_59 = vector.broadcast %jit3A_58 : i32 to vector<16xi32>
      %select_n3A_60 = arith.select %eq3A_57, %get3A_5, %broadcast_in_dim3A_59 : vector<16xi1>, vector<16xi32>
      %reduce_max3A_61 = arith.constant true
      %reduce_max3A_62 = vector.broadcast %reduce_max3A_61 : i1 to vector<16xi1>
      %reduce_max3A_63 = arith.constant -2147483648 : i32
      %reduce_max3A_64 = vector.broadcast %reduce_max3A_63 : i32 to vector<16xi32>
      %reduce_max3A_65 = arith.xori %select_n3A_60, %reduce_max3A_64 : vector<16xi32>
      %reduce_max3A_66 = tpu.scan <max>, %reduce_max3A_65 masked %reduce_max3A_62 : vector<16xi32>, vector<16xi1> -> vector<16xi32>
      %reduce_max3A_67 = arith.xori %reduce_max3A_66, %reduce_max3A_64 : vector<16xi32>
      %reduce_max3A_68 = vector.extract %reduce_max3A_67[15] : i32 from vector<16xi32>
      %multiple_of3A_69 = tpu.assume_multiple %reduce_max3A_68, 128 : i32
      %add3A_70 = arith.constant 0 : i32
      %add3A_71 = arith.addi %mul3A_4, %add3A_70 : i32
      %dma_start3A_72 = arith.constant 2 : i32
      %dma_start3A_73 = arith.constant 0 : i32
      %dma_start3A_74 = arith.constant 0 : i32
      %dma_start3A_75 = tpu.memref_slice %arg8[%dma_start3A_72, %dma_start3A_73, %dma_start3A_74] : memref<16x8x128xf32, #tpu.memory_space<vmem>> -> memref<1x8x128xf32, #tpu.memory_space<vmem>>
      %dma_start3A_76 = tpu.memref_squeeze %dma_start3A_75 : memref<1x8x128xf32, #tpu.memory_space<vmem>> -> memref<8x128xf32, #tpu.memory_space<vmem>>
      %dma_start3A_77 = tpu.memref_slice %arg2[%add3A_71, %multiple_of3A_69] : memref<128x100000xf32, #tpu.memory_space<hbm>> -> memref<8x128xf32, #tpu.memory_space<hbm>>
      %dma_start3A_78 = arith.constant 0 : i32
      %dma_start3A_79 = arith.constant 0 : i32
      %dma_start3A_80 = tpu.memref_slice %arg8[%dma_start3A_72, %dma_start3A_78, %dma_start3A_79] : memref<16x8x128xf32, #tpu.memory_space<vmem>> -> memref<1x8x128xf32, #tpu.memory_space<vmem>>
      %dma_start3A_81 = tpu.memref_squeeze %dma_start3A_80 : memref<1x8x128xf32, #tpu.memory_space<vmem>> -> memref<8x128xf32, #tpu.memory_space<vmem>>
      %dma_start3A_82 = tpu.memref_slice %arg2[%add3A_71, %multiple_of3A_69] : memref<128x100000xf32, #tpu.memory_space<hbm>> -> memref<8x128xf32, #tpu.memory_space<hbm>>
      tpu.enqueue_dma source(%dma_start3A_82 : memref<8x128xf32, #tpu.memory_space<hbm>>) target(%dma_start3A_81 : memref<8x128xf32, #tpu.memory_space<vmem>>) target_semaphore(%arg10 : memref<!tpu.dma_semaphore, #tpu.memory_space<semaphore_mem>>)
      %eq3A_83 = arith.constant 3 : i32
      %eq3A_84 = vector.broadcast %eq3A_83 : i32 to vector<16xi32>
      %eq3A_85 = arith.cmpi eq, %iota3A, %eq3A_84 : vector<16xi32>
      %jit3A_86 = arith.constant -1 : i32
      %broadcast_in_dim3A_87 = vector.broadcast %jit3A_86 : i32 to vector<16xi32>
      %select_n3A_88 = arith.select %eq3A_85, %get3A_5, %broadcast_in_dim3A_87 : vector<16xi1>, vector<16xi32>
      %reduce_max3A_89 = arith.constant true
      %reduce_max3A_90 = vector.broadcast %reduce_max3A_89 : i1 to vector<16xi1>
      %reduce_max3A_91 = arith.constant -2147483648 : i32
      %reduce_max3A_92 = vector.broadcast %reduce_max3A_91 : i32 to vector<16xi32>
      %reduce_max3A_93 = arith.xori %select_n3A_88, %reduce_max3A_92 : vector<16xi32>
      %reduce_max3A_94 = tpu.scan <max>, %reduce_max3A_93 masked %reduce_max3A_90 : vector<16xi32>, vector<16xi1> -> vector<16xi32>
      %reduce_max3A_95 = arith.xori %reduce_max3A_94, %reduce_max3A_92 : vector<16xi32>
      %reduce_max3A_96 = vector.extract %reduce_max3A_95[15] : i32 from vector<16xi32>
      %multiple_of3A_97 = tpu.assume_multiple %reduce_max3A_96, 128 : i32
      %add3A_98 = arith.constant 0 : i32
      %add3A_99 = arith.addi %mul3A_4, %add3A_98 : i32
      %dma_start3A_100 = arith.constant 3 : i32
      %dma_start3A_101 = arith.constant 0 : i32
      %dma_start3A_102 = arith.constant 0 : i32
      %dma_start3A_103 = tpu.memref_slice %arg8[%dma_start3A_100, %dma_start3A_101, %dma_start3A_102] : memref<16x8x128xf32, #tpu.memory_space<vmem>> -> memref<1x8x128xf32, #tpu.memory_space<vmem>>
      %dma_start3A_104 = tpu.memref_squeeze %dma_start3A_103 : memref<1x8x128xf32, #tpu.memory_space<vmem>> -> memref<8x128xf32, #tpu.memory_space<vmem>>
      %dma_start3A_105 = tpu.memref_slice %arg2[%add3A_99, %multiple_of3A_97] : memref<128x100000xf32, #tpu.memory_space<hbm>> -> memref<8x128xf32, #tpu.memory_space<hbm>>
      %dma_start3A_106 = arith.constant 0 : i32
      %dma_start3A_107 = arith.constant 0 : i32
      %dma_start3A_108 = tpu.memref_slice %arg8[%dma_start3A_100, %dma_start3A_106, %dma_start3A_107] : memref<16x8x128xf32, #tpu.memory_space<vmem>> -> memref<1x8x128xf32, #tpu.memory_space<vmem>>
      %dma_start3A_109 = tpu.memref_squeeze %dma_start3A_108 : memref<1x8x128xf32, #tpu.memory_space<vmem>> -> memref<8x128xf32, #tpu.memory_space<vmem>>
      %dma_start3A_110 = tpu.memref_slice %arg2[%add3A_99, %multiple_of3A_97] : memref<128x100000xf32, #tpu.memory_space<hbm>> -> memref<8x128xf32, #tpu.memory_space<hbm>>
      tpu.enqueue_dma source(%dma_start3A_110 : memref<8x128xf32, #tpu.memory_space<hbm>>) target(%dma_start3A_109 : memref<8x128xf32, #tpu.memory_space<vmem>>) target_semaphore(%arg10 : memref<!tpu.dma_semaphore, #tpu.memory_space<semaphore_mem>>)
      %eq3A_111 = arith.constant 4 : i32
      %eq3A_112 = vector.broadcast %eq3A_111 : i32 to vector<16xi32>
      %eq3A_113 = arith.cmpi eq, %iota3A, %eq3A_112 : vector<16xi32>
      %jit3A_114 = arith.constant -1 : i32
      %broadcast_in_dim3A_115 = vector.broadcast %jit3A_114 : i32 to vector<16xi32>
      %select_n3A_116 = arith.select %eq3A_113, %get3A_5, %broadcast_in_dim3A_115 : vector<16xi1>, vector<16xi32>
      %reduce_max3A_117 = arith.constant true
      %reduce_max3A_118 = vector.broadcast %reduce_max3A_117 : i1 to vector<16xi1>
      %reduce_max3A_119 = arith.constant -2147483648 : i32
      %reduce_max3A_120 = vector.broadcast %reduce_max3A_119 : i32 to vector<16xi32>
      %reduce_max3A_121 = arith.xori %select_n3A_116, %reduce_max3A_120 : vector<16xi32>
      %reduce_max3A_122 = tpu.scan <max>, %reduce_max3A_121 masked %reduce_max3A_118 : vector<16xi32>, vector<16xi1> -> vector<16xi32>
      %reduce_max3A_123 = arith.xori %reduce_max3A_122, %reduce_max3A_120 : vector<16xi32>
      %reduce_max3A_124 = vector.extract %reduce_max3A_123[15] : i32 from vector<16xi32>
      %multiple_of3A_125 = tpu.assume_multiple %reduce_max3A_124, 128 : i32
      %add3A_126 = arith.constant 0 : i32
      %add3A_127 = arith.addi %mul3A_4, %add3A_126 : i32
      %dma_start3A_128 = arith.constant 4 : i32
      %dma_start3A_129 = arith.constant 0 : i32
      %dma_start3A_130 = arith.constant 0 : i32
      %dma_start3A_131 = tpu.memref_slice %arg8[%dma_start3A_128, %dma_start3A_129, %dma_start3A_130] : memref<16x8x128xf32, #tpu.memory_space<vmem>> -> memref<1x8x128xf32, #tpu.memory_space<vmem>>
      %dma_start3A_132 = tpu.memref_squeeze %dma_start3A_131 : memref<1x8x128xf32, #tpu.memory_space<vmem>> -> memref<8x128xf32, #tpu.memory_space<vmem>>
      %dma_start3A_133 = tpu.memref_slice %arg2[%add3A_127, %multiple_of3A_125] : memref<128x100000xf32, #tpu.memory_space<hbm>> -> memref<8x128xf32, #tpu.memory_space<hbm>>
      %dma_start3A_134 = arith.constant 0 : i32
      %dma_start3A_135 = arith.constant 0 : i32
      %dma_start3A_136 = tpu.memref_slice %arg8[%dma_start3A_128, %dma_start3A_134, %dma_start3A_135] : memref<16x8x128xf32, #tpu.memory_space<vmem>> -> memref<1x8x128xf32, #tpu.memory_space<vmem>>
      %dma_start3A_137 = tpu.memref_squeeze %dma_start3A_136 : memref<1x8x128xf32, #tpu.memory_space<vmem>> -> memref<8x128xf32, #tpu.memory_space<vmem>>
      %dma_start3A_138 = tpu.memref_slice %arg2[%add3A_127, %multiple_of3A_125] : memref<128x100000xf32, #tpu.memory_space<hbm>> -> memref<8x128xf32, #tpu.memory_space<hbm>>
      tpu.enqueue_dma source(%dma_start3A_138 : memref<8x128xf32, #tpu.memory_space<hbm>>) target(%dma_start3A_137 : memref<8x128xf32, #tpu.memory_space<vmem>>) target_semaphore(%arg10 : memref<!tpu.dma_semaphore, #tpu.memory_space<semaphore_mem>>)
      %eq3A_139 = arith.constant 5 : i32
      %eq3A_140 = vector.broadcast %eq3A_139 : i32 to vector<16xi32>
      %eq3A_141 = arith.cmpi eq, %iota3A, %eq3A_140 : vector<16xi32>
      %jit3A_142 = arith.constant -1 : i32
      %broadcast_in_dim3A_143 = vector.broadcast %jit3A_142 : i32 to vector<16xi32>
      %select_n3A_144 = arith.select %eq3A_141, %get3A_5, %broadcast_in_dim3A_143 : vector<16xi1>, vector<16xi32>
      %reduce_max3A_145 = arith.constant true
      %reduce_max3A_146 = vector.broadcast %reduce_max3A_145 : i1 to vector<16xi1>
      %reduce_max3A_147 = arith.constant -2147483648 : i32
      %reduce_max3A_148 = vector.broadcast %reduce_max3A_147 : i32 to vector<16xi32>
      %reduce_max3A_149 = arith.xori %select_n3A_144, %reduce_max3A_148 : vector<16xi32>
      %reduce_max3A_150 = tpu.scan <max>, %reduce_max3A_149 masked %reduce_max3A_146 : vector<16xi32>, vector<16xi1> -> vector<16xi32>
      %reduce_max3A_151 = arith.xori %reduce_max3A_150, %reduce_max3A_148 : vector<16xi32>
      %reduce_max3A_152 = vector.extract %reduce_max3A_151[15] : i32 from vector<16xi32>
      %multiple_of3A_153 = tpu.assume_multiple %reduce_max3A_152, 128 : i32
      %add3A_154 = arith.constant 0 : i32
      %add3A_155 = arith.addi %mul3A_4, %add3A_154 : i32
      %dma_start3A_156 = arith.constant 5 : i32
      %dma_start3A_157 = arith.constant 0 : i32
      %dma_start3A_158 = arith.constant 0 : i32
      %dma_start3A_159 = tpu.memref_slice %arg8[%dma_start3A_156, %dma_start3A_157, %dma_start3A_158] : memref<16x8x128xf32, #tpu.memory_space<vmem>> -> memref<1x8x128xf32, #tpu.memory_space<vmem>>
      %dma_start3A_160 = tpu.memref_squeeze %dma_start3A_159 : memref<1x8x128xf32, #tpu.memory_space<vmem>> -> memref<8x128xf32, #tpu.memory_space<vmem>>
      %dma_start3A_161 = tpu.memref_slice %arg2[%add3A_155, %multiple_of3A_153] : memref<128x100000xf32, #tpu.memory_space<hbm>> -> memref<8x128xf32, #tpu.memory_space<hbm>>
      %dma_start3A_162 = arith.constant 0 : i32
      %dma_start3A_163 = arith.constant 0 : i32
      %dma_start3A_164 = tpu.memref_slice %arg8[%dma_start3A_156, %dma_start3A_162, %dma_start3A_163] : memref<16x8x128xf32, #tpu.memory_space<vmem>> -> memref<1x8x128xf32, #tpu.memory_space<vmem>>
      %dma_start3A_165 = tpu.memref_squeeze %dma_start3A_164 : memref<1x8x128xf32, #tpu.memory_space<vmem>> -> memref<8x128xf32, #tpu.memory_space<vmem>>
      %dma_start3A_166 = tpu.memref_slice %arg2[%add3A_155, %multiple_of3A_153] : memref<128x100000xf32, #tpu.memory_space<hbm>> -> memref<8x128xf32, #tpu.memory_space<hbm>>
      tpu.enqueue_dma source(%dma_start3A_166 : memref<8x128xf32, #tpu.memory_space<hbm>>) target(%dma_start3A_165 : memref<8x128xf32, #tpu.memory_space<vmem>>) target_semaphore(%arg10 : memref<!tpu.dma_semaphore, #tpu.memory_space<semaphore_mem>>)
      %eq3A_167 = arith.constant 6 : i32
      %eq3A_168 = vector.broadcast %eq3A_167 : i32 to vector<16xi32>
      %eq3A_169 = arith.cmpi eq, %iota3A, %eq3A_168 : vector<16xi32>
      %jit3A_170 = arith.constant -1 : i32
      %broadcast_in_dim3A_171 = vector.broadcast %jit3A_170 : i32 to vector<16xi32>
      %select_n3A_172 = arith.select %eq3A_169, %get3A_5, %broadcast_in_dim3A_171 : vector<16xi1>, vector<16xi32>
      %reduce_max3A_173 = arith.constant true
      %reduce_max3A_174 = vector.broadcast %reduce_max3A_173 : i1 to vector<16xi1>
      %reduce_max3A_175 = arith.constant -2147483648 : i32
      %reduce_max3A_176 = vector.broadcast %reduce_max3A_175 : i32 to vector<16xi32>
      %reduce_max3A_177 = arith.xori %select_n3A_172, %reduce_max3A_176 : vector<16xi32>
      %reduce_max3A_178 = tpu.scan <max>, %reduce_max3A_177 masked %reduce_max3A_174 : vector<16xi32>, vector<16xi1> -> vector<16xi32>
      %reduce_max3A_179 = arith.xori %reduce_max3A_178, %reduce_max3A_176 : vector<16xi32>
      %reduce_max3A_180 = vector.extract %reduce_max3A_179[15] : i32 from vector<16xi32>
      %multiple_of3A_181 = tpu.assume_multiple %reduce_max3A_180, 128 : i32
      %add3A_182 = arith.constant 0 : i32
      %add3A_183 = arith.addi %mul3A_4, %add3A_182 : i32
      %dma_start3A_184 = arith.constant 6 : i32
      %dma_start3A_185 = arith.constant 0 : i32
      %dma_start3A_186 = arith.constant 0 : i32
      %dma_start3A_187 = tpu.memref_slice %arg8[%dma_start3A_184, %dma_start3A_185, %dma_start3A_186] : memref<16x8x128xf32, #tpu.memory_space<vmem>> -> memref<1x8x128xf32, #tpu.memory_space<vmem>>
      %dma_start3A_188 = tpu.memref_squeeze %dma_start3A_187 : memref<1x8x128xf32, #tpu.memory_space<vmem>> -> memref<8x128xf32, #tpu.memory_space<vmem>>
      %dma_start3A_189 = tpu.memref_slice %arg2[%add3A_183, %multiple_of3A_181] : memref<128x100000xf32, #tpu.memory_space<hbm>> -> memref<8x128xf32, #tpu.memory_space<hbm>>
      %dma_start3A_190 = arith.constant 0 : i32
      %dma_start3A_191 = arith.constant 0 : i32
      %dma_start3A_192 = tpu.memref_slice %arg8[%dma_start3A_184, %dma_start3A_190, %dma_start3A_191] : memref<16x8x128xf32, #tpu.memory_space<vmem>> -> memref<1x8x128xf32, #tpu.memory_space<vmem>>
      %dma_start3A_193 = tpu.memref_squeeze %dma_start3A_192 : memref<1x8x128xf32, #tpu.memory_space<vmem>> -> memref<8x128xf32, #tpu.memory_space<vmem>>
      %dma_start3A_194 = tpu.memref_slice %arg2[%add3A_183, %multiple_of3A_181] : memref<128x100000xf32, #tpu.memory_space<hbm>> -> memref<8x128xf32, #tpu.memory_space<hbm>>
      tpu.enqueue_dma source(%dma_start3A_194 : memref<8x128xf32, #tpu.memory_space<hbm>>) target(%dma_start3A_193 : memref<8x128xf32, #tpu.memory_space<vmem>>) target_semaphore(%arg10 : memref<!tpu.dma_semaphore, #tpu.memory_space<semaphore_mem>>)
      %eq3A_195 = arith.constant 7 : i32
      %eq3A_196 = vector.broadcast %eq3A_195 : i32 to vector<16xi32>
      %eq3A_197 = arith.cmpi eq, %iota3A, %eq3A_196 : vector<16xi32>
      %jit3A_198 = arith.constant -1 : i32
      %broadcast_in_dim3A_199 = vector.broadcast %jit3A_198 : i32 to vector<16xi32>
      %select_n3A_200 = arith.select %eq3A_197, %get3A_5, %broadcast_in_dim3A_199 : vector<16xi1>, vector<16xi32>
      %reduce_max3A_201 = arith.constant true
      %reduce_max3A_202 = vector.broadcast %reduce_max3A_201 : i1 to vector<16xi1>
      %reduce_max3A_203 = arith.constant -2147483648 : i32
      %reduce_max3A_204 = vector.broadcast %reduce_max3A_203 : i32 to vector<16xi32>
      %reduce_max3A_205 = arith.xori %select_n3A_200, %reduce_max3A_204 : vector<16xi32>
      %reduce_max3A_206 = tpu.scan <max>, %reduce_max3A_205 masked %reduce_max3A_202 : vector<16xi32>, vector<16xi1> -> vector<16xi32>
      %reduce_max3A_207 = arith.xori %reduce_max3A_206, %reduce_max3A_204 : vector<16xi32>
      %reduce_max3A_208 = vector.extract %reduce_max3A_207[15] : i32 from vector<16xi32>
      %multiple_of3A_209 = tpu.assume_multiple %reduce_max3A_208, 128 : i32
      %add3A_210 = arith.constant 0 : i32
      %add3A_211 = arith.addi %mul3A_4, %add3A_210 : i32
      %dma_start3A_212 = arith.constant 7 : i32
      %dma_start3A_213 = arith.constant 0 : i32
      %dma_start3A_214 = arith.constant 0 : i32
      %dma_start3A_215 = tpu.memref_slice %arg8[%dma_start3A_212, %dma_start3A_213, %dma_start3A_214] : memref<16x8x128xf32, #tpu.memory_space<vmem>> -> memref<1x8x128xf32, #tpu.memory_space<vmem>>
      %dma_start3A_216 = tpu.memref_squeeze %dma_start3A_215 : memref<1x8x128xf32, #tpu.memory_space<vmem>> -> memref<8x128xf32, #tpu.memory_space<vmem>>
      %dma_start3A_217 = tpu.memref_slice %arg2[%add3A_211, %multiple_of3A_209] : memref<128x100000xf32, #tpu.memory_space<hbm>> -> memref<8x128xf32, #tpu.memory_space<hbm>>
      %dma_start3A_218 = arith.constant 0 : i32
      %dma_start3A_219 = arith.constant 0 : i32
      %dma_start3A_220 = tpu.memref_slice %arg8[%dma_start3A_212, %dma_start3A_218, %dma_start3A_219] : memref<16x8x128xf32, #tpu.memory_space<vmem>> -> memref<1x8x128xf32, #tpu.memory_space<vmem>>
      %dma_start3A_221 = tpu.memref_squeeze %dma_start3A_220 : memref<1x8x128xf32, #tpu.memory_space<vmem>> -> memref<8x128xf32, #tpu.memory_space<vmem>>
      %dma_start3A_222 = tpu.memref_slice %arg2[%add3A_211, %multiple_of3A_209] : memref<128x100000xf32, #tpu.memory_space<hbm>> -> memref<8x128xf32, #tpu.memory_space<hbm>>
      tpu.enqueue_dma source(%dma_start3A_222 : memref<8x128xf32, #tpu.memory_space<hbm>>) target(%dma_start3A_221 : memref<8x128xf32, #tpu.memory_space<vmem>>) target_semaphore(%arg10 : memref<!tpu.dma_semaphore, #tpu.memory_space<semaphore_mem>>)
      %eq3A_223 = arith.constant 8 : i32
      %eq3A_224 = vector.broadcast %eq3A_223 : i32 to vector<16xi32>
      %eq3A_225 = arith.cmpi eq, %iota3A, %eq3A_224 : vector<16xi32>
      %jit3A_226 = arith.constant -1 : i32
      %broadcast_in_dim3A_227 = vector.broadcast %jit3A_226 : i32 to vector<16xi32>
      %select_n3A_228 = arith.select %eq3A_225, %get3A_5, %broadcast_in_dim3A_227 : vector<16xi1>, vector<16xi32>
      %reduce_max3A_229 = arith.constant true
      %reduce_max3A_230 = vector.broadcast %reduce_max3A_229 : i1 to vector<16xi1>
      %reduce_max3A_231 = arith.constant -2147483648 : i32
      %reduce_max3A_232 = vector.broadcast %reduce_max3A_231 : i32 to vector<16xi32>
      %reduce_max3A_233 = arith.xori %select_n3A_228, %reduce_max3A_232 : vector<16xi32>
      %reduce_max3A_234 = tpu.scan <max>, %reduce_max3A_233 masked %reduce_max3A_230 : vector<16xi32>, vector<16xi1> -> vector<16xi32>
      %reduce_max3A_235 = arith.xori %reduce_max3A_234, %reduce_max3A_232 : vector<16xi32>
      %reduce_max3A_236 = vector.extract %reduce_max3A_235[15] : i32 from vector<16xi32>
      %multiple_of3A_237 = tpu.assume_multiple %reduce_max3A_236, 128 : i32
      %add3A_238 = arith.constant 8 : i32
      %add3A_239 = arith.addi %mul3A_4, %add3A_238 : i32
      %dma_start3A_240 = arith.constant 8 : i32
      %dma_start3A_241 = arith.constant 0 : i32
      %dma_start3A_242 = arith.constant 0 : i32
      %dma_start3A_243 = tpu.memref_slice %arg8[%dma_start3A_240, %dma_start3A_241, %dma_start3A_242] : memref<16x8x128xf32, #tpu.memory_space<vmem>> -> memref<1x8x128xf32, #tpu.memory_space<vmem>>
      %dma_start3A_244 = tpu.memref_squeeze %dma_start3A_243 : memref<1x8x128xf32, #tpu.memory_space<vmem>> -> memref<8x128xf32, #tpu.memory_space<vmem>>
      %dma_start3A_245 = tpu.memref_slice %arg2[%add3A_239, %multiple_of3A_237] : memref<128x100000xf32, #tpu.memory_space<hbm>> -> memref<8x128xf32, #tpu.memory_space<hbm>>
      %dma_start3A_246 = arith.constant 0 : i32
      %dma_start3A_247 = arith.constant 0 : i32
      %dma_start3A_248 = tpu.memref_slice %arg8[%dma_start3A_240, %dma_start3A_246, %dma_start3A_247] : memref<16x8x128xf32, #tpu.memory_space<vmem>> -> memref<1x8x128xf32, #tpu.memory_space<vmem>>
      %dma_start3A_249 = tpu.memref_squeeze %dma_start3A_248 : memref<1x8x128xf32, #tpu.memory_space<vmem>> -> memref<8x128xf32, #tpu.memory_space<vmem>>
      %dma_start3A_250 = tpu.memref_slice %arg2[%add3A_239, %multiple_of3A_237] : memref<128x100000xf32, #tpu.memory_space<hbm>> -> memref<8x128xf32, #tpu.memory_space<hbm>>
      tpu.enqueue_dma source(%dma_start3A_250 : memref<8x128xf32, #tpu.memory_space<hbm>>) target(%dma_start3A_249 : memref<8x128xf32, #tpu.memory_space<vmem>>) target_semaphore(%arg10 : memref<!tpu.dma_semaphore, #tpu.memory_space<semaphore_mem>>)
      %eq3A_251 = arith.constant 9 : i32
      %eq3A_252 = vector.broadcast %eq3A_251 : i32 to vector<16xi32>
      %eq3A_253 = arith.cmpi eq, %iota3A, %eq3A_252 : vector<16xi32>
      %jit3A_254 = arith.constant -1 : i32
      %broadcast_in_dim3A_255 = vector.broadcast %jit3A_254 : i32 to vector<16xi32>
      %select_n3A_256 = arith.select %eq3A_253, %get3A_5, %broadcast_in_dim3A_255 : vector<16xi1>, vector<16xi32>
      %reduce_max3A_257 = arith.constant true
      %reduce_max3A_258 = vector.broadcast %reduce_max3A_257 : i1 to vector<16xi1>
      %reduce_max3A_259 = arith.constant -2147483648 : i32
      %reduce_max3A_260 = vector.broadcast %reduce_max3A_259 : i32 to vector<16xi32>
      %reduce_max3A_261 = arith.xori %select_n3A_256, %reduce_max3A_260 : vector<16xi32>
      %reduce_max3A_262 = tpu.scan <max>, %reduce_max3A_261 masked %reduce_max3A_258 : vector<16xi32>, vector<16xi1> -> vector<16xi32>
      %reduce_max3A_263 = arith.xori %reduce_max3A_262, %reduce_max3A_260 : vector<16xi32>
      %reduce_max3A_264 = vector.extract %reduce_max3A_263[15] : i32 from vector<16xi32>
      %multiple_of3A_265 = tpu.assume_multiple %reduce_max3A_264, 128 : i32
      %add3A_266 = arith.constant 8 : i32
      %add3A_267 = arith.addi %mul3A_4, %add3A_266 : i32
      %dma_start3A_268 = arith.constant 9 : i32
      %dma_start3A_269 = arith.constant 0 : i32
      %dma_start3A_270 = arith.constant 0 : i32
      %dma_start3A_271 = tpu.memref_slice %arg8[%dma_start3A_268, %dma_start3A_269, %dma_start3A_270] : memref<16x8x128xf32, #tpu.memory_space<vmem>> -> memref<1x8x128xf32, #tpu.memory_space<vmem>>
      %dma_start3A_272 = tpu.memref_squeeze %dma_start3A_271 : memref<1x8x128xf32, #tpu.memory_space<vmem>> -> memref<8x128xf32, #tpu.memory_space<vmem>>
      %dma_start3A_273 = tpu.memref_slice %arg2[%add3A_267, %multiple_of3A_265] : memref<128x100000xf32, #tpu.memory_space<hbm>> -> memref<8x128xf32, #tpu.memory_space<hbm>>
      %dma_start3A_274 = arith.constant 0 : i32
      %dma_start3A_275 = arith.constant 0 : i32
      %dma_start3A_276 = tpu.memref_slice %arg8[%dma_start3A_268, %dma_start3A_274, %dma_start3A_275] : memref<16x8x128xf32, #tpu.memory_space<vmem>> -> memref<1x8x128xf32, #tpu.memory_space<vmem>>
      %dma_start3A_277 = tpu.memref_squeeze %dma_start3A_276 : memref<1x8x128xf32, #tpu.memory_space<vmem>> -> memref<8x128xf32, #tpu.memory_space<vmem>>
      %dma_start3A_278 = tpu.memref_slice %arg2[%add3A_267, %multiple_of3A_265] : memref<128x100000xf32, #tpu.memory_space<hbm>> -> memref<8x128xf32, #tpu.memory_space<hbm>>
      tpu.enqueue_dma source(%dma_start3A_278 : memref<8x128xf32, #tpu.memory_space<hbm>>) target(%dma_start3A_277 : memref<8x128xf32, #tpu.memory_space<vmem>>) target_semaphore(%arg10 : memref<!tpu.dma_semaphore, #tpu.memory_space<semaphore_mem>>)
      %eq3A_279 = arith.constant 10 : i32
      %eq3A_280 = vector.broadcast %eq3A_279 : i32 to vector<16xi32>
      %eq3A_281 = arith.cmpi eq, %iota3A, %eq3A_280 : vector<16xi32>
      %jit3A_282 = arith.constant -1 : i32
      %broadcast_in_dim3A_283 = vector.broadcast %jit3A_282 : i32 to vector<16xi32>
      %select_n3A_284 = arith.select %eq3A_281, %get3A_5, %broadcast_in_dim3A_283 : vector<16xi1>, vector<16xi32>
      %reduce_max3A_285 = arith.constant true
      %reduce_max3A_286 = vector.broadcast %reduce_max3A_285 : i1 to vector<16xi1>
      %reduce_max3A_287 = arith.constant -2147483648 : i32
      %reduce_max3A_288 = vector.broadcast %reduce_max3A_287 : i32 to vector<16xi32>
      %reduce_max3A_289 = arith.xori %select_n3A_284, %reduce_max3A_288 : vector<16xi32>
      %reduce_max3A_290 = tpu.scan <max>, %reduce_max3A_289 masked %reduce_max3A_286 : vector<16xi32>, vector<16xi1> -> vector<16xi32>
      %reduce_max3A_291 = arith.xori %reduce_max3A_290, %reduce_max3A_288 : vector<16xi32>
      %reduce_max3A_292 = vector.extract %reduce_max3A_291[15] : i32 from vector<16xi32>
      %multiple_of3A_293 = tpu.assume_multiple %reduce_max3A_292, 128 : i32
      %add3A_294 = arith.constant 8 : i32
      %add3A_295 = arith.addi %mul3A_4, %add3A_294 : i32
      %dma_start3A_296 = arith.constant 10 : i32
      %dma_start3A_297 = arith.constant 0 : i32
      %dma_start3A_298 = arith.constant 0 : i32
      %dma_start3A_299 = tpu.memref_slice %arg8[%dma_start3A_296, %dma_start3A_297, %dma_start3A_298] : memref<16x8x128xf32, #tpu.memory_space<vmem>> -> memref<1x8x128xf32, #tpu.memory_space<vmem>>
      %dma_start3A_300 = tpu.memref_squeeze %dma_start3A_299 : memref<1x8x128xf32, #tpu.memory_space<vmem>> -> memref<8x128xf32, #tpu.memory_space<vmem>>
      %dma_start3A_301 = tpu.memref_slice %arg2[%add3A_295, %multiple_of3A_293] : memref<128x100000xf32, #tpu.memory_space<hbm>> -> memref<8x128xf32, #tpu.memory_space<hbm>>
      %dma_start3A_302 = arith.constant 0 : i32
      %dma_start3A_303 = arith.constant 0 : i32
      %dma_start3A_304 = tpu.memref_slice %arg8[%dma_start3A_296, %dma_start3A_302, %dma_start3A_303] : memref<16x8x128xf32, #tpu.memory_space<vmem>> -> memref<1x8x128xf32, #tpu.memory_space<vmem>>
      %dma_start3A_305 = tpu.memref_squeeze %dma_start3A_304 : memref<1x8x128xf32, #tpu.memory_space<vmem>> -> memref<8x128xf32, #tpu.memory_space<vmem>>
      %dma_start3A_306 = tpu.memref_slice %arg2[%add3A_295, %multiple_of3A_293] : memref<128x100000xf32, #tpu.memory_space<hbm>> -> memref<8x128xf32, #tpu.memory_space<hbm>>
      tpu.enqueue_dma source(%dma_start3A_306 : memref<8x128xf32, #tpu.memory_space<hbm>>) target(%dma_start3A_305 : memref<8x128xf32, #tpu.memory_space<vmem>>) target_semaphore(%arg10 : memref<!tpu.dma_semaphore, #tpu.memory_space<semaphore_mem>>)
      %eq3A_307 = arith.constant 11 : i32
      %eq3A_308 = vector.broadcast %eq3A_307 : i32 to vector<16xi32>
      %eq3A_309 = arith.cmpi eq, %iota3A, %eq3A_308 : vector<16xi32>
      %jit3A_310 = arith.constant -1 : i32
      %broadcast_in_dim3A_311 = vector.broadcast %jit3A_310 : i32 to vector<16xi32>
      %select_n3A_312 = arith.select %eq3A_309, %get3A_5, %broadcast_in_dim3A_311 : vector<16xi1>, vector<16xi32>
      %reduce_max3A_313 = arith.constant true
      %reduce_max3A_314 = vector.broadcast %reduce_max3A_313 : i1 to vector<16xi1>
      %reduce_max3A_315 = arith.constant -2147483648 : i32
      %reduce_max3A_316 = vector.broadcast %reduce_max3A_315 : i32 to vector<16xi32>
      %reduce_max3A_317 = arith.xori %select_n3A_312, %reduce_max3A_316 : vector<16xi32>
      %reduce_max3A_318 = tpu.scan <max>, %reduce_max3A_317 masked %reduce_max3A_314 : vector<16xi32>, vector<16xi1> -> vector<16xi32>
      %reduce_max3A_319 = arith.xori %reduce_max3A_318, %reduce_max3A_316 : vector<16xi32>
      %reduce_max3A_320 = vector.extract %reduce_max3A_319[15] : i32 from vector<16xi32>
      %multiple_of3A_321 = tpu.assume_multiple %reduce_max3A_320, 128 : i32
      %add3A_322 = arith.constant 8 : i32
      %add3A_323 = arith.addi %mul3A_4, %add3A_322 : i32
      %dma_start3A_324 = arith.constant 11 : i32
      %dma_start3A_325 = arith.constant 0 : i32
      %dma_start3A_326 = arith.constant 0 : i32
      %dma_start3A_327 = tpu.memref_slice %arg8[%dma_start3A_324, %dma_start3A_325, %dma_start3A_326] : memref<16x8x128xf32, #tpu.memory_space<vmem>> -> memref<1x8x128xf32, #tpu.memory_space<vmem>>
      %dma_start3A_328 = tpu.memref_squeeze %dma_start3A_327 : memref<1x8x128xf32, #tpu.memory_space<vmem>> -> memref<8x128xf32, #tpu.memory_space<vmem>>
      %dma_start3A_329 = tpu.memref_slice %arg2[%add3A_323, %multiple_of3A_321] : memref<128x100000xf32, #tpu.memory_space<hbm>> -> memref<8x128xf32, #tpu.memory_space<hbm>>
      %dma_start3A_330 = arith.constant 0 : i32
      %dma_start3A_331 = arith.constant 0 : i32
      %dma_start3A_332 = tpu.memref_slice %arg8[%dma_start3A_324, %dma_start3A_330, %dma_start3A_331] : memref<16x8x128xf32, #tpu.memory_space<vmem>> -> memref<1x8x128xf32, #tpu.memory_space<vmem>>
      %dma_start3A_333 = tpu.memref_squeeze %dma_start3A_332 : memref<1x8x128xf32, #tpu.memory_space<vmem>> -> memref<8x128xf32, #tpu.memory_space<vmem>>
      %dma_start3A_334 = tpu.memref_slice %arg2[%add3A_323, %multiple_of3A_321] : memref<128x100000xf32, #tpu.memory_space<hbm>> -> memref<8x128xf32, #tpu.memory_space<hbm>>
      tpu.enqueue_dma source(%dma_start3A_334 : memref<8x128xf32, #tpu.memory_space<hbm>>) target(%dma_start3A_333 : memref<8x128xf32, #tpu.memory_space<vmem>>) target_semaphore(%arg10 : memref<!tpu.dma_semaphore, #tpu.memory_space<semaphore_mem>>)
      %eq3A_335 = arith.constant 12 : i32
      %eq3A_336 = vector.broadcast %eq3A_335 : i32 to vector<16xi32>
      %eq3A_337 = arith.cmpi eq, %iota3A, %eq3A_336 : vector<16xi32>
      %jit3A_338 = arith.constant -1 : i32
      %broadcast_in_dim3A_339 = vector.broadcast %jit3A_338 : i32 to vector<16xi32>
      %select_n3A_340 = arith.select %eq3A_337, %get3A_5, %broadcast_in_dim3A_339 : vector<16xi1>, vector<16xi32>
      %reduce_max3A_341 = arith.constant true
      %reduce_max3A_342 = vector.broadcast %reduce_max3A_341 : i1 to vector<16xi1>
      %reduce_max3A_343 = arith.constant -2147483648 : i32
      %reduce_max3A_344 = vector.broadcast %reduce_max3A_343 : i32 to vector<16xi32>
      %reduce_max3A_345 = arith.xori %select_n3A_340, %reduce_max3A_344 : vector<16xi32>
      %reduce_max3A_346 = tpu.scan <max>, %reduce_max3A_345 masked %reduce_max3A_342 : vector<16xi32>, vector<16xi1> -> vector<16xi32>
      %reduce_max3A_347 = arith.xori %reduce_max3A_346, %reduce_max3A_344 : vector<16xi32>
      %reduce_max3A_348 = vector.extract %reduce_max3A_347[15] : i32 from vector<16xi32>
      %multiple_of3A_349 = tpu.assume_multiple %reduce_max3A_348, 128 : i32
      %add3A_350 = arith.constant 8 : i32
      %add3A_351 = arith.addi %mul3A_4, %add3A_350 : i32
      %dma_start3A_352 = arith.constant 12 : i32
      %dma_start3A_353 = arith.constant 0 : i32
      %dma_start3A_354 = arith.constant 0 : i32
      %dma_start3A_355 = tpu.memref_slice %arg8[%dma_start3A_352, %dma_start3A_353, %dma_start3A_354] : memref<16x8x128xf32, #tpu.memory_space<vmem>> -> memref<1x8x128xf32, #tpu.memory_space<vmem>>
      %dma_start3A_356 = tpu.memref_squeeze %dma_start3A_355 : memref<1x8x128xf32, #tpu.memory_space<vmem>> -> memref<8x128xf32, #tpu.memory_space<vmem>>
      %dma_start3A_357 = tpu.memref_slice %arg2[%add3A_351, %multiple_of3A_349] : memref<128x100000xf32, #tpu.memory_space<hbm>> -> memref<8x128xf32, #tpu.memory_space<hbm>>
      %dma_start3A_358 = arith.constant 0 : i32
      %dma_start3A_359 = arith.constant 0 : i32
      %dma_start3A_360 = tpu.memref_slice %arg8[%dma_start3A_352, %dma_start3A_358, %dma_start3A_359] : memref<16x8x128xf32, #tpu.memory_space<vmem>> -> memref<1x8x128xf32, #tpu.memory_space<vmem>>
      %dma_start3A_361 = tpu.memref_squeeze %dma_start3A_360 : memref<1x8x128xf32, #tpu.memory_space<vmem>> -> memref<8x128xf32, #tpu.memory_space<vmem>>
      %dma_start3A_362 = tpu.memref_slice %arg2[%add3A_351, %multiple_of3A_349] : memref<128x100000xf32, #tpu.memory_space<hbm>> -> memref<8x128xf32, #tpu.memory_space<hbm>>
      tpu.enqueue_dma source(%dma_start3A_362 : memref<8x128xf32, #tpu.memory_space<hbm>>) target(%dma_start3A_361 : memref<8x128xf32, #tpu.memory_space<vmem>>) target_semaphore(%arg10 : memref<!tpu.dma_semaphore, #tpu.memory_space<semaphore_mem>>)
      %eq3A_363 = arith.constant 13 : i32
      %eq3A_364 = vector.broadcast %eq3A_363 : i32 to vector<16xi32>
      %eq3A_365 = arith.cmpi eq, %iota3A, %eq3A_364 : vector<16xi32>
      %jit3A_366 = arith.constant -1 : i32
      %broadcast_in_dim3A_367 = vector.broadcast %jit3A_366 : i32 to vector<16xi32>
      %select_n3A_368 = arith.select %eq3A_365, %get3A_5, %broadcast_in_dim3A_367 : vector<16xi1>, vector<16xi32>
      %reduce_max3A_369 = arith.constant true
      %reduce_max3A_370 = vector.broadcast %reduce_max3A_369 : i1 to vector<16xi1>
      %reduce_max3A_371 = arith.constant -2147483648 : i32
      %reduce_max3A_372 = vector.broadcast %reduce_max3A_371 : i32 to vector<16xi32>
      %reduce_max3A_373 = arith.xori %select_n3A_368, %reduce_max3A_372 : vector<16xi32>
      %reduce_max3A_374 = tpu.scan <max>, %reduce_max3A_373 masked %reduce_max3A_370 : vector<16xi32>, vector<16xi1> -> vector<16xi32>
      %reduce_max3A_375 = arith.xori %reduce_max3A_374, %reduce_max3A_372 : vector<16xi32>
      %reduce_max3A_376 = vector.extract %reduce_max3A_375[15] : i32 from vector<16xi32>
      %multiple_of3A_377 = tpu.assume_multiple %reduce_max3A_376, 128 : i32
      %add3A_378 = arith.constant 8 : i32
      %add3A_379 = arith.addi %mul3A_4, %add3A_378 : i32
      %dma_start3A_380 = arith.constant 13 : i32
      %dma_start3A_381 = arith.constant 0 : i32
      %dma_start3A_382 = arith.constant 0 : i32
      %dma_start3A_383 = tpu.memref_slice %arg8[%dma_start3A_380, %dma_start3A_381, %dma_start3A_382] : memref<16x8x128xf32, #tpu.memory_space<vmem>> -> memref<1x8x128xf32, #tpu.memory_space<vmem>>
      %dma_start3A_384 = tpu.memref_squeeze %dma_start3A_383 : memref<1x8x128xf32, #tpu.memory_space<vmem>> -> memref<8x128xf32, #tpu.memory_space<vmem>>
      %dma_start3A_385 = tpu.memref_slice %arg2[%add3A_379, %multiple_of3A_377] : memref<128x100000xf32, #tpu.memory_space<hbm>> -> memref<8x128xf32, #tpu.memory_space<hbm>>
      %dma_start3A_386 = arith.constant 0 : i32
      %dma_start3A_387 = arith.constant 0 : i32
      %dma_start3A_388 = tpu.memref_slice %arg8[%dma_start3A_380, %dma_start3A_386, %dma_start3A_387] : memref<16x8x128xf32, #tpu.memory_space<vmem>> -> memref<1x8x128xf32, #tpu.memory_space<vmem>>
      %dma_start3A_389 = tpu.memref_squeeze %dma_start3A_388 : memref<1x8x128xf32, #tpu.memory_space<vmem>> -> memref<8x128xf32, #tpu.memory_space<vmem>>
      %dma_start3A_390 = tpu.memref_slice %arg2[%add3A_379, %multiple_of3A_377] : memref<128x100000xf32, #tpu.memory_space<hbm>> -> memref<8x128xf32, #tpu.memory_space<hbm>>
      tpu.enqueue_dma source(%dma_start3A_390 : memref<8x128xf32, #tpu.memory_space<hbm>>) target(%dma_start3A_389 : memref<8x128xf32, #tpu.memory_space<vmem>>) target_semaphore(%arg10 : memref<!tpu.dma_semaphore, #tpu.memory_space<semaphore_mem>>)
      %eq3A_391 = arith.constant 14 : i32
      %eq3A_392 = vector.broadcast %eq3A_391 : i32 to vector<16xi32>
      %eq3A_393 = arith.cmpi eq, %iota3A, %eq3A_392 : vector<16xi32>
      %jit3A_394 = arith.constant -1 : i32
      %broadcast_in_dim3A_395 = vector.broadcast %jit3A_394 : i32 to vector<16xi32>
      %select_n3A_396 = arith.select %eq3A_393, %get3A_5, %broadcast_in_dim3A_395 : vector<16xi1>, vector<16xi32>
      %reduce_max3A_397 = arith.constant true
      %reduce_max3A_398 = vector.broadcast %reduce_max3A_397 : i1 to vector<16xi1>
      %reduce_max3A_399 = arith.constant -2147483648 : i32
      %reduce_max3A_400 = vector.broadcast %reduce_max3A_399 : i32 to vector<16xi32>
      %reduce_max3A_401 = arith.xori %select_n3A_396, %reduce_max3A_400 : vector<16xi32>
      %reduce_max3A_402 = tpu.scan <max>, %reduce_max3A_401 masked %reduce_max3A_398 : vector<16xi32>, vector<16xi1> -> vector<16xi32>
      %reduce_max3A_403 = arith.xori %reduce_max3A_402, %reduce_max3A_400 : vector<16xi32>
      %reduce_max3A_404 = vector.extract %reduce_max3A_403[15] : i32 from vector<16xi32>
      %multiple_of3A_405 = tpu.assume_multiple %reduce_max3A_404, 128 : i32
      %add3A_406 = arith.constant 8 : i32
      %add3A_407 = arith.addi %mul3A_4, %add3A_406 : i32
      %dma_start3A_408 = arith.constant 14 : i32
      %dma_start3A_409 = arith.constant 0 : i32
      %dma_start3A_410 = arith.constant 0 : i32
      %dma_start3A_411 = tpu.memref_slice %arg8[%dma_start3A_408, %dma_start3A_409, %dma_start3A_410] : memref<16x8x128xf32, #tpu.memory_space<vmem>> -> memref<1x8x128xf32, #tpu.memory_space<vmem>>
      %dma_start3A_412 = tpu.memref_squeeze %dma_start3A_411 : memref<1x8x128xf32, #tpu.memory_space<vmem>> -> memref<8x128xf32, #tpu.memory_space<vmem>>
      %dma_start3A_413 = tpu.memref_slice %arg2[%add3A_407, %multiple_of3A_405] : memref<128x100000xf32, #tpu.memory_space<hbm>> -> memref<8x128xf32, #tpu.memory_space<hbm>>
      %dma_start3A_414 = arith.constant 0 : i32
      %dma_start3A_415 = arith.constant 0 : i32
      %dma_start3A_416 = tpu.memref_slice %arg8[%dma_start3A_408, %dma_start3A_414, %dma_start3A_415] : memref<16x8x128xf32, #tpu.memory_space<vmem>> -> memref<1x8x128xf32, #tpu.memory_space<vmem>>
      %dma_start3A_417 = tpu.memref_squeeze %dma_start3A_416 : memref<1x8x128xf32, #tpu.memory_space<vmem>> -> memref<8x128xf32, #tpu.memory_space<vmem>>
      %dma_start3A_418 = tpu.memref_slice %arg2[%add3A_407, %multiple_of3A_405] : memref<128x100000xf32, #tpu.memory_space<hbm>> -> memref<8x128xf32, #tpu.memory_space<hbm>>
      tpu.enqueue_dma source(%dma_start3A_418 : memref<8x128xf32, #tpu.memory_space<hbm>>) target(%dma_start3A_417 : memref<8x128xf32, #tpu.memory_space<vmem>>) target_semaphore(%arg10 : memref<!tpu.dma_semaphore, #tpu.memory_space<semaphore_mem>>)
      %eq3A_419 = arith.constant 15 : i32
      %eq3A_420 = vector.broadcast %eq3A_419 : i32 to vector<16xi32>
      %eq3A_421 = arith.cmpi eq, %iota3A, %eq3A_420 : vector<16xi32>
      %jit3A_422 = arith.constant -1 : i32
      %broadcast_in_dim3A_423 = vector.broadcast %jit3A_422 : i32 to vector<16xi32>
      %select_n3A_424 = arith.select %eq3A_421, %get3A_5, %broadcast_in_dim3A_423 : vector<16xi1>, vector<16xi32>
      %reduce_max3A_425 = arith.constant true
      %reduce_max3A_426 = vector.broadcast %reduce_max3A_425 : i1 to vector<16xi1>
      %reduce_max3A_427 = arith.constant -2147483648 : i32
      %reduce_max3A_428 = vector.broadcast %reduce_max3A_427 : i32 to vector<16xi32>
      %reduce_max3A_429 = arith.xori %select_n3A_424, %reduce_max3A_428 : vector<16xi32>
      %reduce_max3A_430 = tpu.scan <max>, %reduce_max3A_429 masked %reduce_max3A_426 : vector<16xi32>, vector<16xi1> -> vector<16xi32>
      %reduce_max3A_431 = arith.xori %reduce_max3A_430, %reduce_max3A_428 : vector<16xi32>
      %reduce_max3A_432 = vector.extract %reduce_max3A_431[15] : i32 from vector<16xi32>
      %multiple_of3A_433 = tpu.assume_multiple %reduce_max3A_432, 128 : i32
      %add3A_434 = arith.constant 8 : i32
      %add3A_435 = arith.addi %mul3A_4, %add3A_434 : i32
      %dma_start3A_436 = arith.constant 15 : i32
      %dma_start3A_437 = arith.constant 0 : i32
      %dma_start3A_438 = arith.constant 0 : i32
      %dma_start3A_439 = tpu.memref_slice %arg8[%dma_start3A_436, %dma_start3A_437, %dma_start3A_438] : memref<16x8x128xf32, #tpu.memory_space<vmem>> -> memref<1x8x128xf32, #tpu.memory_space<vmem>>
      %dma_start3A_440 = tpu.memref_squeeze %dma_start3A_439 : memref<1x8x128xf32, #tpu.memory_space<vmem>> -> memref<8x128xf32, #tpu.memory_space<vmem>>
      %dma_start3A_441 = tpu.memref_slice %arg2[%add3A_435, %multiple_of3A_433] : memref<128x100000xf32, #tpu.memory_space<hbm>> -> memref<8x128xf32, #tpu.memory_space<hbm>>
      %dma_start3A_442 = arith.constant 0 : i32
      %dma_start3A_443 = arith.constant 0 : i32
      %dma_start3A_444 = tpu.memref_slice %arg8[%dma_start3A_436, %dma_start3A_442, %dma_start3A_443] : memref<16x8x128xf32, #tpu.memory_space<vmem>> -> memref<1x8x128xf32, #tpu.memory_space<vmem>>
      %dma_start3A_445 = tpu.memref_squeeze %dma_start3A_444 : memref<1x8x128xf32, #tpu.memory_space<vmem>> -> memref<8x128xf32, #tpu.memory_space<vmem>>
      %dma_start3A_446 = tpu.memref_slice %arg2[%add3A_435, %multiple_of3A_433] : memref<128x100000xf32, #tpu.memory_space<hbm>> -> memref<8x128xf32, #tpu.memory_space<hbm>>
      tpu.enqueue_dma source(%dma_start3A_446 : memref<8x128xf32, #tpu.memory_space<hbm>>) target(%dma_start3A_445 : memref<8x128xf32, #tpu.memory_space<vmem>>) target_semaphore(%arg10 : memref<!tpu.dma_semaphore, #tpu.memory_space<semaphore_mem>>)
      %dma_wait3A = arith.constant 0 : i32
      %dma_wait3A_447 = arith.constant 0 : i32
      %dma_wait3A_448 = arith.constant 0 : i32
      %dma_wait3A_449 = tpu.memref_slice %arg8[%dma_wait3A, %dma_wait3A_447, %dma_wait3A_448] : memref<16x8x128xf32, #tpu.memory_space<vmem>> -> memref<1x8x128xf32, #tpu.memory_space<vmem>>
      %dma_wait3A_450 = tpu.memref_squeeze %dma_wait3A_449 : memref<1x8x128xf32, #tpu.memory_space<vmem>> -> memref<8x128xf32, #tpu.memory_space<vmem>>
      %dma_wait3A_451 = tpu.memref_slice %arg2[%add3A_16, %multiple_of3A] : memref<128x100000xf32, #tpu.memory_space<hbm>> -> memref<8x128xf32, #tpu.memory_space<hbm>>
      %dma_wait3A_452 = arith.constant 0 : i32
      %dma_wait3A_453 = arith.constant 0 : i32
      %dma_wait3A_454 = tpu.memref_slice %arg8[%dma_wait3A, %dma_wait3A_452, %dma_wait3A_453] : memref<16x8x128xf32, #tpu.memory_space<vmem>> -> memref<1x8x128xf32, #tpu.memory_space<vmem>>
      %dma_wait3A_455 = tpu.memref_squeeze %dma_wait3A_454 : memref<1x8x128xf32, #tpu.memory_space<vmem>> -> memref<8x128xf32, #tpu.memory_space<vmem>>
      %dma_wait3A_456 = tpu.memref_slice %arg2[%add3A_16, %multiple_of3A] : memref<128x100000xf32, #tpu.memory_space<hbm>> -> memref<8x128xf32, #tpu.memory_space<hbm>>
      tpu.wait_dma2 semaphore(%arg10 : memref<!tpu.dma_semaphore, #tpu.memory_space<semaphore_mem>>) src(%dma_wait3A_456 : memref<8x128xf32, #tpu.memory_space<hbm>>) dst(%dma_wait3A_455 : memref<8x128xf32, #tpu.memory_space<vmem>>)
      %dma_wait3A_457 = arith.constant 1 : i32
      %dma_wait3A_458 = arith.constant 0 : i32
      %dma_wait3A_459 = arith.constant 0 : i32
      %dma_wait3A_460 = tpu.memref_slice %arg8[%dma_wait3A_457, %dma_wait3A_458, %dma_wait3A_459] : memref<16x8x128xf32, #tpu.memory_space<vmem>> -> memref<1x8x128xf32, #tpu.memory_space<vmem>>
      %dma_wait3A_461 = tpu.memref_squeeze %dma_wait3A_460 : memref<1x8x128xf32, #tpu.memory_space<vmem>> -> memref<8x128xf32, #tpu.memory_space<vmem>>
      %dma_wait3A_462 = tpu.memref_slice %arg2[%add3A_43, %multiple_of3A_41] : memref<128x100000xf32, #tpu.memory_space<hbm>> -> memref<8x128xf32, #tpu.memory_space<hbm>>
      %dma_wait3A_463 = arith.constant 0 : i32
      %dma_wait3A_464 = arith.constant 0 : i32
      %dma_wait3A_465 = tpu.memref_slice %arg8[%dma_wait3A_457, %dma_wait3A_463, %dma_wait3A_464] : memref<16x8x128xf32, #tpu.memory_space<vmem>> -> memref<1x8x128xf32, #tpu.memory_space<vmem>>
      %dma_wait3A_466 = tpu.memref_squeeze %dma_wait3A_465 : memref<1x8x128xf32, #tpu.memory_space<vmem>> -> memref<8x128xf32, #tpu.memory_space<vmem>>
      %dma_wait3A_467 = tpu.memref_slice %arg2[%add3A_43, %multiple_of3A_41] : memref<128x100000xf32, #tpu.memory_space<hbm>> -> memref<8x128xf32, #tpu.memory_space<hbm>>
      tpu.wait_dma2 semaphore(%arg10 : memref<!tpu.dma_semaphore, #tpu.memory_space<semaphore_mem>>) src(%dma_wait3A_467 : memref<8x128xf32, #tpu.memory_space<hbm>>) dst(%dma_wait3A_466 : memref<8x128xf32, #tpu.memory_space<vmem>>)
      %dma_wait3A_468 = arith.constant 2 : i32
      %dma_wait3A_469 = arith.constant 0 : i32
      %dma_wait3A_470 = arith.constant 0 : i32
      %dma_wait3A_471 = tpu.memref_slice %arg8[%dma_wait3A_468, %dma_wait3A_469, %dma_wait3A_470] : memref<16x8x128xf32, #tpu.memory_space<vmem>> -> memref<1x8x128xf32, #tpu.memory_space<vmem>>
      %dma_wait3A_472 = tpu.memref_squeeze %dma_wait3A_471 : memref<1x8x128xf32, #tpu.memory_space<vmem>> -> memref<8x128xf32, #tpu.memory_space<vmem>>
      %dma_wait3A_473 = tpu.memref_slice %arg2[%add3A_71, %multiple_of3A_69] : memref<128x100000xf32, #tpu.memory_space<hbm>> -> memref<8x128xf32, #tpu.memory_space<hbm>>
      %dma_wait3A_474 = arith.constant 0 : i32
      %dma_wait3A_475 = arith.constant 0 : i32
      %dma_wait3A_476 = tpu.memref_slice %arg8[%dma_wait3A_468, %dma_wait3A_474, %dma_wait3A_475] : memref<16x8x128xf32, #tpu.memory_space<vmem>> -> memref<1x8x128xf32, #tpu.memory_space<vmem>>
      %dma_wait3A_477 = tpu.memref_squeeze %dma_wait3A_476 : memref<1x8x128xf32, #tpu.memory_space<vmem>> -> memref<8x128xf32, #tpu.memory_space<vmem>>
      %dma_wait3A_478 = tpu.memref_slice %arg2[%add3A_71, %multiple_of3A_69] : memref<128x100000xf32, #tpu.memory_space<hbm>> -> memref<8x128xf32, #tpu.memory_space<hbm>>
      tpu.wait_dma2 semaphore(%arg10 : memref<!tpu.dma_semaphore, #tpu.memory_space<semaphore_mem>>) src(%dma_wait3A_478 : memref<8x128xf32, #tpu.memory_space<hbm>>) dst(%dma_wait3A_477 : memref<8x128xf32, #tpu.memory_space<vmem>>)
      %dma_wait3A_479 = arith.constant 3 : i32
      %dma_wait3A_480 = arith.constant 0 : i32
      %dma_wait3A_481 = arith.constant 0 : i32
      %dma_wait3A_482 = tpu.memref_slice %arg8[%dma_wait3A_479, %dma_wait3A_480, %dma_wait3A_481] : memref<16x8x128xf32, #tpu.memory_space<vmem>> -> memref<1x8x128xf32, #tpu.memory_space<vmem>>
      %dma_wait3A_483 = tpu.memref_squeeze %dma_wait3A_482 : memref<1x8x128xf32, #tpu.memory_space<vmem>> -> memref<8x128xf32, #tpu.memory_space<vmem>>
      %dma_wait3A_484 = tpu.memref_slice %arg2[%add3A_99, %multiple_of3A_97] : memref<128x100000xf32, #tpu.memory_space<hbm>> -> memref<8x128xf32, #tpu.memory_space<hbm>>
      %dma_wait3A_485 = arith.constant 0 : i32
      %dma_wait3A_486 = arith.constant 0 : i32
      %dma_wait3A_487 = tpu.memref_slice %arg8[%dma_wait3A_479, %dma_wait3A_485, %dma_wait3A_486] : memref<16x8x128xf32, #tpu.memory_space<vmem>> -> memref<1x8x128xf32, #tpu.memory_space<vmem>>
      %dma_wait3A_488 = tpu.memref_squeeze %dma_wait3A_487 : memref<1x8x128xf32, #tpu.memory_space<vmem>> -> memref<8x128xf32, #tpu.memory_space<vmem>>
      %dma_wait3A_489 = tpu.memref_slice %arg2[%add3A_99, %multiple_of3A_97] : memref<128x100000xf32, #tpu.memory_space<hbm>> -> memref<8x128xf32, #tpu.memory_space<hbm>>
      tpu.wait_dma2 semaphore(%arg10 : memref<!tpu.dma_semaphore, #tpu.memory_space<semaphore_mem>>) src(%dma_wait3A_489 : memref<8x128xf32, #tpu.memory_space<hbm>>) dst(%dma_wait3A_488 : memref<8x128xf32, #tpu.memory_space<vmem>>)
      %dma_wait3A_490 = arith.constant 4 : i32
      %dma_wait3A_491 = arith.constant 0 : i32
      %dma_wait3A_492 = arith.constant 0 : i32
      %dma_wait3A_493 = tpu.memref_slice %arg8[%dma_wait3A_490, %dma_wait3A_491, %dma_wait3A_492] : memref<16x8x128xf32, #tpu.memory_space<vmem>> -> memref<1x8x128xf32, #tpu.memory_space<vmem>>
      %dma_wait3A_494 = tpu.memref_squeeze %dma_wait3A_493 : memref<1x8x128xf32, #tpu.memory_space<vmem>> -> memref<8x128xf32, #tpu.memory_space<vmem>>
      %dma_wait3A_495 = tpu.memref_slice %arg2[%add3A_127, %multiple_of3A_125] : memref<128x100000xf32, #tpu.memory_space<hbm>> -> memref<8x128xf32, #tpu.memory_space<hbm>>
      %dma_wait3A_496 = arith.constant 0 : i32
      %dma_wait3A_497 = arith.constant 0 : i32
      %dma_wait3A_498 = tpu.memref_slice %arg8[%dma_wait3A_490, %dma_wait3A_496, %dma_wait3A_497] : memref<16x8x128xf32, #tpu.memory_space<vmem>> -> memref<1x8x128xf32, #tpu.memory_space<vmem>>
      %dma_wait3A_499 = tpu.memref_squeeze %dma_wait3A_498 : memref<1x8x128xf32, #tpu.memory_space<vmem>> -> memref<8x128xf32, #tpu.memory_space<vmem>>
      %dma_wait3A_500 = tpu.memref_slice %arg2[%add3A_127, %multiple_of3A_125] : memref<128x100000xf32, #tpu.memory_space<hbm>> -> memref<8x128xf32, #tpu.memory_space<hbm>>
      tpu.wait_dma2 semaphore(%arg10 : memref<!tpu.dma_semaphore, #tpu.memory_space<semaphore_mem>>) src(%dma_wait3A_500 : memref<8x128xf32, #tpu.memory_space<hbm>>) dst(%dma_wait3A_499 : memref<8x128xf32, #tpu.memory_space<vmem>>)
      %dma_wait3A_501 = arith.constant 5 : i32
      %dma_wait3A_502 = arith.constant 0 : i32
      %dma_wait3A_503 = arith.constant 0 : i32
      %dma_wait3A_504 = tpu.memref_slice %arg8[%dma_wait3A_501, %dma_wait3A_502, %dma_wait3A_503] : memref<16x8x128xf32, #tpu.memory_space<vmem>> -> memref<1x8x128xf32, #tpu.memory_space<vmem>>
      %dma_wait3A_505 = tpu.memref_squeeze %dma_wait3A_504 : memref<1x8x128xf32, #tpu.memory_space<vmem>> -> memref<8x128xf32, #tpu.memory_space<vmem>>
      %dma_wait3A_506 = tpu.memref_slice %arg2[%add3A_155, %multiple_of3A_153] : memref<128x100000xf32, #tpu.memory_space<hbm>> -> memref<8x128xf32, #tpu.memory_space<hbm>>
      %dma_wait3A_507 = arith.constant 0 : i32
      %dma_wait3A_508 = arith.constant 0 : i32
      %dma_wait3A_509 = tpu.memref_slice %arg8[%dma_wait3A_501, %dma_wait3A_507, %dma_wait3A_508] : memref<16x8x128xf32, #tpu.memory_space<vmem>> -> memref<1x8x128xf32, #tpu.memory_space<vmem>>
      %dma_wait3A_510 = tpu.memref_squeeze %dma_wait3A_509 : memref<1x8x128xf32, #tpu.memory_space<vmem>> -> memref<8x128xf32, #tpu.memory_space<vmem>>
      %dma_wait3A_511 = tpu.memref_slice %arg2[%add3A_155, %multiple_of3A_153] : memref<128x100000xf32, #tpu.memory_space<hbm>> -> memref<8x128xf32, #tpu.memory_space<hbm>>
      tpu.wait_dma2 semaphore(%arg10 : memref<!tpu.dma_semaphore, #tpu.memory_space<semaphore_mem>>) src(%dma_wait3A_511 : memref<8x128xf32, #tpu.memory_space<hbm>>) dst(%dma_wait3A_510 : memref<8x128xf32, #tpu.memory_space<vmem>>)
      %dma_wait3A_512 = arith.constant 6 : i32
      %dma_wait3A_513 = arith.constant 0 : i32
      %dma_wait3A_514 = arith.constant 0 : i32
      %dma_wait3A_515 = tpu.memref_slice %arg8[%dma_wait3A_512, %dma_wait3A_513, %dma_wait3A_514] : memref<16x8x128xf32, #tpu.memory_space<vmem>> -> memref<1x8x128xf32, #tpu.memory_space<vmem>>
      %dma_wait3A_516 = tpu.memref_squeeze %dma_wait3A_515 : memref<1x8x128xf32, #tpu.memory_space<vmem>> -> memref<8x128xf32, #tpu.memory_space<vmem>>
      %dma_wait3A_517 = tpu.memref_slice %arg2[%add3A_183, %multiple_of3A_181] : memref<128x100000xf32, #tpu.memory_space<hbm>> -> memref<8x128xf32, #tpu.memory_space<hbm>>
      %dma_wait3A_518 = arith.constant 0 : i32
      %dma_wait3A_519 = arith.constant 0 : i32
      %dma_wait3A_520 = tpu.memref_slice %arg8[%dma_wait3A_512, %dma_wait3A_518, %dma_wait3A_519] : memref<16x8x128xf32, #tpu.memory_space<vmem>> -> memref<1x8x128xf32, #tpu.memory_space<vmem>>
      %dma_wait3A_521 = tpu.memref_squeeze %dma_wait3A_520 : memref<1x8x128xf32, #tpu.memory_space<vmem>> -> memref<8x128xf32, #tpu.memory_space<vmem>>
      %dma_wait3A_522 = tpu.memref_slice %arg2[%add3A_183, %multiple_of3A_181] : memref<128x100000xf32, #tpu.memory_space<hbm>> -> memref<8x128xf32, #tpu.memory_space<hbm>>
      tpu.wait_dma2 semaphore(%arg10 : memref<!tpu.dma_semaphore, #tpu.memory_space<semaphore_mem>>) src(%dma_wait3A_522 : memref<8x128xf32, #tpu.memory_space<hbm>>) dst(%dma_wait3A_521 : memref<8x128xf32, #tpu.memory_space<vmem>>)
      %dma_wait3A_523 = arith.constant 7 : i32
      %dma_wait3A_524 = arith.constant 0 : i32
      %dma_wait3A_525 = arith.constant 0 : i32
      %dma_wait3A_526 = tpu.memref_slice %arg8[%dma_wait3A_523, %dma_wait3A_524, %dma_wait3A_525] : memref<16x8x128xf32, #tpu.memory_space<vmem>> -> memref<1x8x128xf32, #tpu.memory_space<vmem>>
      %dma_wait3A_527 = tpu.memref_squeeze %dma_wait3A_526 : memref<1x8x128xf32, #tpu.memory_space<vmem>> -> memref<8x128xf32, #tpu.memory_space<vmem>>
      %dma_wait3A_528 = tpu.memref_slice %arg2[%add3A_211, %multiple_of3A_209] : memref<128x100000xf32, #tpu.memory_space<hbm>> -> memref<8x128xf32, #tpu.memory_space<hbm>>
      %dma_wait3A_529 = arith.constant 0 : i32
      %dma_wait3A_530 = arith.constant 0 : i32
      %dma_wait3A_531 = tpu.memref_slice %arg8[%dma_wait3A_523, %dma_wait3A_529, %dma_wait3A_530] : memref<16x8x128xf32, #tpu.memory_space<vmem>> -> memref<1x8x128xf32, #tpu.memory_space<vmem>>
      %dma_wait3A_532 = tpu.memref_squeeze %dma_wait3A_531 : memref<1x8x128xf32, #tpu.memory_space<vmem>> -> memref<8x128xf32, #tpu.memory_space<vmem>>
      %dma_wait3A_533 = tpu.memref_slice %arg2[%add3A_211, %multiple_of3A_209] : memref<128x100000xf32, #tpu.memory_space<hbm>> -> memref<8x128xf32, #tpu.memory_space<hbm>>
      tpu.wait_dma2 semaphore(%arg10 : memref<!tpu.dma_semaphore, #tpu.memory_space<semaphore_mem>>) src(%dma_wait3A_533 : memref<8x128xf32, #tpu.memory_space<hbm>>) dst(%dma_wait3A_532 : memref<8x128xf32, #tpu.memory_space<vmem>>)
      %dma_wait3A_534 = arith.constant 8 : i32
      %dma_wait3A_535 = arith.constant 0 : i32
      %dma_wait3A_536 = arith.constant 0 : i32
      %dma_wait3A_537 = tpu.memref_slice %arg8[%dma_wait3A_534, %dma_wait3A_535, %dma_wait3A_536] : memref<16x8x128xf32, #tpu.memory_space<vmem>> -> memref<1x8x128xf32, #tpu.memory_space<vmem>>
      %dma_wait3A_538 = tpu.memref_squeeze %dma_wait3A_537 : memref<1x8x128xf32, #tpu.memory_space<vmem>> -> memref<8x128xf32, #tpu.memory_space<vmem>>
      %dma_wait3A_539 = tpu.memref_slice %arg2[%add3A_239, %multiple_of3A_237] : memref<128x100000xf32, #tpu.memory_space<hbm>> -> memref<8x128xf32, #tpu.memory_space<hbm>>
      %dma_wait3A_540 = arith.constant 0 : i32
      %dma_wait3A_541 = arith.constant 0 : i32
      %dma_wait3A_542 = tpu.memref_slice %arg8[%dma_wait3A_534, %dma_wait3A_540, %dma_wait3A_541] : memref<16x8x128xf32, #tpu.memory_space<vmem>> -> memref<1x8x128xf32, #tpu.memory_space<vmem>>
      %dma_wait3A_543 = tpu.memref_squeeze %dma_wait3A_542 : memref<1x8x128xf32, #tpu.memory_space<vmem>> -> memref<8x128xf32, #tpu.memory_space<vmem>>
      %dma_wait3A_544 = tpu.memref_slice %arg2[%add3A_239, %multiple_of3A_237] : memref<128x100000xf32, #tpu.memory_space<hbm>> -> memref<8x128xf32, #tpu.memory_space<hbm>>
      tpu.wait_dma2 semaphore(%arg10 : memref<!tpu.dma_semaphore, #tpu.memory_space<semaphore_mem>>) src(%dma_wait3A_544 : memref<8x128xf32, #tpu.memory_space<hbm>>) dst(%dma_wait3A_543 : memref<8x128xf32, #tpu.memory_space<vmem>>)
      %dma_wait3A_545 = arith.constant 9 : i32
      %dma_wait3A_546 = arith.constant 0 : i32
      %dma_wait3A_547 = arith.constant 0 : i32
      %dma_wait3A_548 = tpu.memref_slice %arg8[%dma_wait3A_545, %dma_wait3A_546, %dma_wait3A_547] : memref<16x8x128xf32, #tpu.memory_space<vmem>> -> memref<1x8x128xf32, #tpu.memory_space<vmem>>
      %dma_wait3A_549 = tpu.memref_squeeze %dma_wait3A_548 : memref<1x8x128xf32, #tpu.memory_space<vmem>> -> memref<8x128xf32, #tpu.memory_space<vmem>>
      %dma_wait3A_550 = tpu.memref_slice %arg2[%add3A_267, %multiple_of3A_265] : memref<128x100000xf32, #tpu.memory_space<hbm>> -> memref<8x128xf32, #tpu.memory_space<hbm>>
      %dma_wait3A_551 = arith.constant 0 : i32
      %dma_wait3A_552 = arith.constant 0 : i32
      %dma_wait3A_553 = tpu.memref_slice %arg8[%dma_wait3A_545, %dma_wait3A_551, %dma_wait3A_552] : memref<16x8x128xf32, #tpu.memory_space<vmem>> -> memref<1x8x128xf32, #tpu.memory_space<vmem>>
      %dma_wait3A_554 = tpu.memref_squeeze %dma_wait3A_553 : memref<1x8x128xf32, #tpu.memory_space<vmem>> -> memref<8x128xf32, #tpu.memory_space<vmem>>
      %dma_wait3A_555 = tpu.memref_slice %arg2[%add3A_267, %multiple_of3A_265] : memref<128x100000xf32, #tpu.memory_space<hbm>> -> memref<8x128xf32, #tpu.memory_space<hbm>>
      tpu.wait_dma2 semaphore(%arg10 : memref<!tpu.dma_semaphore, #tpu.memory_space<semaphore_mem>>) src(%dma_wait3A_555 : memref<8x128xf32, #tpu.memory_space<hbm>>) dst(%dma_wait3A_554 : memref<8x128xf32, #tpu.memory_space<vmem>>)
      %dma_wait3A_556 = arith.constant 10 : i32
      %dma_wait3A_557 = arith.constant 0 : i32
      %dma_wait3A_558 = arith.constant 0 : i32
      %dma_wait3A_559 = tpu.memref_slice %arg8[%dma_wait3A_556, %dma_wait3A_557, %dma_wait3A_558] : memref<16x8x128xf32, #tpu.memory_space<vmem>> -> memref<1x8x128xf32, #tpu.memory_space<vmem>>
      %dma_wait3A_560 = tpu.memref_squeeze %dma_wait3A_559 : memref<1x8x128xf32, #tpu.memory_space<vmem>> -> memref<8x128xf32, #tpu.memory_space<vmem>>
      %dma_wait3A_561 = tpu.memref_slice %arg2[%add3A_295, %multiple_of3A_293] : memref<128x100000xf32, #tpu.memory_space<hbm>> -> memref<8x128xf32, #tpu.memory_space<hbm>>
      %dma_wait3A_562 = arith.constant 0 : i32
      %dma_wait3A_563 = arith.constant 0 : i32
      %dma_wait3A_564 = tpu.memref_slice %arg8[%dma_wait3A_556, %dma_wait3A_562, %dma_wait3A_563] : memref<16x8x128xf32, #tpu.memory_space<vmem>> -> memref<1x8x128xf32, #tpu.memory_space<vmem>>
      %dma_wait3A_565 = tpu.memref_squeeze %dma_wait3A_564 : memref<1x8x128xf32, #tpu.memory_space<vmem>> -> memref<8x128xf32, #tpu.memory_space<vmem>>
      %dma_wait3A_566 = tpu.memref_slice %arg2[%add3A_295, %multiple_of3A_293] : memref<128x100000xf32, #tpu.memory_space<hbm>> -> memref<8x128xf32, #tpu.memory_space<hbm>>
      tpu.wait_dma2 semaphore(%arg10 : memref<!tpu.dma_semaphore, #tpu.memory_space<semaphore_mem>>) src(%dma_wait3A_566 : memref<8x128xf32, #tpu.memory_space<hbm>>) dst(%dma_wait3A_565 : memref<8x128xf32, #tpu.memory_space<vmem>>)
      %dma_wait3A_567 = arith.constant 11 : i32
      %dma_wait3A_568 = arith.constant 0 : i32
      %dma_wait3A_569 = arith.constant 0 : i32
      %dma_wait3A_570 = tpu.memref_slice %arg8[%dma_wait3A_567, %dma_wait3A_568, %dma_wait3A_569] : memref<16x8x128xf32, #tpu.memory_space<vmem>> -> memref<1x8x128xf32, #tpu.memory_space<vmem>>
      %dma_wait3A_571 = tpu.memref_squeeze %dma_wait3A_570 : memref<1x8x128xf32, #tpu.memory_space<vmem>> -> memref<8x128xf32, #tpu.memory_space<vmem>>
      %dma_wait3A_572 = tpu.memref_slice %arg2[%add3A_323, %multiple_of3A_321] : memref<128x100000xf32, #tpu.memory_space<hbm>> -> memref<8x128xf32, #tpu.memory_space<hbm>>
      %dma_wait3A_573 = arith.constant 0 : i32
      %dma_wait3A_574 = arith.constant 0 : i32
      %dma_wait3A_575 = tpu.memref_slice %arg8[%dma_wait3A_567, %dma_wait3A_573, %dma_wait3A_574] : memref<16x8x128xf32, #tpu.memory_space<vmem>> -> memref<1x8x128xf32, #tpu.memory_space<vmem>>
      %dma_wait3A_576 = tpu.memref_squeeze %dma_wait3A_575 : memref<1x8x128xf32, #tpu.memory_space<vmem>> -> memref<8x128xf32, #tpu.memory_space<vmem>>
      %dma_wait3A_577 = tpu.memref_slice %arg2[%add3A_323, %multiple_of3A_321] : memref<128x100000xf32, #tpu.memory_space<hbm>> -> memref<8x128xf32, #tpu.memory_space<hbm>>
      tpu.wait_dma2 semaphore(%arg10 : memref<!tpu.dma_semaphore, #tpu.memory_space<semaphore_mem>>) src(%dma_wait3A_577 : memref<8x128xf32, #tpu.memory_space<hbm>>) dst(%dma_wait3A_576 : memref<8x128xf32, #tpu.memory_space<vmem>>)
      %dma_wait3A_578 = arith.constant 12 : i32
      %dma_wait3A_579 = arith.constant 0 : i32
      %dma_wait3A_580 = arith.constant 0 : i32
      %dma_wait3A_581 = tpu.memref_slice %arg8[%dma_wait3A_578, %dma_wait3A_579, %dma_wait3A_580] : memref<16x8x128xf32, #tpu.memory_space<vmem>> -> memref<1x8x128xf32, #tpu.memory_space<vmem>>
      %dma_wait3A_582 = tpu.memref_squeeze %dma_wait3A_581 : memref<1x8x128xf32, #tpu.memory_space<vmem>> -> memref<8x128xf32, #tpu.memory_space<vmem>>
      %dma_wait3A_583 = tpu.memref_slice %arg2[%add3A_351, %multiple_of3A_349] : memref<128x100000xf32, #tpu.memory_space<hbm>> -> memref<8x128xf32, #tpu.memory_space<hbm>>
      %dma_wait3A_584 = arith.constant 0 : i32
      %dma_wait3A_585 = arith.constant 0 : i32
      %dma_wait3A_586 = tpu.memref_slice %arg8[%dma_wait3A_578, %dma_wait3A_584, %dma_wait3A_585] : memref<16x8x128xf32, #tpu.memory_space<vmem>> -> memref<1x8x128xf32, #tpu.memory_space<vmem>>
      %dma_wait3A_587 = tpu.memref_squeeze %dma_wait3A_586 : memref<1x8x128xf32, #tpu.memory_space<vmem>> -> memref<8x128xf32, #tpu.memory_space<vmem>>
      %dma_wait3A_588 = tpu.memref_slice %arg2[%add3A_351, %multiple_of3A_349] : memref<128x100000xf32, #tpu.memory_space<hbm>> -> memref<8x128xf32, #tpu.memory_space<hbm>>
      tpu.wait_dma2 semaphore(%arg10 : memref<!tpu.dma_semaphore, #tpu.memory_space<semaphore_mem>>) src(%dma_wait3A_588 : memref<8x128xf32, #tpu.memory_space<hbm>>) dst(%dma_wait3A_587 : memref<8x128xf32, #tpu.memory_space<vmem>>)
      %dma_wait3A_589 = arith.constant 13 : i32
      %dma_wait3A_590 = arith.constant 0 : i32
      %dma_wait3A_591 = arith.constant 0 : i32
      %dma_wait3A_592 = tpu.memref_slice %arg8[%dma_wait3A_589, %dma_wait3A_590, %dma_wait3A_591] : memref<16x8x128xf32, #tpu.memory_space<vmem>> -> memref<1x8x128xf32, #tpu.memory_space<vmem>>
      %dma_wait3A_593 = tpu.memref_squeeze %dma_wait3A_592 : memref<1x8x128xf32, #tpu.memory_space<vmem>> -> memref<8x128xf32, #tpu.memory_space<vmem>>
      %dma_wait3A_594 = tpu.memref_slice %arg2[%add3A_379, %multiple_of3A_377] : memref<128x100000xf32, #tpu.memory_space<hbm>> -> memref<8x128xf32, #tpu.memory_space<hbm>>
      %dma_wait3A_595 = arith.constant 0 : i32
      %dma_wait3A_596 = arith.constant 0 : i32
      %dma_wait3A_597 = tpu.memref_slice %arg8[%dma_wait3A_589, %dma_wait3A_595, %dma_wait3A_596] : memref<16x8x128xf32, #tpu.memory_space<vmem>> -> memref<1x8x128xf32, #tpu.memory_space<vmem>>
      %dma_wait3A_598 = tpu.memref_squeeze %dma_wait3A_597 : memref<1x8x128xf32, #tpu.memory_space<vmem>> -> memref<8x128xf32, #tpu.memory_space<vmem>>
      %dma_wait3A_599 = tpu.memref_slice %arg2[%add3A_379, %multiple_of3A_377] : memref<128x100000xf32, #tpu.memory_space<hbm>> -> memref<8x128xf32, #tpu.memory_space<hbm>>
      tpu.wait_dma2 semaphore(%arg10 : memref<!tpu.dma_semaphore, #tpu.memory_space<semaphore_mem>>) src(%dma_wait3A_599 : memref<8x128xf32, #tpu.memory_space<hbm>>) dst(%dma_wait3A_598 : memref<8x128xf32, #tpu.memory_space<vmem>>)
      %dma_wait3A_600 = arith.constant 14 : i32
      %dma_wait3A_601 = arith.constant 0 : i32
      %dma_wait3A_602 = arith.constant 0 : i32
      %dma_wait3A_603 = tpu.memref_slice %arg8[%dma_wait3A_600, %dma_wait3A_601, %dma_wait3A_602] : memref<16x8x128xf32, #tpu.memory_space<vmem>> -> memref<1x8x128xf32, #tpu.memory_space<vmem>>
      %dma_wait3A_604 = tpu.memref_squeeze %dma_wait3A_603 : memref<1x8x128xf32, #tpu.memory_space<vmem>> -> memref<8x128xf32, #tpu.memory_space<vmem>>
      %dma_wait3A_605 = tpu.memref_slice %arg2[%add3A_407, %multiple_of3A_405] : memref<128x100000xf32, #tpu.memory_space<hbm>> -> memref<8x128xf32, #tpu.memory_space<hbm>>
      %dma_wait3A_606 = arith.constant 0 : i32
      %dma_wait3A_607 = arith.constant 0 : i32
      %dma_wait3A_608 = tpu.memref_slice %arg8[%dma_wait3A_600, %dma_wait3A_606, %dma_wait3A_607] : memref<16x8x128xf32, #tpu.memory_space<vmem>> -> memref<1x8x128xf32, #tpu.memory_space<vmem>>
      %dma_wait3A_609 = tpu.memref_squeeze %dma_wait3A_608 : memref<1x8x128xf32, #tpu.memory_space<vmem>> -> memref<8x128xf32, #tpu.memory_space<vmem>>
      %dma_wait3A_610 = tpu.memref_slice %arg2[%add3A_407, %multiple_of3A_405] : memref<128x100000xf32, #tpu.memory_space<hbm>> -> memref<8x128xf32, #tpu.memory_space<hbm>>
      tpu.wait_dma2 semaphore(%arg10 : memref<!tpu.dma_semaphore, #tpu.memory_space<semaphore_mem>>) src(%dma_wait3A_610 : memref<8x128xf32, #tpu.memory_space<hbm>>) dst(%dma_wait3A_609 : memref<8x128xf32, #tpu.memory_space<vmem>>)
      %dma_wait3A_611 = arith.constant 15 : i32
      %dma_wait3A_612 = arith.constant 0 : i32
      %dma_wait3A_613 = arith.constant 0 : i32
      %dma_wait3A_614 = tpu.memref_slice %arg8[%dma_wait3A_611, %dma_wait3A_612, %dma_wait3A_613] : memref<16x8x128xf32, #tpu.memory_space<vmem>> -> memref<1x8x128xf32, #tpu.memory_space<vmem>>
      %dma_wait3A_615 = tpu.memref_squeeze %dma_wait3A_614 : memref<1x8x128xf32, #tpu.memory_space<vmem>> -> memref<8x128xf32, #tpu.memory_space<vmem>>
      %dma_wait3A_616 = tpu.memref_slice %arg2[%add3A_435, %multiple_of3A_433] : memref<128x100000xf32, #tpu.memory_space<hbm>> -> memref<8x128xf32, #tpu.memory_space<hbm>>
      %dma_wait3A_617 = arith.constant 0 : i32
      %dma_wait3A_618 = arith.constant 0 : i32
      %dma_wait3A_619 = tpu.memref_slice %arg8[%dma_wait3A_611, %dma_wait3A_617, %dma_wait3A_618] : memref<16x8x128xf32, #tpu.memory_space<vmem>> -> memref<1x8x128xf32, #tpu.memory_space<vmem>>
      %dma_wait3A_620 = tpu.memref_squeeze %dma_wait3A_619 : memref<1x8x128xf32, #tpu.memory_space<vmem>> -> memref<8x128xf32, #tpu.memory_space<vmem>>
      %dma_wait3A_621 = tpu.memref_slice %arg2[%add3A_435, %multiple_of3A_433] : memref<128x100000xf32, #tpu.memory_space<hbm>> -> memref<8x128xf32, #tpu.memory_space<hbm>>
      tpu.wait_dma2 semaphore(%arg10 : memref<!tpu.dma_semaphore, #tpu.memory_space<semaphore_mem>>) src(%dma_wait3A_621 : memref<8x128xf32, #tpu.memory_space<hbm>>) dst(%dma_wait3A_620 : memref<8x128xf32, #tpu.memory_space<vmem>>)
      %iota3A_622 = tpu.iota {dimensions = array<i32: 0>} : vector<16xi32>
      %jit3A_623 = arith.constant 8 : i32
      %eq3A_624 = arith.constant 0 : i32
      %eq3A_625 = arith.cmpi eq, %jit3A_623, %eq3A_624 : i32
      %jit3A_626 = arith.constant 1 : i32
      %select_n3A_627 = arith.select %eq3A_625, %jit3A_626, %jit3A_623 : i32
      %rem3A = vector.broadcast %select_n3A_627 : i32 to vector<16xi32>
      %rem3A_628 = arith.remsi %iota3A, %rem3A : vector<16xi32>
      %ne3A = arith.constant 0 : i32
      %ne3A_629 = vector.broadcast %ne3A : i32 to vector<16xi32>
      %ne3A_630 = arith.cmpi ne, %rem3A_628, %ne3A_629 : vector<16xi32>
      %lt3A_631 = arith.constant 0 : i32
      %lt3A_632 = vector.broadcast %lt3A_631 : i32 to vector<16xi32>
      %lt3A_633 = arith.cmpi slt, %rem3A_628, %lt3A_632 : vector<16xi32>
      %lt3A_634 = arith.constant 0 : i32
      %lt3A_635 = arith.cmpi slt, %select_n3A_627, %lt3A_634 : i32
      %ne3A_636 = vector.broadcast %lt3A_635 : i1 to vector<16xi1>
      %ne3A_637 = vector.broadcast %ne3A_636 : vector<16xi1> to vector<16xi1>
      %ne3A_638 = arith.xori %lt3A_633, %ne3A_637 : vector<16xi1>
      %and3A = arith.andi %ne3A_638, %ne3A_630 : vector<16xi1>
      %add3A_639 = vector.broadcast %select_n3A_627 : i32 to vector<16xi32>
      %add3A_640 = arith.addi %rem3A_628, %add3A_639 : vector<16xi32>
      %select_n3A_641 = arith.select %and3A, %add3A_640, %rem3A_628 : vector<16xi1>, vector<16xi32>
      %get3A_642 = arith.constant 0 : index
      %get3A_643 = tpu.vector_load %arg7[%get3A_642] {strides = array<i32>} : memref<16xi32, #tpu.memory_space<vmem>>, vector<16xi32>,
      %gather3A = tpu.vector_load_idx %arg8[%iota3A_622, %select_n3A_641, %get3A_643] : memref<16x8x128xf32, #tpu.memory_space<vmem>>[vector<16xi32>, vector<16xi32>, vector<16xi32>], vector<16xf32>,
      %swap3A = arith.constant 0 : index
      %swap3A_644 = tpu.vector_load %arg9[%swap3A] {strides = array<i32>} : memref<16xf32, #tpu.memory_space<vmem>>, vector<16xf32>,
      tpu.vector_store %arg9[%swap3A], %gather3A {strides = array<i32>} : memref<16xf32, #tpu.memory_space<vmem>>, vector<16xf32>,
      "tpu.region"() ({
        %run_scoped3A = tpu.sem_alloc : memref<!tpu.dma_semaphore, #tpu.memory_space<semaphore_mem>>
        %dma_start3A_645 = tpu.memref_slice %arg5[%mul3A_4] : memref<128xf32, #tpu.memory_space<hbm>> -> memref<16xf32, #tpu.memory_space<hbm>>
        %dma_start3A_646 = tpu.memref_slice %arg5[%mul3A_4] : memref<128xf32, #tpu.memory_space<hbm>> -> memref<16xf32, #tpu.memory_space<hbm>>
        tpu.enqueue_dma source(%arg9 : memref<16xf32, #tpu.memory_space<vmem>>) target(%dma_start3A_646 : memref<16xf32, #tpu.memory_space<hbm>>) target_semaphore(%run_scoped3A : memref<!tpu.dma_semaphore, #tpu.memory_space<semaphore_mem>>)
        %dma_wait3A_647 = tpu.memref_slice %arg5[%mul3A_4] : memref<128xf32, #tpu.memory_space<hbm>> -> memref<16xf32, #tpu.memory_space<hbm>>
        %dma_wait3A_648 = tpu.memref_slice %arg5[%mul3A_4] : memref<128xf32, #tpu.memory_space<hbm>> -> memref<16xf32, #tpu.memory_space<hbm>>
        tpu.wait_dma2 semaphore(%run_scoped3A : memref<!tpu.dma_semaphore, #tpu.memory_space<semaphore_mem>>) src(%arg9 : memref<16xf32, #tpu.memory_space<vmem>>) dst(%dma_wait3A_648 : memref<16xf32, #tpu.memory_space<hbm>>)
        tpu.yield
      }) : () -> ()
    } else {
    }
    return
  }
}

module attributes {stable_mosaic.version = 14 : i64} {
  func.func @_fast_body(%arg0: i32, %arg1: memref<128x4096xf32, #tpu.memory_space<vmem>>, %arg2: memref<128x4096xf32, #tpu.memory_space<vmem>>, %arg3: memref<128x1xf32, #tpu.memory_space<vmem>>, %arg4: memref<1x1xi32, #tpu.memory_space<smem>>, %arg5: memref<1x1xf32, #tpu.memory_space<smem>>, %arg6: memref<1x1xi32, #tpu.memory_space<smem>>, %arg7: memref<128x128xf32, #tpu.memory_space<vmem>>, %arg8: memref<128x128xf32, #tpu.memory_space<vmem>>) attributes {dimension_semantics = [#tpu.dimension_semantics<arbitrary>], iteration_bounds = array<i64: 13>, scalar_prefetch = 0 : i64, scratch_operands = 2 : i64, tpu.core_type = #tpu.core_type<tc>, window_params = [{transform_indices = @transform_0, window_bounds = array<i64: 128, 4096>}, {transform_indices = @transform_1, window_bounds = array<i64: 128, 4096>}, {pipeline_mode = #tpu.pipeline_mode<synchronous>, transform_indices = @transform_2, window_bounds = array<i64: 128, 1>}, {transform_indices = @transform_3, window_bounds = array<i64: 1, 1>}, {transform_indices = @transform_4, window_bounds = array<i64: 1, 1>}, {transform_indices = @transform_5, window_bounds = array<i64: 1, 1>}]} {
    %get3A = arith.constant 0 : index
    %get3A_0 = arith.constant 0 : index
    %get3A_1 = vector.load %arg3[%get3A, %get3A_0] : memref<128x1xf32, #tpu.memory_space<vmem>>, vector<128x1xf32>
    %eq3A = arith.constant 0 : i32
    %eq3A_2 = arith.cmpi eq, %arg0, %eq3A : i32
    %convert_element_type3A = arith.extui %eq3A_2 : i1 to i32
    %cond3A = arith.constant 0 : i32
    %cond3A_3 = arith.cmpi ne, %convert_element_type3A, %cond3A : i32
    scf.if %cond3A_3 {
      %broadcast_in_dim3A = arith.constant 0.000000e+00 : f32
      %broadcast_in_dim3A_13 = vector.broadcast %broadcast_in_dim3A : f32 to vector<128x128xf32>
      %swap3A = arith.constant 0 : index
      %swap3A_14 = arith.constant 0 : index
      %swap3A_15 = vector.load %arg7[%swap3A, %swap3A_14] : memref<128x128xf32, #tpu.memory_space<vmem>>, vector<128x128xf32>
      tpu.vector_store %arg7[%swap3A, %swap3A_14], %broadcast_in_dim3A_13 {strides = array<i32>} : memref<128x128xf32, #tpu.memory_space<vmem>>, vector<128x128xf32>,
      %broadcast_in_dim3A_16 = arith.constant 0.000000e+00 : f32
      %broadcast_in_dim3A_17 = vector.broadcast %broadcast_in_dim3A_16 : f32 to vector<128x128xf32>
      %swap3A_18 = arith.constant 0 : index
      %swap3A_19 = arith.constant 0 : index
      %swap3A_20 = vector.load %arg8[%swap3A_18, %swap3A_19] : memref<128x128xf32, #tpu.memory_space<vmem>>, vector<128x128xf32>
      tpu.vector_store %arg8[%swap3A_18, %swap3A_19], %broadcast_in_dim3A_17 {strides = array<i32>} : memref<128x128xf32, #tpu.memory_space<vmem>>, vector<128x128xf32>,
    } else {
    }
    %ne3A = arith.constant 12 : i32
    %ne3A_4 = arith.cmpi ne, %arg0, %ne3A : i32
    %convert_element_type3A_5 = arith.extui %ne3A_4 : i1 to i32
    %cond3A_6 = arith.constant 0 : i32
    %cond3A_7 = arith.cmpi ne, %convert_element_type3A_5, %cond3A_6 : i32
    scf.if %cond3A_7 {
      %get3A_13 = arith.constant 0 : index
      %get3A_14 = arith.constant 0 : index
      %get3A_15 = vector.load %arg1[%get3A_13, %get3A_14] : memref<128x4096xf32, #tpu.memory_space<vmem>>, vector<128x4096xf32>
      %slice3A = vector.extract_strided_slice %get3A_15 {offsets = [0, 0], sizes = [128, 128], strides = [1, 1]} : vector<128x4096xf32> to vector<128x128xf32>
      %gt3A = vector.broadcast %get3A_1 : vector<128x1xf32> to vector<128x128xf32>
      %gt3A_16 = arith.cmpf ogt, %slice3A, %gt3A : vector<128x128xf32>
      %convert_element_type3A_17 = arith.extui %gt3A_16 : vector<128x128xi1> to vector<128x128xi32>
      %convert_element_type3A_18 = arith.sitofp %convert_element_type3A_17 : vector<128x128xi32> to vector<128x128xf32>
      %ge3A = vector.broadcast %get3A_1 : vector<128x1xf32> to vector<128x128xf32>
      %ge3A_19 = arith.cmpf oge, %slice3A, %ge3A : vector<128x128xf32>
      %convert_element_type3A_20 = arith.extui %ge3A_19 : vector<128x128xi1> to vector<128x128xi32>
      %convert_element_type3A_21 = arith.sitofp %convert_element_type3A_20 : vector<128x128xi32> to vector<128x128xf32>
      %slice3A_22 = vector.extract_strided_slice %get3A_15 {offsets = [0, 128], sizes = [128, 128], strides = [1, 1]} : vector<128x4096xf32> to vector<128x128xf32>
      %gt3A_23 = vector.broadcast %get3A_1 : vector<128x1xf32> to vector<128x128xf32>
      %gt3A_24 = arith.cmpf ogt, %slice3A_22, %gt3A_23 : vector<128x128xf32>
      %convert_element_type3A_25 = arith.extui %gt3A_24 : vector<128x128xi1> to vector<128x128xi32>
      %convert_element_type3A_26 = arith.sitofp %convert_element_type3A_25 : vector<128x128xi32> to vector<128x128xf32>
      %ge3A_27 = vector.broadcast %get3A_1 : vector<128x1xf32> to vector<128x128xf32>
      %ge3A_28 = arith.cmpf oge, %slice3A_22, %ge3A_27 : vector<128x128xf32>
      %convert_element_type3A_29 = arith.extui %ge3A_28 : vector<128x128xi1> to vector<128x128xi32>
      %convert_element_type3A_30 = arith.sitofp %convert_element_type3A_29 : vector<128x128xi32> to vector<128x128xf32>
      %slice3A_31 = vector.extract_strided_slice %get3A_15 {offsets = [0, 256], sizes = [128, 128], strides = [1, 1]} : vector<128x4096xf32> to vector<128x128xf32>
      %gt3A_32 = vector.broadcast %get3A_1 : vector<128x1xf32> to vector<128x128xf32>
      %gt3A_33 = arith.cmpf ogt, %slice3A_31, %gt3A_32 : vector<128x128xf32>
      %convert_element_type3A_34 = arith.extui %gt3A_33 : vector<128x128xi1> to vector<128x128xi32>
      %convert_element_type3A_35 = arith.sitofp %convert_element_type3A_34 : vector<128x128xi32> to vector<128x128xf32>
      %ge3A_36 = vector.broadcast %get3A_1 : vector<128x1xf32> to vector<128x128xf32>
      %ge3A_37 = arith.cmpf oge, %slice3A_31, %ge3A_36 : vector<128x128xf32>
      %convert_element_type3A_38 = arith.extui %ge3A_37 : vector<128x128xi1> to vector<128x128xi32>
      %convert_element_type3A_39 = arith.sitofp %convert_element_type3A_38 : vector<128x128xi32> to vector<128x128xf32>
      %add3A = arith.addf %convert_element_type3A_18, %convert_element_type3A_35 : vector<128x128xf32>
      %add3A_40 = arith.addf %convert_element_type3A_21, %convert_element_type3A_39 : vector<128x128xf32>
      %slice3A_41 = vector.extract_strided_slice %get3A_15 {offsets = [0, 384], sizes = [128, 128], strides = [1, 1]} : vector<128x4096xf32> to vector<128x128xf32>
      %gt3A_42 = vector.broadcast %get3A_1 : vector<128x1xf32> to vector<128x128xf32>
      %gt3A_43 = arith.cmpf ogt, %slice3A_41, %gt3A_42 : vector<128x128xf32>
      %convert_element_type3A_44 = arith.extui %gt3A_43 : vector<128x128xi1> to vector<128x128xi32>
      %convert_element_type3A_45 = arith.sitofp %convert_element_type3A_44 : vector<128x128xi32> to vector<128x128xf32>
      %ge3A_46 = vector.broadcast %get3A_1 : vector<128x1xf32> to vector<128x128xf32>
      %ge3A_47 = arith.cmpf oge, %slice3A_41, %ge3A_46 : vector<128x128xf32>
      %convert_element_type3A_48 = arith.extui %ge3A_47 : vector<128x128xi1> to vector<128x128xi32>
      %convert_element_type3A_49 = arith.sitofp %convert_element_type3A_48 : vector<128x128xi32> to vector<128x128xf32>
      %add3A_50 = arith.addf %convert_element_type3A_26, %convert_element_type3A_45 : vector<128x128xf32>
      %add3A_51 = arith.addf %convert_element_type3A_30, %convert_element_type3A_49 : vector<128x128xf32>
      %slice3A_52 = vector.extract_strided_slice %get3A_15 {offsets = [0, 512], sizes = [128, 128], strides = [1, 1]} : vector<128x4096xf32> to vector<128x128xf32>
      %gt3A_53 = vector.broadcast %get3A_1 : vector<128x1xf32> to vector<128x128xf32>
      %gt3A_54 = arith.cmpf ogt, %slice3A_52, %gt3A_53 : vector<128x128xf32>
      %convert_element_type3A_55 = arith.extui %gt3A_54 : vector<128x128xi1> to vector<128x128xi32>
      %convert_element_type3A_56 = arith.sitofp %convert_element_type3A_55 : vector<128x128xi32> to vector<128x128xf32>
      %ge3A_57 = vector.broadcast %get3A_1 : vector<128x1xf32> to vector<128x128xf32>
      %ge3A_58 = arith.cmpf oge, %slice3A_52, %ge3A_57 : vector<128x128xf32>
      %convert_element_type3A_59 = arith.extui %ge3A_58 : vector<128x128xi1> to vector<128x128xi32>
      %convert_element_type3A_60 = arith.sitofp %convert_element_type3A_59 : vector<128x128xi32> to vector<128x128xf32>
      %add3A_61 = arith.addf %add3A, %convert_element_type3A_56 : vector<128x128xf32>
      %add3A_62 = arith.addf %add3A_40, %convert_element_type3A_60 : vector<128x128xf32>
      %slice3A_63 = vector.extract_strided_slice %get3A_15 {offsets = [0, 640], sizes = [128, 128], strides = [1, 1]} : vector<128x4096xf32> to vector<128x128xf32>
      %gt3A_64 = vector.broadcast %get3A_1 : vector<128x1xf32> to vector<128x128xf32>
      %gt3A_65 = arith.cmpf ogt, %slice3A_63, %gt3A_64 : vector<128x128xf32>
      %convert_element_type3A_66 = arith.extui %gt3A_65 : vector<128x128xi1> to vector<128x128xi32>
      %convert_element_type3A_67 = arith.sitofp %convert_element_type3A_66 : vector<128x128xi32> to vector<128x128xf32>
      %ge3A_68 = vector.broadcast %get3A_1 : vector<128x1xf32> to vector<128x128xf32>
      %ge3A_69 = arith.cmpf oge, %slice3A_63, %ge3A_68 : vector<128x128xf32>
      %convert_element_type3A_70 = arith.extui %ge3A_69 : vector<128x128xi1> to vector<128x128xi32>
      %convert_element_type3A_71 = arith.sitofp %convert_element_type3A_70 : vector<128x128xi32> to vector<128x128xf32>
      %add3A_72 = arith.addf %add3A_50, %convert_element_type3A_67 : vector<128x128xf32>
      %add3A_73 = arith.addf %add3A_51, %convert_element_type3A_71 : vector<128x128xf32>
      %slice3A_74 = vector.extract_strided_slice %get3A_15 {offsets = [0, 768], sizes = [128, 128], strides = [1, 1]} : vector<128x4096xf32> to vector<128x128xf32>
      %gt3A_75 = vector.broadcast %get3A_1 : vector<128x1xf32> to vector<128x128xf32>
      %gt3A_76 = arith.cmpf ogt, %slice3A_74, %gt3A_75 : vector<128x128xf32>
      %convert_element_type3A_77 = arith.extui %gt3A_76 : vector<128x128xi1> to vector<128x128xi32>
      %convert_element_type3A_78 = arith.sitofp %convert_element_type3A_77 : vector<128x128xi32> to vector<128x128xf32>
      %ge3A_79 = vector.broadcast %get3A_1 : vector<128x1xf32> to vector<128x128xf32>
      %ge3A_80 = arith.cmpf oge, %slice3A_74, %ge3A_79 : vector<128x128xf32>
      %convert_element_type3A_81 = arith.extui %ge3A_80 : vector<128x128xi1> to vector<128x128xi32>
      %convert_element_type3A_82 = arith.sitofp %convert_element_type3A_81 : vector<128x128xi32> to vector<128x128xf32>
      %add3A_83 = arith.addf %add3A_61, %convert_element_type3A_78 : vector<128x128xf32>
      %add3A_84 = arith.addf %add3A_62, %convert_element_type3A_82 : vector<128x128xf32>
      %slice3A_85 = vector.extract_strided_slice %get3A_15 {offsets = [0, 896], sizes = [128, 128], strides = [1, 1]} : vector<128x4096xf32> to vector<128x128xf32>
      %gt3A_86 = vector.broadcast %get3A_1 : vector<128x1xf32> to vector<128x128xf32>
      %gt3A_87 = arith.cmpf ogt, %slice3A_85, %gt3A_86 : vector<128x128xf32>
      %convert_element_type3A_88 = arith.extui %gt3A_87 : vector<128x128xi1> to vector<128x128xi32>
      %convert_element_type3A_89 = arith.sitofp %convert_element_type3A_88 : vector<128x128xi32> to vector<128x128xf32>
      %ge3A_90 = vector.broadcast %get3A_1 : vector<128x1xf32> to vector<128x128xf32>
      %ge3A_91 = arith.cmpf oge, %slice3A_85, %ge3A_90 : vector<128x128xf32>
      %convert_element_type3A_92 = arith.extui %ge3A_91 : vector<128x128xi1> to vector<128x128xi32>
      %convert_element_type3A_93 = arith.sitofp %convert_element_type3A_92 : vector<128x128xi32> to vector<128x128xf32>
      %add3A_94 = arith.addf %add3A_72, %convert_element_type3A_89 : vector<128x128xf32>
      %add3A_95 = arith.addf %add3A_73, %convert_element_type3A_93 : vector<128x128xf32>
      %slice3A_96 = vector.extract_strided_slice %get3A_15 {offsets = [0, 1024], sizes = [128, 128], strides = [1, 1]} : vector<128x4096xf32> to vector<128x128xf32>
      %gt3A_97 = vector.broadcast %get3A_1 : vector<128x1xf32> to vector<128x128xf32>
      %gt3A_98 = arith.cmpf ogt, %slice3A_96, %gt3A_97 : vector<128x128xf32>
      %convert_element_type3A_99 = arith.extui %gt3A_98 : vector<128x128xi1> to vector<128x128xi32>
      %convert_element_type3A_100 = arith.sitofp %convert_element_type3A_99 : vector<128x128xi32> to vector<128x128xf32>
      %ge3A_101 = vector.broadcast %get3A_1 : vector<128x1xf32> to vector<128x128xf32>
      %ge3A_102 = arith.cmpf oge, %slice3A_96, %ge3A_101 : vector<128x128xf32>
      %convert_element_type3A_103 = arith.extui %ge3A_102 : vector<128x128xi1> to vector<128x128xi32>
      %convert_element_type3A_104 = arith.sitofp %convert_element_type3A_103 : vector<128x128xi32> to vector<128x128xf32>
      %add3A_105 = arith.addf %add3A_83, %convert_element_type3A_100 : vector<128x128xf32>
      %add3A_106 = arith.addf %add3A_84, %convert_element_type3A_104 : vector<128x128xf32>
      %slice3A_107 = vector.extract_strided_slice %get3A_15 {offsets = [0, 1152], sizes = [128, 128], strides = [1, 1]} : vector<128x4096xf32> to vector<128x128xf32>
      %gt3A_108 = vector.broadcast %get3A_1 : vector<128x1xf32> to vector<128x128xf32>
      %gt3A_109 = arith.cmpf ogt, %slice3A_107, %gt3A_108 : vector<128x128xf32>
      %convert_element_type3A_110 = arith.extui %gt3A_109 : vector<128x128xi1> to vector<128x128xi32>
      %convert_element_type3A_111 = arith.sitofp %convert_element_type3A_110 : vector<128x128xi32> to vector<128x128xf32>
      %ge3A_112 = vector.broadcast %get3A_1 : vector<128x1xf32> to vector<128x128xf32>
      %ge3A_113 = arith.cmpf oge, %slice3A_107, %ge3A_112 : vector<128x128xf32>
      %convert_element_type3A_114 = arith.extui %ge3A_113 : vector<128x128xi1> to vector<128x128xi32>
      %convert_element_type3A_115 = arith.sitofp %convert_element_type3A_114 : vector<128x128xi32> to vector<128x128xf32>
      %add3A_116 = arith.addf %add3A_94, %convert_element_type3A_111 : vector<128x128xf32>
      %add3A_117 = arith.addf %add3A_95, %convert_element_type3A_115 : vector<128x128xf32>
      %slice3A_118 = vector.extract_strided_slice %get3A_15 {offsets = [0, 1280], sizes = [128, 128], strides = [1, 1]} : vector<128x4096xf32> to vector<128x128xf32>
      %gt3A_119 = vector.broadcast %get3A_1 : vector<128x1xf32> to vector<128x128xf32>
      %gt3A_120 = arith.cmpf ogt, %slice3A_118, %gt3A_119 : vector<128x128xf32>
      %convert_element_type3A_121 = arith.extui %gt3A_120 : vector<128x128xi1> to vector<128x128xi32>
      %convert_element_type3A_122 = arith.sitofp %convert_element_type3A_121 : vector<128x128xi32> to vector<128x128xf32>
      %ge3A_123 = vector.broadcast %get3A_1 : vector<128x1xf32> to vector<128x128xf32>
      %ge3A_124 = arith.cmpf oge, %slice3A_118, %ge3A_123 : vector<128x128xf32>
      %convert_element_type3A_125 = arith.extui %ge3A_124 : vector<128x128xi1> to vector<128x128xi32>
      %convert_element_type3A_126 = arith.sitofp %convert_element_type3A_125 : vector<128x128xi32> to vector<128x128xf32>
      %add3A_127 = arith.addf %add3A_105, %convert_element_type3A_122 : vector<128x128xf32>
      %add3A_128 = arith.addf %add3A_106, %convert_element_type3A_126 : vector<128x128xf32>
      %slice3A_129 = vector.extract_strided_slice %get3A_15 {offsets = [0, 1408], sizes = [128, 128], strides = [1, 1]} : vector<128x4096xf32> to vector<128x128xf32>
      %gt3A_130 = vector.broadcast %get3A_1 : vector<128x1xf32> to vector<128x128xf32>
      %gt3A_131 = arith.cmpf ogt, %slice3A_129, %gt3A_130 : vector<128x128xf32>
      %convert_element_type3A_132 = arith.extui %gt3A_131 : vector<128x128xi1> to vector<128x128xi32>
      %convert_element_type3A_133 = arith.sitofp %convert_element_type3A_132 : vector<128x128xi32> to vector<128x128xf32>
      %ge3A_134 = vector.broadcast %get3A_1 : vector<128x1xf32> to vector<128x128xf32>
      %ge3A_135 = arith.cmpf oge, %slice3A_129, %ge3A_134 : vector<128x128xf32>
      %convert_element_type3A_136 = arith.extui %ge3A_135 : vector<128x128xi1> to vector<128x128xi32>
      %convert_element_type3A_137 = arith.sitofp %convert_element_type3A_136 : vector<128x128xi32> to vector<128x128xf32>
      %add3A_138 = arith.addf %add3A_116, %convert_element_type3A_133 : vector<128x128xf32>
      %add3A_139 = arith.addf %add3A_117, %convert_element_type3A_137 : vector<128x128xf32>
      %slice3A_140 = vector.extract_strided_slice %get3A_15 {offsets = [0, 1536], sizes = [128, 128], strides = [1, 1]} : vector<128x4096xf32> to vector<128x128xf32>
      %gt3A_141 = vector.broadcast %get3A_1 : vector<128x1xf32> to vector<128x128xf32>
      %gt3A_142 = arith.cmpf ogt, %slice3A_140, %gt3A_141 : vector<128x128xf32>
      %convert_element_type3A_143 = arith.extui %gt3A_142 : vector<128x128xi1> to vector<128x128xi32>
      %convert_element_type3A_144 = arith.sitofp %convert_element_type3A_143 : vector<128x128xi32> to vector<128x128xf32>
      %ge3A_145 = vector.broadcast %get3A_1 : vector<128x1xf32> to vector<128x128xf32>
      %ge3A_146 = arith.cmpf oge, %slice3A_140, %ge3A_145 : vector<128x128xf32>
      %convert_element_type3A_147 = arith.extui %ge3A_146 : vector<128x128xi1> to vector<128x128xi32>
      %convert_element_type3A_148 = arith.sitofp %convert_element_type3A_147 : vector<128x128xi32> to vector<128x128xf32>
      %add3A_149 = arith.addf %add3A_127, %convert_element_type3A_144 : vector<128x128xf32>
      %add3A_150 = arith.addf %add3A_128, %convert_element_type3A_148 : vector<128x128xf32>
      %slice3A_151 = vector.extract_strided_slice %get3A_15 {offsets = [0, 1664], sizes = [128, 128], strides = [1, 1]} : vector<128x4096xf32> to vector<128x128xf32>
      %gt3A_152 = vector.broadcast %get3A_1 : vector<128x1xf32> to vector<128x128xf32>
      %gt3A_153 = arith.cmpf ogt, %slice3A_151, %gt3A_152 : vector<128x128xf32>
      %convert_element_type3A_154 = arith.extui %gt3A_153 : vector<128x128xi1> to vector<128x128xi32>
      %convert_element_type3A_155 = arith.sitofp %convert_element_type3A_154 : vector<128x128xi32> to vector<128x128xf32>
      %ge3A_156 = vector.broadcast %get3A_1 : vector<128x1xf32> to vector<128x128xf32>
      %ge3A_157 = arith.cmpf oge, %slice3A_151, %ge3A_156 : vector<128x128xf32>
      %convert_element_type3A_158 = arith.extui %ge3A_157 : vector<128x128xi1> to vector<128x128xi32>
      %convert_element_type3A_159 = arith.sitofp %convert_element_type3A_158 : vector<128x128xi32> to vector<128x128xf32>
      %add3A_160 = arith.addf %add3A_138, %convert_element_type3A_155 : vector<128x128xf32>
      %add3A_161 = arith.addf %add3A_139, %convert_element_type3A_159 : vector<128x128xf32>
      %slice3A_162 = vector.extract_strided_slice %get3A_15 {offsets = [0, 1792], sizes = [128, 128], strides = [1, 1]} : vector<128x4096xf32> to vector<128x128xf32>
      %gt3A_163 = vector.broadcast %get3A_1 : vector<128x1xf32> to vector<128x128xf32>
      %gt3A_164 = arith.cmpf ogt, %slice3A_162, %gt3A_163 : vector<128x128xf32>
      %convert_element_type3A_165 = arith.extui %gt3A_164 : vector<128x128xi1> to vector<128x128xi32>
      %convert_element_type3A_166 = arith.sitofp %convert_element_type3A_165 : vector<128x128xi32> to vector<128x128xf32>
      %ge3A_167 = vector.broadcast %get3A_1 : vector<128x1xf32> to vector<128x128xf32>
      %ge3A_168 = arith.cmpf oge, %slice3A_162, %ge3A_167 : vector<128x128xf32>
      %convert_element_type3A_169 = arith.extui %ge3A_168 : vector<128x128xi1> to vector<128x128xi32>
      %convert_element_type3A_170 = arith.sitofp %convert_element_type3A_169 : vector<128x128xi32> to vector<128x128xf32>
      %add3A_171 = arith.addf %add3A_149, %convert_element_type3A_166 : vector<128x128xf32>
      %add3A_172 = arith.addf %add3A_150, %convert_element_type3A_170 : vector<128x128xf32>
      %slice3A_173 = vector.extract_strided_slice %get3A_15 {offsets = [0, 1920], sizes = [128, 128], strides = [1, 1]} : vector<128x4096xf32> to vector<128x128xf32>
      %gt3A_174 = vector.broadcast %get3A_1 : vector<128x1xf32> to vector<128x128xf32>
      %gt3A_175 = arith.cmpf ogt, %slice3A_173, %gt3A_174 : vector<128x128xf32>
      %convert_element_type3A_176 = arith.extui %gt3A_175 : vector<128x128xi1> to vector<128x128xi32>
      %convert_element_type3A_177 = arith.sitofp %convert_element_type3A_176 : vector<128x128xi32> to vector<128x128xf32>
      %ge3A_178 = vector.broadcast %get3A_1 : vector<128x1xf32> to vector<128x128xf32>
      %ge3A_179 = arith.cmpf oge, %slice3A_173, %ge3A_178 : vector<128x128xf32>
      %convert_element_type3A_180 = arith.extui %ge3A_179 : vector<128x128xi1> to vector<128x128xi32>
      %convert_element_type3A_181 = arith.sitofp %convert_element_type3A_180 : vector<128x128xi32> to vector<128x128xf32>
      %add3A_182 = arith.addf %add3A_160, %convert_element_type3A_177 : vector<128x128xf32>
      %add3A_183 = arith.addf %add3A_161, %convert_element_type3A_181 : vector<128x128xf32>
      %slice3A_184 = vector.extract_strided_slice %get3A_15 {offsets = [0, 2048], sizes = [128, 128], strides = [1, 1]} : vector<128x4096xf32> to vector<128x128xf32>
      %gt3A_185 = vector.broadcast %get3A_1 : vector<128x1xf32> to vector<128x128xf32>
      %gt3A_186 = arith.cmpf ogt, %slice3A_184, %gt3A_185 : vector<128x128xf32>
      %convert_element_type3A_187 = arith.extui %gt3A_186 : vector<128x128xi1> to vector<128x128xi32>
      %convert_element_type3A_188 = arith.sitofp %convert_element_type3A_187 : vector<128x128xi32> to vector<128x128xf32>
      %ge3A_189 = vector.broadcast %get3A_1 : vector<128x1xf32> to vector<128x128xf32>
      %ge3A_190 = arith.cmpf oge, %slice3A_184, %ge3A_189 : vector<128x128xf32>
      %convert_element_type3A_191 = arith.extui %ge3A_190 : vector<128x128xi1> to vector<128x128xi32>
      %convert_element_type3A_192 = arith.sitofp %convert_element_type3A_191 : vector<128x128xi32> to vector<128x128xf32>
      %add3A_193 = arith.addf %add3A_171, %convert_element_type3A_188 : vector<128x128xf32>
      %add3A_194 = arith.addf %add3A_172, %convert_element_type3A_192 : vector<128x128xf32>
      %slice3A_195 = vector.extract_strided_slice %get3A_15 {offsets = [0, 2176], sizes = [128, 128], strides = [1, 1]} : vector<128x4096xf32> to vector<128x128xf32>
      %gt3A_196 = vector.broadcast %get3A_1 : vector<128x1xf32> to vector<128x128xf32>
      %gt3A_197 = arith.cmpf ogt, %slice3A_195, %gt3A_196 : vector<128x128xf32>
      %convert_element_type3A_198 = arith.extui %gt3A_197 : vector<128x128xi1> to vector<128x128xi32>
      %convert_element_type3A_199 = arith.sitofp %convert_element_type3A_198 : vector<128x128xi32> to vector<128x128xf32>
      %ge3A_200 = vector.broadcast %get3A_1 : vector<128x1xf32> to vector<128x128xf32>
      %ge3A_201 = arith.cmpf oge, %slice3A_195, %ge3A_200 : vector<128x128xf32>
      %convert_element_type3A_202 = arith.extui %ge3A_201 : vector<128x128xi1> to vector<128x128xi32>
      %convert_element_type3A_203 = arith.sitofp %convert_element_type3A_202 : vector<128x128xi32> to vector<128x128xf32>
      %add3A_204 = arith.addf %add3A_182, %convert_element_type3A_199 : vector<128x128xf32>
      %add3A_205 = arith.addf %add3A_183, %convert_element_type3A_203 : vector<128x128xf32>
      %slice3A_206 = vector.extract_strided_slice %get3A_15 {offsets = [0, 2304], sizes = [128, 128], strides = [1, 1]} : vector<128x4096xf32> to vector<128x128xf32>
      %gt3A_207 = vector.broadcast %get3A_1 : vector<128x1xf32> to vector<128x128xf32>
      %gt3A_208 = arith.cmpf ogt, %slice3A_206, %gt3A_207 : vector<128x128xf32>
      %convert_element_type3A_209 = arith.extui %gt3A_208 : vector<128x128xi1> to vector<128x128xi32>
      %convert_element_type3A_210 = arith.sitofp %convert_element_type3A_209 : vector<128x128xi32> to vector<128x128xf32>
      %ge3A_211 = vector.broadcast %get3A_1 : vector<128x1xf32> to vector<128x128xf32>
      %ge3A_212 = arith.cmpf oge, %slice3A_206, %ge3A_211 : vector<128x128xf32>
      %convert_element_type3A_213 = arith.extui %ge3A_212 : vector<128x128xi1> to vector<128x128xi32>
      %convert_element_type3A_214 = arith.sitofp %convert_element_type3A_213 : vector<128x128xi32> to vector<128x128xf32>
      %add3A_215 = arith.addf %add3A_193, %convert_element_type3A_210 : vector<128x128xf32>
      %add3A_216 = arith.addf %add3A_194, %convert_element_type3A_214 : vector<128x128xf32>
      %slice3A_217 = vector.extract_strided_slice %get3A_15 {offsets = [0, 2432], sizes = [128, 128], strides = [1, 1]} : vector<128x4096xf32> to vector<128x128xf32>
      %gt3A_218 = vector.broadcast %get3A_1 : vector<128x1xf32> to vector<128x128xf32>
      %gt3A_219 = arith.cmpf ogt, %slice3A_217, %gt3A_218 : vector<128x128xf32>
      %convert_element_type3A_220 = arith.extui %gt3A_219 : vector<128x128xi1> to vector<128x128xi32>
      %convert_element_type3A_221 = arith.sitofp %convert_element_type3A_220 : vector<128x128xi32> to vector<128x128xf32>
      %ge3A_222 = vector.broadcast %get3A_1 : vector<128x1xf32> to vector<128x128xf32>
      %ge3A_223 = arith.cmpf oge, %slice3A_217, %ge3A_222 : vector<128x128xf32>
      %convert_element_type3A_224 = arith.extui %ge3A_223 : vector<128x128xi1> to vector<128x128xi32>
      %convert_element_type3A_225 = arith.sitofp %convert_element_type3A_224 : vector<128x128xi32> to vector<128x128xf32>
      %add3A_226 = arith.addf %add3A_204, %convert_element_type3A_221 : vector<128x128xf32>
      %add3A_227 = arith.addf %add3A_205, %convert_element_type3A_225 : vector<128x128xf32>
      %slice3A_228 = vector.extract_strided_slice %get3A_15 {offsets = [0, 2560], sizes = [128, 128], strides = [1, 1]} : vector<128x4096xf32> to vector<128x128xf32>
      %gt3A_229 = vector.broadcast %get3A_1 : vector<128x1xf32> to vector<128x128xf32>
      %gt3A_230 = arith.cmpf ogt, %slice3A_228, %gt3A_229 : vector<128x128xf32>
      %convert_element_type3A_231 = arith.extui %gt3A_230 : vector<128x128xi1> to vector<128x128xi32>
      %convert_element_type3A_232 = arith.sitofp %convert_element_type3A_231 : vector<128x128xi32> to vector<128x128xf32>
      %ge3A_233 = vector.broadcast %get3A_1 : vector<128x1xf32> to vector<128x128xf32>
      %ge3A_234 = arith.cmpf oge, %slice3A_228, %ge3A_233 : vector<128x128xf32>
      %convert_element_type3A_235 = arith.extui %ge3A_234 : vector<128x128xi1> to vector<128x128xi32>
      %convert_element_type3A_236 = arith.sitofp %convert_element_type3A_235 : vector<128x128xi32> to vector<128x128xf32>
      %add3A_237 = arith.addf %add3A_215, %convert_element_type3A_232 : vector<128x128xf32>
      %add3A_238 = arith.addf %add3A_216, %convert_element_type3A_236 : vector<128x128xf32>
      %slice3A_239 = vector.extract_strided_slice %get3A_15 {offsets = [0, 2688], sizes = [128, 128], strides = [1, 1]} : vector<128x4096xf32> to vector<128x128xf32>
      %gt3A_240 = vector.broadcast %get3A_1 : vector<128x1xf32> to vector<128x128xf32>
      %gt3A_241 = arith.cmpf ogt, %slice3A_239, %gt3A_240 : vector<128x128xf32>
      %convert_element_type3A_242 = arith.extui %gt3A_241 : vector<128x128xi1> to vector<128x128xi32>
      %convert_element_type3A_243 = arith.sitofp %convert_element_type3A_242 : vector<128x128xi32> to vector<128x128xf32>
      %ge3A_244 = vector.broadcast %get3A_1 : vector<128x1xf32> to vector<128x128xf32>
      %ge3A_245 = arith.cmpf oge, %slice3A_239, %ge3A_244 : vector<128x128xf32>
      %convert_element_type3A_246 = arith.extui %ge3A_245 : vector<128x128xi1> to vector<128x128xi32>
      %convert_element_type3A_247 = arith.sitofp %convert_element_type3A_246 : vector<128x128xi32> to vector<128x128xf32>
      %add3A_248 = arith.addf %add3A_226, %convert_element_type3A_243 : vector<128x128xf32>
      %add3A_249 = arith.addf %add3A_227, %convert_element_type3A_247 : vector<128x128xf32>
      %slice3A_250 = vector.extract_strided_slice %get3A_15 {offsets = [0, 2816], sizes = [128, 128], strides = [1, 1]} : vector<128x4096xf32> to vector<128x128xf32>
      %gt3A_251 = vector.broadcast %get3A_1 : vector<128x1xf32> to vector<128x128xf32>
      %gt3A_252 = arith.cmpf ogt, %slice3A_250, %gt3A_251 : vector<128x128xf32>
      %convert_element_type3A_253 = arith.extui %gt3A_252 : vector<128x128xi1> to vector<128x128xi32>
      %convert_element_type3A_254 = arith.sitofp %convert_element_type3A_253 : vector<128x128xi32> to vector<128x128xf32>
      %ge3A_255 = vector.broadcast %get3A_1 : vector<128x1xf32> to vector<128x128xf32>
      %ge3A_256 = arith.cmpf oge, %slice3A_250, %ge3A_255 : vector<128x128xf32>
      %convert_element_type3A_257 = arith.extui %ge3A_256 : vector<128x128xi1> to vector<128x128xi32>
      %convert_element_type3A_258 = arith.sitofp %convert_element_type3A_257 : vector<128x128xi32> to vector<128x128xf32>
      %add3A_259 = arith.addf %add3A_237, %convert_element_type3A_254 : vector<128x128xf32>
      %add3A_260 = arith.addf %add3A_238, %convert_element_type3A_258 : vector<128x128xf32>
      %slice3A_261 = vector.extract_strided_slice %get3A_15 {offsets = [0, 2944], sizes = [128, 128], strides = [1, 1]} : vector<128x4096xf32> to vector<128x128xf32>
      %gt3A_262 = vector.broadcast %get3A_1 : vector<128x1xf32> to vector<128x128xf32>
      %gt3A_263 = arith.cmpf ogt, %slice3A_261, %gt3A_262 : vector<128x128xf32>
      %convert_element_type3A_264 = arith.extui %gt3A_263 : vector<128x128xi1> to vector<128x128xi32>
      %convert_element_type3A_265 = arith.sitofp %convert_element_type3A_264 : vector<128x128xi32> to vector<128x128xf32>
      %ge3A_266 = vector.broadcast %get3A_1 : vector<128x1xf32> to vector<128x128xf32>
      %ge3A_267 = arith.cmpf oge, %slice3A_261, %ge3A_266 : vector<128x128xf32>
      %convert_element_type3A_268 = arith.extui %ge3A_267 : vector<128x128xi1> to vector<128x128xi32>
      %convert_element_type3A_269 = arith.sitofp %convert_element_type3A_268 : vector<128x128xi32> to vector<128x128xf32>
      %add3A_270 = arith.addf %add3A_248, %convert_element_type3A_265 : vector<128x128xf32>
      %add3A_271 = arith.addf %add3A_249, %convert_element_type3A_269 : vector<128x128xf32>
      %slice3A_272 = vector.extract_strided_slice %get3A_15 {offsets = [0, 3072], sizes = [128, 128], strides = [1, 1]} : vector<128x4096xf32> to vector<128x128xf32>
      %gt3A_273 = vector.broadcast %get3A_1 : vector<128x1xf32> to vector<128x128xf32>
      %gt3A_274 = arith.cmpf ogt, %slice3A_272, %gt3A_273 : vector<128x128xf32>
      %convert_element_type3A_275 = arith.extui %gt3A_274 : vector<128x128xi1> to vector<128x128xi32>
      %convert_element_type3A_276 = arith.sitofp %convert_element_type3A_275 : vector<128x128xi32> to vector<128x128xf32>
      %ge3A_277 = vector.broadcast %get3A_1 : vector<128x1xf32> to vector<128x128xf32>
      %ge3A_278 = arith.cmpf oge, %slice3A_272, %ge3A_277 : vector<128x128xf32>
      %convert_element_type3A_279 = arith.extui %ge3A_278 : vector<128x128xi1> to vector<128x128xi32>
      %convert_element_type3A_280 = arith.sitofp %convert_element_type3A_279 : vector<128x128xi32> to vector<128x128xf32>
      %add3A_281 = arith.addf %add3A_259, %convert_element_type3A_276 : vector<128x128xf32>
      %add3A_282 = arith.addf %add3A_260, %convert_element_type3A_280 : vector<128x128xf32>
      %slice3A_283 = vector.extract_strided_slice %get3A_15 {offsets = [0, 3200], sizes = [128, 128], strides = [1, 1]} : vector<128x4096xf32> to vector<128x128xf32>
      %gt3A_284 = vector.broadcast %get3A_1 : vector<128x1xf32> to vector<128x128xf32>
      %gt3A_285 = arith.cmpf ogt, %slice3A_283, %gt3A_284 : vector<128x128xf32>
      %convert_element_type3A_286 = arith.extui %gt3A_285 : vector<128x128xi1> to vector<128x128xi32>
      %convert_element_type3A_287 = arith.sitofp %convert_element_type3A_286 : vector<128x128xi32> to vector<128x128xf32>
      %ge3A_288 = vector.broadcast %get3A_1 : vector<128x1xf32> to vector<128x128xf32>
      %ge3A_289 = arith.cmpf oge, %slice3A_283, %ge3A_288 : vector<128x128xf32>
      %convert_element_type3A_290 = arith.extui %ge3A_289 : vector<128x128xi1> to vector<128x128xi32>
      %convert_element_type3A_291 = arith.sitofp %convert_element_type3A_290 : vector<128x128xi32> to vector<128x128xf32>
      %add3A_292 = arith.addf %add3A_270, %convert_element_type3A_287 : vector<128x128xf32>
      %add3A_293 = arith.addf %add3A_271, %convert_element_type3A_291 : vector<128x128xf32>
      %slice3A_294 = vector.extract_strided_slice %get3A_15 {offsets = [0, 3328], sizes = [128, 128], strides = [1, 1]} : vector<128x4096xf32> to vector<128x128xf32>
      %gt3A_295 = vector.broadcast %get3A_1 : vector<128x1xf32> to vector<128x128xf32>
      %gt3A_296 = arith.cmpf ogt, %slice3A_294, %gt3A_295 : vector<128x128xf32>
      %convert_element_type3A_297 = arith.extui %gt3A_296 : vector<128x128xi1> to vector<128x128xi32>
      %convert_element_type3A_298 = arith.sitofp %convert_element_type3A_297 : vector<128x128xi32> to vector<128x128xf32>
      %ge3A_299 = vector.broadcast %get3A_1 : vector<128x1xf32> to vector<128x128xf32>
      %ge3A_300 = arith.cmpf oge, %slice3A_294, %ge3A_299 : vector<128x128xf32>
      %convert_element_type3A_301 = arith.extui %ge3A_300 : vector<128x128xi1> to vector<128x128xi32>
      %convert_element_type3A_302 = arith.sitofp %convert_element_type3A_301 : vector<128x128xi32> to vector<128x128xf32>
      %add3A_303 = arith.addf %add3A_281, %convert_element_type3A_298 : vector<128x128xf32>
      %add3A_304 = arith.addf %add3A_282, %convert_element_type3A_302 : vector<128x128xf32>
      %slice3A_305 = vector.extract_strided_slice %get3A_15 {offsets = [0, 3456], sizes = [128, 128], strides = [1, 1]} : vector<128x4096xf32> to vector<128x128xf32>
      %gt3A_306 = vector.broadcast %get3A_1 : vector<128x1xf32> to vector<128x128xf32>
      %gt3A_307 = arith.cmpf ogt, %slice3A_305, %gt3A_306 : vector<128x128xf32>
      %convert_element_type3A_308 = arith.extui %gt3A_307 : vector<128x128xi1> to vector<128x128xi32>
      %convert_element_type3A_309 = arith.sitofp %convert_element_type3A_308 : vector<128x128xi32> to vector<128x128xf32>
      %ge3A_310 = vector.broadcast %get3A_1 : vector<128x1xf32> to vector<128x128xf32>
      %ge3A_311 = arith.cmpf oge, %slice3A_305, %ge3A_310 : vector<128x128xf32>
      %convert_element_type3A_312 = arith.extui %ge3A_311 : vector<128x128xi1> to vector<128x128xi32>
      %convert_element_type3A_313 = arith.sitofp %convert_element_type3A_312 : vector<128x128xi32> to vector<128x128xf32>
      %add3A_314 = arith.addf %add3A_292, %convert_element_type3A_309 : vector<128x128xf32>
      %add3A_315 = arith.addf %add3A_293, %convert_element_type3A_313 : vector<128x128xf32>
      %slice3A_316 = vector.extract_strided_slice %get3A_15 {offsets = [0, 3584], sizes = [128, 128], strides = [1, 1]} : vector<128x4096xf32> to vector<128x128xf32>
      %gt3A_317 = vector.broadcast %get3A_1 : vector<128x1xf32> to vector<128x128xf32>
      %gt3A_318 = arith.cmpf ogt, %slice3A_316, %gt3A_317 : vector<128x128xf32>
      %convert_element_type3A_319 = arith.extui %gt3A_318 : vector<128x128xi1> to vector<128x128xi32>
      %convert_element_type3A_320 = arith.sitofp %convert_element_type3A_319 : vector<128x128xi32> to vector<128x128xf32>
      %ge3A_321 = vector.broadcast %get3A_1 : vector<128x1xf32> to vector<128x128xf32>
      %ge3A_322 = arith.cmpf oge, %slice3A_316, %ge3A_321 : vector<128x128xf32>
      %convert_element_type3A_323 = arith.extui %ge3A_322 : vector<128x128xi1> to vector<128x128xi32>
      %convert_element_type3A_324 = arith.sitofp %convert_element_type3A_323 : vector<128x128xi32> to vector<128x128xf32>
      %add3A_325 = arith.addf %add3A_303, %convert_element_type3A_320 : vector<128x128xf32>
      %add3A_326 = arith.addf %add3A_304, %convert_element_type3A_324 : vector<128x128xf32>
      %slice3A_327 = vector.extract_strided_slice %get3A_15 {offsets = [0, 3712], sizes = [128, 128], strides = [1, 1]} : vector<128x4096xf32> to vector<128x128xf32>
      %gt3A_328 = vector.broadcast %get3A_1 : vector<128x1xf32> to vector<128x128xf32>
      %gt3A_329 = arith.cmpf ogt, %slice3A_327, %gt3A_328 : vector<128x128xf32>
      %convert_element_type3A_330 = arith.extui %gt3A_329 : vector<128x128xi1> to vector<128x128xi32>
      %convert_element_type3A_331 = arith.sitofp %convert_element_type3A_330 : vector<128x128xi32> to vector<128x128xf32>
      %ge3A_332 = vector.broadcast %get3A_1 : vector<128x1xf32> to vector<128x128xf32>
      %ge3A_333 = arith.cmpf oge, %slice3A_327, %ge3A_332 : vector<128x128xf32>
      %convert_element_type3A_334 = arith.extui %ge3A_333 : vector<128x128xi1> to vector<128x128xi32>
      %convert_element_type3A_335 = arith.sitofp %convert_element_type3A_334 : vector<128x128xi32> to vector<128x128xf32>
      %add3A_336 = arith.addf %add3A_314, %convert_element_type3A_331 : vector<128x128xf32>
      %add3A_337 = arith.addf %add3A_315, %convert_element_type3A_335 : vector<128x128xf32>
      %slice3A_338 = vector.extract_strided_slice %get3A_15 {offsets = [0, 3840], sizes = [128, 128], strides = [1, 1]} : vector<128x4096xf32> to vector<128x128xf32>
      %gt3A_339 = vector.broadcast %get3A_1 : vector<128x1xf32> to vector<128x128xf32>
      %gt3A_340 = arith.cmpf ogt, %slice3A_338, %gt3A_339 : vector<128x128xf32>
      %convert_element_type3A_341 = arith.extui %gt3A_340 : vector<128x128xi1> to vector<128x128xi32>
      %convert_element_type3A_342 = arith.sitofp %convert_element_type3A_341 : vector<128x128xi32> to vector<128x128xf32>
      %ge3A_343 = vector.broadcast %get3A_1 : vector<128x1xf32> to vector<128x128xf32>
      %ge3A_344 = arith.cmpf oge, %slice3A_338, %ge3A_343 : vector<128x128xf32>
      %convert_element_type3A_345 = arith.extui %ge3A_344 : vector<128x128xi1> to vector<128x128xi32>
      %convert_element_type3A_346 = arith.sitofp %convert_element_type3A_345 : vector<128x128xi32> to vector<128x128xf32>
      %add3A_347 = arith.addf %add3A_325, %convert_element_type3A_342 : vector<128x128xf32>
      %add3A_348 = arith.addf %add3A_326, %convert_element_type3A_346 : vector<128x128xf32>
      %slice3A_349 = vector.extract_strided_slice %get3A_15 {offsets = [0, 3968], sizes = [128, 128], strides = [1, 1]} : vector<128x4096xf32> to vector<128x128xf32>
      %gt3A_350 = vector.broadcast %get3A_1 : vector<128x1xf32> to vector<128x128xf32>
      %gt3A_351 = arith.cmpf ogt, %slice3A_349, %gt3A_350 : vector<128x128xf32>
      %convert_element_type3A_352 = arith.extui %gt3A_351 : vector<128x128xi1> to vector<128x128xi32>
      %convert_element_type3A_353 = arith.sitofp %convert_element_type3A_352 : vector<128x128xi32> to vector<128x128xf32>
      %ge3A_354 = vector.broadcast %get3A_1 : vector<128x1xf32> to vector<128x128xf32>
      %ge3A_355 = arith.cmpf oge, %slice3A_349, %ge3A_354 : vector<128x128xf32>
      %convert_element_type3A_356 = arith.extui %ge3A_355 : vector<128x128xi1> to vector<128x128xi32>
      %convert_element_type3A_357 = arith.sitofp %convert_element_type3A_356 : vector<128x128xi32> to vector<128x128xf32>
      %add3A_358 = arith.addf %add3A_336, %convert_element_type3A_353 : vector<128x128xf32>
      %add3A_359 = arith.addf %add3A_337, %convert_element_type3A_357 : vector<128x128xf32>
      %get3A_360 = arith.constant 0 : index
      %get3A_361 = arith.constant 0 : index
      %get3A_362 = vector.load %arg7[%get3A_360, %get3A_361] : memref<128x128xf32, #tpu.memory_space<vmem>>, vector<128x128xf32>
      %add3A_363 = arith.addf %add3A_347, %add3A_358 : vector<128x128xf32>
      %add3A_364 = arith.addf %get3A_362, %add3A_363 : vector<128x128xf32>
      %swap3A = arith.constant 0 : index
      %swap3A_365 = arith.constant 0 : index
      %swap3A_366 = vector.load %arg7[%swap3A, %swap3A_365] : memref<128x128xf32, #tpu.memory_space<vmem>>, vector<128x128xf32>
      tpu.vector_store %arg7[%swap3A, %swap3A_365], %add3A_364 {strides = array<i32>} : memref<128x128xf32, #tpu.memory_space<vmem>>, vector<128x128xf32>,
      %get3A_367 = arith.constant 0 : index
      %get3A_368 = arith.constant 0 : index
      %get3A_369 = vector.load %arg8[%get3A_367, %get3A_368] : memref<128x128xf32, #tpu.memory_space<vmem>>, vector<128x128xf32>
      %add3A_370 = arith.addf %add3A_348, %add3A_359 : vector<128x128xf32>
      %add3A_371 = arith.addf %get3A_369, %add3A_370 : vector<128x128xf32>
      %swap3A_372 = arith.constant 0 : index
      %swap3A_373 = arith.constant 0 : index
      %swap3A_374 = vector.load %arg8[%swap3A_372, %swap3A_373] : memref<128x128xf32, #tpu.memory_space<vmem>>, vector<128x128xf32>
      tpu.vector_store %arg8[%swap3A_372, %swap3A_373], %add3A_371 {strides = array<i32>} : memref<128x128xf32, #tpu.memory_space<vmem>>, vector<128x128xf32>,
      %get3A_375 = arith.constant 0 : index
      %get3A_376 = arith.constant 0 : index
      %get3A_377 = vector.load %arg2[%get3A_375, %get3A_376] : memref<128x4096xf32, #tpu.memory_space<vmem>>, vector<128x4096xf32>
      %slice3A_378 = vector.extract_strided_slice %get3A_377 {offsets = [0, 0], sizes = [128, 128], strides = [1, 1]} : vector<128x4096xf32> to vector<128x128xf32>
      %gt3A_379 = vector.broadcast %get3A_1 : vector<128x1xf32> to vector<128x128xf32>
      %gt3A_380 = arith.cmpf ogt, %slice3A_378, %gt3A_379 : vector<128x128xf32>
      %convert_element_type3A_381 = arith.extui %gt3A_380 : vector<128x128xi1> to vector<128x128xi32>
      %convert_element_type3A_382 = arith.sitofp %convert_element_type3A_381 : vector<128x128xi32> to vector<128x128xf32>
      %ge3A_383 = vector.broadcast %get3A_1 : vector<128x1xf32> to vector<128x128xf32>
      %ge3A_384 = arith.cmpf oge, %slice3A_378, %ge3A_383 : vector<128x128xf32>
      %convert_element_type3A_385 = arith.extui %ge3A_384 : vector<128x128xi1> to vector<128x128xi32>
      %convert_element_type3A_386 = arith.sitofp %convert_element_type3A_385 : vector<128x128xi32> to vector<128x128xf32>
      %slice3A_387 = vector.extract_strided_slice %get3A_377 {offsets = [0, 128], sizes = [128, 128], strides = [1, 1]} : vector<128x4096xf32> to vector<128x128xf32>
      %gt3A_388 = vector.broadcast %get3A_1 : vector<128x1xf32> to vector<128x128xf32>
      %gt3A_389 = arith.cmpf ogt, %slice3A_387, %gt3A_388 : vector<128x128xf32>
      %convert_element_type3A_390 = arith.extui %gt3A_389 : vector<128x128xi1> to vector<128x128xi32>
      %convert_element_type3A_391 = arith.sitofp %convert_element_type3A_390 : vector<128x128xi32> to vector<128x128xf32>
      %ge3A_392 = vector.broadcast %get3A_1 : vector<128x1xf32> to vector<128x128xf32>
      %ge3A_393 = arith.cmpf oge, %slice3A_387, %ge3A_392 : vector<128x128xf32>
      %convert_element_type3A_394 = arith.extui %ge3A_393 : vector<128x128xi1> to vector<128x128xi32>
      %convert_element_type3A_395 = arith.sitofp %convert_element_type3A_394 : vector<128x128xi32> to vector<128x128xf32>
      %slice3A_396 = vector.extract_strided_slice %get3A_377 {offsets = [0, 256], sizes = [128, 128], strides = [1, 1]} : vector<128x4096xf32> to vector<128x128xf32>
      %gt3A_397 = vector.broadcast %get3A_1 : vector<128x1xf32> to vector<128x128xf32>
      %gt3A_398 = arith.cmpf ogt, %slice3A_396, %gt3A_397 : vector<128x128xf32>
      %convert_element_type3A_399 = arith.extui %gt3A_398 : vector<128x128xi1> to vector<128x128xi32>
      %convert_element_type3A_400 = arith.sitofp %convert_element_type3A_399 : vector<128x128xi32> to vector<128x128xf32>
      %ge3A_401 = vector.broadcast %get3A_1 : vector<128x1xf32> to vector<128x128xf32>
      %ge3A_402 = arith.cmpf oge, %slice3A_396, %ge3A_401 : vector<128x128xf32>
      %convert_element_type3A_403 = arith.extui %ge3A_402 : vector<128x128xi1> to vector<128x128xi32>
      %convert_element_type3A_404 = arith.sitofp %convert_element_type3A_403 : vector<128x128xi32> to vector<128x128xf32>
      %add3A_405 = arith.addf %convert_element_type3A_382, %convert_element_type3A_400 : vector<128x128xf32>
      %add3A_406 = arith.addf %convert_element_type3A_386, %convert_element_type3A_404 : vector<128x128xf32>
      %slice3A_407 = vector.extract_strided_slice %get3A_377 {offsets = [0, 384], sizes = [128, 128], strides = [1, 1]} : vector<128x4096xf32> to vector<128x128xf32>
      %gt3A_408 = vector.broadcast %get3A_1 : vector<128x1xf32> to vector<128x128xf32>
      %gt3A_409 = arith.cmpf ogt, %slice3A_407, %gt3A_408 : vector<128x128xf32>
      %convert_element_type3A_410 = arith.extui %gt3A_409 : vector<128x128xi1> to vector<128x128xi32>
      %convert_element_type3A_411 = arith.sitofp %convert_element_type3A_410 : vector<128x128xi32> to vector<128x128xf32>
      %ge3A_412 = vector.broadcast %get3A_1 : vector<128x1xf32> to vector<128x128xf32>
      %ge3A_413 = arith.cmpf oge, %slice3A_407, %ge3A_412 : vector<128x128xf32>
      %convert_element_type3A_414 = arith.extui %ge3A_413 : vector<128x128xi1> to vector<128x128xi32>
      %convert_element_type3A_415 = arith.sitofp %convert_element_type3A_414 : vector<128x128xi32> to vector<128x128xf32>
      %add3A_416 = arith.addf %convert_element_type3A_391, %convert_element_type3A_411 : vector<128x128xf32>
      %add3A_417 = arith.addf %convert_element_type3A_395, %convert_element_type3A_415 : vector<128x128xf32>
      %slice3A_418 = vector.extract_strided_slice %get3A_377 {offsets = [0, 512], sizes = [128, 128], strides = [1, 1]} : vector<128x4096xf32> to vector<128x128xf32>
      %gt3A_419 = vector.broadcast %get3A_1 : vector<128x1xf32> to vector<128x128xf32>
      %gt3A_420 = arith.cmpf ogt, %slice3A_418, %gt3A_419 : vector<128x128xf32>
      %convert_element_type3A_421 = arith.extui %gt3A_420 : vector<128x128xi1> to vector<128x128xi32>
      %convert_element_type3A_422 = arith.sitofp %convert_element_type3A_421 : vector<128x128xi32> to vector<128x128xf32>
      %ge3A_423 = vector.broadcast %get3A_1 : vector<128x1xf32> to vector<128x128xf32>
      %ge3A_424 = arith.cmpf oge, %slice3A_418, %ge3A_423 : vector<128x128xf32>
      %convert_element_type3A_425 = arith.extui %ge3A_424 : vector<128x128xi1> to vector<128x128xi32>
      %convert_element_type3A_426 = arith.sitofp %convert_element_type3A_425 : vector<128x128xi32> to vector<128x128xf32>
      %add3A_427 = arith.addf %add3A_405, %convert_element_type3A_422 : vector<128x128xf32>
      %add3A_428 = arith.addf %add3A_406, %convert_element_type3A_426 : vector<128x128xf32>
      %slice3A_429 = vector.extract_strided_slice %get3A_377 {offsets = [0, 640], sizes = [128, 128], strides = [1, 1]} : vector<128x4096xf32> to vector<128x128xf32>
      %gt3A_430 = vector.broadcast %get3A_1 : vector<128x1xf32> to vector<128x128xf32>
      %gt3A_431 = arith.cmpf ogt, %slice3A_429, %gt3A_430 : vector<128x128xf32>
      %convert_element_type3A_432 = arith.extui %gt3A_431 : vector<128x128xi1> to vector<128x128xi32>
      %convert_element_type3A_433 = arith.sitofp %convert_element_type3A_432 : vector<128x128xi32> to vector<128x128xf32>
      %ge3A_434 = vector.broadcast %get3A_1 : vector<128x1xf32> to vector<128x128xf32>
      %ge3A_435 = arith.cmpf oge, %slice3A_429, %ge3A_434 : vector<128x128xf32>
      %convert_element_type3A_436 = arith.extui %ge3A_435 : vector<128x128xi1> to vector<128x128xi32>
      %convert_element_type3A_437 = arith.sitofp %convert_element_type3A_436 : vector<128x128xi32> to vector<128x128xf32>
      %add3A_438 = arith.addf %add3A_416, %convert_element_type3A_433 : vector<128x128xf32>
      %add3A_439 = arith.addf %add3A_417, %convert_element_type3A_437 : vector<128x128xf32>
      %slice3A_440 = vector.extract_strided_slice %get3A_377 {offsets = [0, 768], sizes = [128, 128], strides = [1, 1]} : vector<128x4096xf32> to vector<128x128xf32>
      %gt3A_441 = vector.broadcast %get3A_1 : vector<128x1xf32> to vector<128x128xf32>
      %gt3A_442 = arith.cmpf ogt, %slice3A_440, %gt3A_441 : vector<128x128xf32>
      %convert_element_type3A_443 = arith.extui %gt3A_442 : vector<128x128xi1> to vector<128x128xi32>
      %convert_element_type3A_444 = arith.sitofp %convert_element_type3A_443 : vector<128x128xi32> to vector<128x128xf32>
      %ge3A_445 = vector.broadcast %get3A_1 : vector<128x1xf32> to vector<128x128xf32>
      %ge3A_446 = arith.cmpf oge, %slice3A_440, %ge3A_445 : vector<128x128xf32>
      %convert_element_type3A_447 = arith.extui %ge3A_446 : vector<128x128xi1> to vector<128x128xi32>
      %convert_element_type3A_448 = arith.sitofp %convert_element_type3A_447 : vector<128x128xi32> to vector<128x128xf32>
      %add3A_449 = arith.addf %add3A_427, %convert_element_type3A_444 : vector<128x128xf32>
      %add3A_450 = arith.addf %add3A_428, %convert_element_type3A_448 : vector<128x128xf32>
      %slice3A_451 = vector.extract_strided_slice %get3A_377 {offsets = [0, 896], sizes = [128, 128], strides = [1, 1]} : vector<128x4096xf32> to vector<128x128xf32>
      %gt3A_452 = vector.broadcast %get3A_1 : vector<128x1xf32> to vector<128x128xf32>
      %gt3A_453 = arith.cmpf ogt, %slice3A_451, %gt3A_452 : vector<128x128xf32>
      %convert_element_type3A_454 = arith.extui %gt3A_453 : vector<128x128xi1> to vector<128x128xi32>
      %convert_element_type3A_455 = arith.sitofp %convert_element_type3A_454 : vector<128x128xi32> to vector<128x128xf32>
      %ge3A_456 = vector.broadcast %get3A_1 : vector<128x1xf32> to vector<128x128xf32>
      %ge3A_457 = arith.cmpf oge, %slice3A_451, %ge3A_456 : vector<128x128xf32>
      %convert_element_type3A_458 = arith.extui %ge3A_457 : vector<128x128xi1> to vector<128x128xi32>
      %convert_element_type3A_459 = arith.sitofp %convert_element_type3A_458 : vector<128x128xi32> to vector<128x128xf32>
      %add3A_460 = arith.addf %add3A_438, %convert_element_type3A_455 : vector<128x128xf32>
      %add3A_461 = arith.addf %add3A_439, %convert_element_type3A_459 : vector<128x128xf32>
      %slice3A_462 = vector.extract_strided_slice %get3A_377 {offsets = [0, 1024], sizes = [128, 128], strides = [1, 1]} : vector<128x4096xf32> to vector<128x128xf32>
      %gt3A_463 = vector.broadcast %get3A_1 : vector<128x1xf32> to vector<128x128xf32>
      %gt3A_464 = arith.cmpf ogt, %slice3A_462, %gt3A_463 : vector<128x128xf32>
      %convert_element_type3A_465 = arith.extui %gt3A_464 : vector<128x128xi1> to vector<128x128xi32>
      %convert_element_type3A_466 = arith.sitofp %convert_element_type3A_465 : vector<128x128xi32> to vector<128x128xf32>
      %ge3A_467 = vector.broadcast %get3A_1 : vector<128x1xf32> to vector<128x128xf32>
      %ge3A_468 = arith.cmpf oge, %slice3A_462, %ge3A_467 : vector<128x128xf32>
      %convert_element_type3A_469 = arith.extui %ge3A_468 : vector<128x128xi1> to vector<128x128xi32>
      %convert_element_type3A_470 = arith.sitofp %convert_element_type3A_469 : vector<128x128xi32> to vector<128x128xf32>
      %add3A_471 = arith.addf %add3A_449, %convert_element_type3A_466 : vector<128x128xf32>
      %add3A_472 = arith.addf %add3A_450, %convert_element_type3A_470 : vector<128x128xf32>
      %slice3A_473 = vector.extract_strided_slice %get3A_377 {offsets = [0, 1152], sizes = [128, 128], strides = [1, 1]} : vector<128x4096xf32> to vector<128x128xf32>
      %gt3A_474 = vector.broadcast %get3A_1 : vector<128x1xf32> to vector<128x128xf32>
      %gt3A_475 = arith.cmpf ogt, %slice3A_473, %gt3A_474 : vector<128x128xf32>
      %convert_element_type3A_476 = arith.extui %gt3A_475 : vector<128x128xi1> to vector<128x128xi32>
      %convert_element_type3A_477 = arith.sitofp %convert_element_type3A_476 : vector<128x128xi32> to vector<128x128xf32>
      %ge3A_478 = vector.broadcast %get3A_1 : vector<128x1xf32> to vector<128x128xf32>
      %ge3A_479 = arith.cmpf oge, %slice3A_473, %ge3A_478 : vector<128x128xf32>
      %convert_element_type3A_480 = arith.extui %ge3A_479 : vector<128x128xi1> to vector<128x128xi32>
      %convert_element_type3A_481 = arith.sitofp %convert_element_type3A_480 : vector<128x128xi32> to vector<128x128xf32>
      %add3A_482 = arith.addf %add3A_460, %convert_element_type3A_477 : vector<128x128xf32>
      %add3A_483 = arith.addf %add3A_461, %convert_element_type3A_481 : vector<128x128xf32>
      %slice3A_484 = vector.extract_strided_slice %get3A_377 {offsets = [0, 1280], sizes = [128, 128], strides = [1, 1]} : vector<128x4096xf32> to vector<128x128xf32>
      %gt3A_485 = vector.broadcast %get3A_1 : vector<128x1xf32> to vector<128x128xf32>
      %gt3A_486 = arith.cmpf ogt, %slice3A_484, %gt3A_485 : vector<128x128xf32>
      %convert_element_type3A_487 = arith.extui %gt3A_486 : vector<128x128xi1> to vector<128x128xi32>
      %convert_element_type3A_488 = arith.sitofp %convert_element_type3A_487 : vector<128x128xi32> to vector<128x128xf32>
      %ge3A_489 = vector.broadcast %get3A_1 : vector<128x1xf32> to vector<128x128xf32>
      %ge3A_490 = arith.cmpf oge, %slice3A_484, %ge3A_489 : vector<128x128xf32>
      %convert_element_type3A_491 = arith.extui %ge3A_490 : vector<128x128xi1> to vector<128x128xi32>
      %convert_element_type3A_492 = arith.sitofp %convert_element_type3A_491 : vector<128x128xi32> to vector<128x128xf32>
      %add3A_493 = arith.addf %add3A_471, %convert_element_type3A_488 : vector<128x128xf32>
      %add3A_494 = arith.addf %add3A_472, %convert_element_type3A_492 : vector<128x128xf32>
      %slice3A_495 = vector.extract_strided_slice %get3A_377 {offsets = [0, 1408], sizes = [128, 128], strides = [1, 1]} : vector<128x4096xf32> to vector<128x128xf32>
      %gt3A_496 = vector.broadcast %get3A_1 : vector<128x1xf32> to vector<128x128xf32>
      %gt3A_497 = arith.cmpf ogt, %slice3A_495, %gt3A_496 : vector<128x128xf32>
      %convert_element_type3A_498 = arith.extui %gt3A_497 : vector<128x128xi1> to vector<128x128xi32>
      %convert_element_type3A_499 = arith.sitofp %convert_element_type3A_498 : vector<128x128xi32> to vector<128x128xf32>
      %ge3A_500 = vector.broadcast %get3A_1 : vector<128x1xf32> to vector<128x128xf32>
      %ge3A_501 = arith.cmpf oge, %slice3A_495, %ge3A_500 : vector<128x128xf32>
      %convert_element_type3A_502 = arith.extui %ge3A_501 : vector<128x128xi1> to vector<128x128xi32>
      %convert_element_type3A_503 = arith.sitofp %convert_element_type3A_502 : vector<128x128xi32> to vector<128x128xf32>
      %add3A_504 = arith.addf %add3A_482, %convert_element_type3A_499 : vector<128x128xf32>
      %add3A_505 = arith.addf %add3A_483, %convert_element_type3A_503 : vector<128x128xf32>
      %slice3A_506 = vector.extract_strided_slice %get3A_377 {offsets = [0, 1536], sizes = [128, 128], strides = [1, 1]} : vector<128x4096xf32> to vector<128x128xf32>
      %gt3A_507 = vector.broadcast %get3A_1 : vector<128x1xf32> to vector<128x128xf32>
      %gt3A_508 = arith.cmpf ogt, %slice3A_506, %gt3A_507 : vector<128x128xf32>
      %convert_element_type3A_509 = arith.extui %gt3A_508 : vector<128x128xi1> to vector<128x128xi32>
      %convert_element_type3A_510 = arith.sitofp %convert_element_type3A_509 : vector<128x128xi32> to vector<128x128xf32>
      %ge3A_511 = vector.broadcast %get3A_1 : vector<128x1xf32> to vector<128x128xf32>
      %ge3A_512 = arith.cmpf oge, %slice3A_506, %ge3A_511 : vector<128x128xf32>
      %convert_element_type3A_513 = arith.extui %ge3A_512 : vector<128x128xi1> to vector<128x128xi32>
      %convert_element_type3A_514 = arith.sitofp %convert_element_type3A_513 : vector<128x128xi32> to vector<128x128xf32>
      %add3A_515 = arith.addf %add3A_493, %convert_element_type3A_510 : vector<128x128xf32>
      %add3A_516 = arith.addf %add3A_494, %convert_element_type3A_514 : vector<128x128xf32>
      %slice3A_517 = vector.extract_strided_slice %get3A_377 {offsets = [0, 1664], sizes = [128, 128], strides = [1, 1]} : vector<128x4096xf32> to vector<128x128xf32>
      %gt3A_518 = vector.broadcast %get3A_1 : vector<128x1xf32> to vector<128x128xf32>
      %gt3A_519 = arith.cmpf ogt, %slice3A_517, %gt3A_518 : vector<128x128xf32>
      %convert_element_type3A_520 = arith.extui %gt3A_519 : vector<128x128xi1> to vector<128x128xi32>
      %convert_element_type3A_521 = arith.sitofp %convert_element_type3A_520 : vector<128x128xi32> to vector<128x128xf32>
      %ge3A_522 = vector.broadcast %get3A_1 : vector<128x1xf32> to vector<128x128xf32>
      %ge3A_523 = arith.cmpf oge, %slice3A_517, %ge3A_522 : vector<128x128xf32>
      %convert_element_type3A_524 = arith.extui %ge3A_523 : vector<128x128xi1> to vector<128x128xi32>
      %convert_element_type3A_525 = arith.sitofp %convert_element_type3A_524 : vector<128x128xi32> to vector<128x128xf32>
      %add3A_526 = arith.addf %add3A_504, %convert_element_type3A_521 : vector<128x128xf32>
      %add3A_527 = arith.addf %add3A_505, %convert_element_type3A_525 : vector<128x128xf32>
      %slice3A_528 = vector.extract_strided_slice %get3A_377 {offsets = [0, 1792], sizes = [128, 128], strides = [1, 1]} : vector<128x4096xf32> to vector<128x128xf32>
      %gt3A_529 = vector.broadcast %get3A_1 : vector<128x1xf32> to vector<128x128xf32>
      %gt3A_530 = arith.cmpf ogt, %slice3A_528, %gt3A_529 : vector<128x128xf32>
      %convert_element_type3A_531 = arith.extui %gt3A_530 : vector<128x128xi1> to vector<128x128xi32>
      %convert_element_type3A_532 = arith.sitofp %convert_element_type3A_531 : vector<128x128xi32> to vector<128x128xf32>
      %ge3A_533 = vector.broadcast %get3A_1 : vector<128x1xf32> to vector<128x128xf32>
      %ge3A_534 = arith.cmpf oge, %slice3A_528, %ge3A_533 : vector<128x128xf32>
      %convert_element_type3A_535 = arith.extui %ge3A_534 : vector<128x128xi1> to vector<128x128xi32>
      %convert_element_type3A_536 = arith.sitofp %convert_element_type3A_535 : vector<128x128xi32> to vector<128x128xf32>
      %add3A_537 = arith.addf %add3A_515, %convert_element_type3A_532 : vector<128x128xf32>
      %add3A_538 = arith.addf %add3A_516, %convert_element_type3A_536 : vector<128x128xf32>
      %slice3A_539 = vector.extract_strided_slice %get3A_377 {offsets = [0, 1920], sizes = [128, 128], strides = [1, 1]} : vector<128x4096xf32> to vector<128x128xf32>
      %gt3A_540 = vector.broadcast %get3A_1 : vector<128x1xf32> to vector<128x128xf32>
      %gt3A_541 = arith.cmpf ogt, %slice3A_539, %gt3A_540 : vector<128x128xf32>
      %convert_element_type3A_542 = arith.extui %gt3A_541 : vector<128x128xi1> to vector<128x128xi32>
      %convert_element_type3A_543 = arith.sitofp %convert_element_type3A_542 : vector<128x128xi32> to vector<128x128xf32>
      %ge3A_544 = vector.broadcast %get3A_1 : vector<128x1xf32> to vector<128x128xf32>
      %ge3A_545 = arith.cmpf oge, %slice3A_539, %ge3A_544 : vector<128x128xf32>
      %convert_element_type3A_546 = arith.extui %ge3A_545 : vector<128x128xi1> to vector<128x128xi32>
      %convert_element_type3A_547 = arith.sitofp %convert_element_type3A_546 : vector<128x128xi32> to vector<128x128xf32>
      %add3A_548 = arith.addf %add3A_526, %convert_element_type3A_543 : vector<128x128xf32>
      %add3A_549 = arith.addf %add3A_527, %convert_element_type3A_547 : vector<128x128xf32>
      %slice3A_550 = vector.extract_strided_slice %get3A_377 {offsets = [0, 2048], sizes = [128, 128], strides = [1, 1]} : vector<128x4096xf32> to vector<128x128xf32>
      %gt3A_551 = vector.broadcast %get3A_1 : vector<128x1xf32> to vector<128x128xf32>
      %gt3A_552 = arith.cmpf ogt, %slice3A_550, %gt3A_551 : vector<128x128xf32>
      %convert_element_type3A_553 = arith.extui %gt3A_552 : vector<128x128xi1> to vector<128x128xi32>
      %convert_element_type3A_554 = arith.sitofp %convert_element_type3A_553 : vector<128x128xi32> to vector<128x128xf32>
      %ge3A_555 = vector.broadcast %get3A_1 : vector<128x1xf32> to vector<128x128xf32>
      %ge3A_556 = arith.cmpf oge, %slice3A_550, %ge3A_555 : vector<128x128xf32>
      %convert_element_type3A_557 = arith.extui %ge3A_556 : vector<128x128xi1> to vector<128x128xi32>
      %convert_element_type3A_558 = arith.sitofp %convert_element_type3A_557 : vector<128x128xi32> to vector<128x128xf32>
      %add3A_559 = arith.addf %add3A_537, %convert_element_type3A_554 : vector<128x128xf32>
      %add3A_560 = arith.addf %add3A_538, %convert_element_type3A_558 : vector<128x128xf32>
      %slice3A_561 = vector.extract_strided_slice %get3A_377 {offsets = [0, 2176], sizes = [128, 128], strides = [1, 1]} : vector<128x4096xf32> to vector<128x128xf32>
      %gt3A_562 = vector.broadcast %get3A_1 : vector<128x1xf32> to vector<128x128xf32>
      %gt3A_563 = arith.cmpf ogt, %slice3A_561, %gt3A_562 : vector<128x128xf32>
      %convert_element_type3A_564 = arith.extui %gt3A_563 : vector<128x128xi1> to vector<128x128xi32>
      %convert_element_type3A_565 = arith.sitofp %convert_element_type3A_564 : vector<128x128xi32> to vector<128x128xf32>
      %ge3A_566 = vector.broadcast %get3A_1 : vector<128x1xf32> to vector<128x128xf32>
      %ge3A_567 = arith.cmpf oge, %slice3A_561, %ge3A_566 : vector<128x128xf32>
      %convert_element_type3A_568 = arith.extui %ge3A_567 : vector<128x128xi1> to vector<128x128xi32>
      %convert_element_type3A_569 = arith.sitofp %convert_element_type3A_568 : vector<128x128xi32> to vector<128x128xf32>
      %add3A_570 = arith.addf %add3A_548, %convert_element_type3A_565 : vector<128x128xf32>
      %add3A_571 = arith.addf %add3A_549, %convert_element_type3A_569 : vector<128x128xf32>
      %slice3A_572 = vector.extract_strided_slice %get3A_377 {offsets = [0, 2304], sizes = [128, 128], strides = [1, 1]} : vector<128x4096xf32> to vector<128x128xf32>
      %gt3A_573 = vector.broadcast %get3A_1 : vector<128x1xf32> to vector<128x128xf32>
      %gt3A_574 = arith.cmpf ogt, %slice3A_572, %gt3A_573 : vector<128x128xf32>
      %convert_element_type3A_575 = arith.extui %gt3A_574 : vector<128x128xi1> to vector<128x128xi32>
      %convert_element_type3A_576 = arith.sitofp %convert_element_type3A_575 : vector<128x128xi32> to vector<128x128xf32>
      %ge3A_577 = vector.broadcast %get3A_1 : vector<128x1xf32> to vector<128x128xf32>
      %ge3A_578 = arith.cmpf oge, %slice3A_572, %ge3A_577 : vector<128x128xf32>
      %convert_element_type3A_579 = arith.extui %ge3A_578 : vector<128x128xi1> to vector<128x128xi32>
      %convert_element_type3A_580 = arith.sitofp %convert_element_type3A_579 : vector<128x128xi32> to vector<128x128xf32>
      %add3A_581 = arith.addf %add3A_559, %convert_element_type3A_576 : vector<128x128xf32>
      %add3A_582 = arith.addf %add3A_560, %convert_element_type3A_580 : vector<128x128xf32>
      %slice3A_583 = vector.extract_strided_slice %get3A_377 {offsets = [0, 2432], sizes = [128, 128], strides = [1, 1]} : vector<128x4096xf32> to vector<128x128xf32>
      %gt3A_584 = vector.broadcast %get3A_1 : vector<128x1xf32> to vector<128x128xf32>
      %gt3A_585 = arith.cmpf ogt, %slice3A_583, %gt3A_584 : vector<128x128xf32>
      %convert_element_type3A_586 = arith.extui %gt3A_585 : vector<128x128xi1> to vector<128x128xi32>
      %convert_element_type3A_587 = arith.sitofp %convert_element_type3A_586 : vector<128x128xi32> to vector<128x128xf32>
      %ge3A_588 = vector.broadcast %get3A_1 : vector<128x1xf32> to vector<128x128xf32>
      %ge3A_589 = arith.cmpf oge, %slice3A_583, %ge3A_588 : vector<128x128xf32>
      %convert_element_type3A_590 = arith.extui %ge3A_589 : vector<128x128xi1> to vector<128x128xi32>
      %convert_element_type3A_591 = arith.sitofp %convert_element_type3A_590 : vector<128x128xi32> to vector<128x128xf32>
      %add3A_592 = arith.addf %add3A_570, %convert_element_type3A_587 : vector<128x128xf32>
      %add3A_593 = arith.addf %add3A_571, %convert_element_type3A_591 : vector<128x128xf32>
      %slice3A_594 = vector.extract_strided_slice %get3A_377 {offsets = [0, 2560], sizes = [128, 128], strides = [1, 1]} : vector<128x4096xf32> to vector<128x128xf32>
      %gt3A_595 = vector.broadcast %get3A_1 : vector<128x1xf32> to vector<128x128xf32>
      %gt3A_596 = arith.cmpf ogt, %slice3A_594, %gt3A_595 : vector<128x128xf32>
      %convert_element_type3A_597 = arith.extui %gt3A_596 : vector<128x128xi1> to vector<128x128xi32>
      %convert_element_type3A_598 = arith.sitofp %convert_element_type3A_597 : vector<128x128xi32> to vector<128x128xf32>
      %ge3A_599 = vector.broadcast %get3A_1 : vector<128x1xf32> to vector<128x128xf32>
      %ge3A_600 = arith.cmpf oge, %slice3A_594, %ge3A_599 : vector<128x128xf32>
      %convert_element_type3A_601 = arith.extui %ge3A_600 : vector<128x128xi1> to vector<128x128xi32>
      %convert_element_type3A_602 = arith.sitofp %convert_element_type3A_601 : vector<128x128xi32> to vector<128x128xf32>
      %add3A_603 = arith.addf %add3A_581, %convert_element_type3A_598 : vector<128x128xf32>
      %add3A_604 = arith.addf %add3A_582, %convert_element_type3A_602 : vector<128x128xf32>
      %slice3A_605 = vector.extract_strided_slice %get3A_377 {offsets = [0, 2688], sizes = [128, 128], strides = [1, 1]} : vector<128x4096xf32> to vector<128x128xf32>
      %gt3A_606 = vector.broadcast %get3A_1 : vector<128x1xf32> to vector<128x128xf32>
      %gt3A_607 = arith.cmpf ogt, %slice3A_605, %gt3A_606 : vector<128x128xf32>
      %convert_element_type3A_608 = arith.extui %gt3A_607 : vector<128x128xi1> to vector<128x128xi32>
      %convert_element_type3A_609 = arith.sitofp %convert_element_type3A_608 : vector<128x128xi32> to vector<128x128xf32>
      %ge3A_610 = vector.broadcast %get3A_1 : vector<128x1xf32> to vector<128x128xf32>
      %ge3A_611 = arith.cmpf oge, %slice3A_605, %ge3A_610 : vector<128x128xf32>
      %convert_element_type3A_612 = arith.extui %ge3A_611 : vector<128x128xi1> to vector<128x128xi32>
      %convert_element_type3A_613 = arith.sitofp %convert_element_type3A_612 : vector<128x128xi32> to vector<128x128xf32>
      %add3A_614 = arith.addf %add3A_592, %convert_element_type3A_609 : vector<128x128xf32>
      %add3A_615 = arith.addf %add3A_593, %convert_element_type3A_613 : vector<128x128xf32>
      %slice3A_616 = vector.extract_strided_slice %get3A_377 {offsets = [0, 2816], sizes = [128, 128], strides = [1, 1]} : vector<128x4096xf32> to vector<128x128xf32>
      %gt3A_617 = vector.broadcast %get3A_1 : vector<128x1xf32> to vector<128x128xf32>
      %gt3A_618 = arith.cmpf ogt, %slice3A_616, %gt3A_617 : vector<128x128xf32>
      %convert_element_type3A_619 = arith.extui %gt3A_618 : vector<128x128xi1> to vector<128x128xi32>
      %convert_element_type3A_620 = arith.sitofp %convert_element_type3A_619 : vector<128x128xi32> to vector<128x128xf32>
      %ge3A_621 = vector.broadcast %get3A_1 : vector<128x1xf32> to vector<128x128xf32>
      %ge3A_622 = arith.cmpf oge, %slice3A_616, %ge3A_621 : vector<128x128xf32>
      %convert_element_type3A_623 = arith.extui %ge3A_622 : vector<128x128xi1> to vector<128x128xi32>
      %convert_element_type3A_624 = arith.sitofp %convert_element_type3A_623 : vector<128x128xi32> to vector<128x128xf32>
      %add3A_625 = arith.addf %add3A_603, %convert_element_type3A_620 : vector<128x128xf32>
      %add3A_626 = arith.addf %add3A_604, %convert_element_type3A_624 : vector<128x128xf32>
      %slice3A_627 = vector.extract_strided_slice %get3A_377 {offsets = [0, 2944], sizes = [128, 128], strides = [1, 1]} : vector<128x4096xf32> to vector<128x128xf32>
      %gt3A_628 = vector.broadcast %get3A_1 : vector<128x1xf32> to vector<128x128xf32>
      %gt3A_629 = arith.cmpf ogt, %slice3A_627, %gt3A_628 : vector<128x128xf32>
      %convert_element_type3A_630 = arith.extui %gt3A_629 : vector<128x128xi1> to vector<128x128xi32>
      %convert_element_type3A_631 = arith.sitofp %convert_element_type3A_630 : vector<128x128xi32> to vector<128x128xf32>
      %ge3A_632 = vector.broadcast %get3A_1 : vector<128x1xf32> to vector<128x128xf32>
      %ge3A_633 = arith.cmpf oge, %slice3A_627, %ge3A_632 : vector<128x128xf32>
      %convert_element_type3A_634 = arith.extui %ge3A_633 : vector<128x128xi1> to vector<128x128xi32>
      %convert_element_type3A_635 = arith.sitofp %convert_element_type3A_634 : vector<128x128xi32> to vector<128x128xf32>
      %add3A_636 = arith.addf %add3A_614, %convert_element_type3A_631 : vector<128x128xf32>
      %add3A_637 = arith.addf %add3A_615, %convert_element_type3A_635 : vector<128x128xf32>
      %slice3A_638 = vector.extract_strided_slice %get3A_377 {offsets = [0, 3072], sizes = [128, 128], strides = [1, 1]} : vector<128x4096xf32> to vector<128x128xf32>
      %gt3A_639 = vector.broadcast %get3A_1 : vector<128x1xf32> to vector<128x128xf32>
      %gt3A_640 = arith.cmpf ogt, %slice3A_638, %gt3A_639 : vector<128x128xf32>
      %convert_element_type3A_641 = arith.extui %gt3A_640 : vector<128x128xi1> to vector<128x128xi32>
      %convert_element_type3A_642 = arith.sitofp %convert_element_type3A_641 : vector<128x128xi32> to vector<128x128xf32>
      %ge3A_643 = vector.broadcast %get3A_1 : vector<128x1xf32> to vector<128x128xf32>
      %ge3A_644 = arith.cmpf oge, %slice3A_638, %ge3A_643 : vector<128x128xf32>
      %convert_element_type3A_645 = arith.extui %ge3A_644 : vector<128x128xi1> to vector<128x128xi32>
      %convert_element_type3A_646 = arith.sitofp %convert_element_type3A_645 : vector<128x128xi32> to vector<128x128xf32>
      %add3A_647 = arith.addf %add3A_625, %convert_element_type3A_642 : vector<128x128xf32>
      %add3A_648 = arith.addf %add3A_626, %convert_element_type3A_646 : vector<128x128xf32>
      %slice3A_649 = vector.extract_strided_slice %get3A_377 {offsets = [0, 3200], sizes = [128, 128], strides = [1, 1]} : vector<128x4096xf32> to vector<128x128xf32>
      %gt3A_650 = vector.broadcast %get3A_1 : vector<128x1xf32> to vector<128x128xf32>
      %gt3A_651 = arith.cmpf ogt, %slice3A_649, %gt3A_650 : vector<128x128xf32>
      %convert_element_type3A_652 = arith.extui %gt3A_651 : vector<128x128xi1> to vector<128x128xi32>
      %convert_element_type3A_653 = arith.sitofp %convert_element_type3A_652 : vector<128x128xi32> to vector<128x128xf32>
      %ge3A_654 = vector.broadcast %get3A_1 : vector<128x1xf32> to vector<128x128xf32>
      %ge3A_655 = arith.cmpf oge, %slice3A_649, %ge3A_654 : vector<128x128xf32>
      %convert_element_type3A_656 = arith.extui %ge3A_655 : vector<128x128xi1> to vector<128x128xi32>
      %convert_element_type3A_657 = arith.sitofp %convert_element_type3A_656 : vector<128x128xi32> to vector<128x128xf32>
      %add3A_658 = arith.addf %add3A_636, %convert_element_type3A_653 : vector<128x128xf32>
      %add3A_659 = arith.addf %add3A_637, %convert_element_type3A_657 : vector<128x128xf32>
      %slice3A_660 = vector.extract_strided_slice %get3A_377 {offsets = [0, 3328], sizes = [128, 128], strides = [1, 1]} : vector<128x4096xf32> to vector<128x128xf32>
      %gt3A_661 = vector.broadcast %get3A_1 : vector<128x1xf32> to vector<128x128xf32>
      %gt3A_662 = arith.cmpf ogt, %slice3A_660, %gt3A_661 : vector<128x128xf32>
      %convert_element_type3A_663 = arith.extui %gt3A_662 : vector<128x128xi1> to vector<128x128xi32>
      %convert_element_type3A_664 = arith.sitofp %convert_element_type3A_663 : vector<128x128xi32> to vector<128x128xf32>
      %ge3A_665 = vector.broadcast %get3A_1 : vector<128x1xf32> to vector<128x128xf32>
      %ge3A_666 = arith.cmpf oge, %slice3A_660, %ge3A_665 : vector<128x128xf32>
      %convert_element_type3A_667 = arith.extui %ge3A_666 : vector<128x128xi1> to vector<128x128xi32>
      %convert_element_type3A_668 = arith.sitofp %convert_element_type3A_667 : vector<128x128xi32> to vector<128x128xf32>
      %add3A_669 = arith.addf %add3A_647, %convert_element_type3A_664 : vector<128x128xf32>
      %add3A_670 = arith.addf %add3A_648, %convert_element_type3A_668 : vector<128x128xf32>
      %slice3A_671 = vector.extract_strided_slice %get3A_377 {offsets = [0, 3456], sizes = [128, 128], strides = [1, 1]} : vector<128x4096xf32> to vector<128x128xf32>
      %gt3A_672 = vector.broadcast %get3A_1 : vector<128x1xf32> to vector<128x128xf32>
      %gt3A_673 = arith.cmpf ogt, %slice3A_671, %gt3A_672 : vector<128x128xf32>
      %convert_element_type3A_674 = arith.extui %gt3A_673 : vector<128x128xi1> to vector<128x128xi32>
      %convert_element_type3A_675 = arith.sitofp %convert_element_type3A_674 : vector<128x128xi32> to vector<128x128xf32>
      %ge3A_676 = vector.broadcast %get3A_1 : vector<128x1xf32> to vector<128x128xf32>
      %ge3A_677 = arith.cmpf oge, %slice3A_671, %ge3A_676 : vector<128x128xf32>
      %convert_element_type3A_678 = arith.extui %ge3A_677 : vector<128x128xi1> to vector<128x128xi32>
      %convert_element_type3A_679 = arith.sitofp %convert_element_type3A_678 : vector<128x128xi32> to vector<128x128xf32>
      %add3A_680 = arith.addf %add3A_658, %convert_element_type3A_675 : vector<128x128xf32>
      %add3A_681 = arith.addf %add3A_659, %convert_element_type3A_679 : vector<128x128xf32>
      %slice3A_682 = vector.extract_strided_slice %get3A_377 {offsets = [0, 3584], sizes = [128, 128], strides = [1, 1]} : vector<128x4096xf32> to vector<128x128xf32>
      %gt3A_683 = vector.broadcast %get3A_1 : vector<128x1xf32> to vector<128x128xf32>
      %gt3A_684 = arith.cmpf ogt, %slice3A_682, %gt3A_683 : vector<128x128xf32>
      %convert_element_type3A_685 = arith.extui %gt3A_684 : vector<128x128xi1> to vector<128x128xi32>
      %convert_element_type3A_686 = arith.sitofp %convert_element_type3A_685 : vector<128x128xi32> to vector<128x128xf32>
      %ge3A_687 = vector.broadcast %get3A_1 : vector<128x1xf32> to vector<128x128xf32>
      %ge3A_688 = arith.cmpf oge, %slice3A_682, %ge3A_687 : vector<128x128xf32>
      %convert_element_type3A_689 = arith.extui %ge3A_688 : vector<128x128xi1> to vector<128x128xi32>
      %convert_element_type3A_690 = arith.sitofp %convert_element_type3A_689 : vector<128x128xi32> to vector<128x128xf32>
      %add3A_691 = arith.addf %add3A_669, %convert_element_type3A_686 : vector<128x128xf32>
      %add3A_692 = arith.addf %add3A_670, %convert_element_type3A_690 : vector<128x128xf32>
      %slice3A_693 = vector.extract_strided_slice %get3A_377 {offsets = [0, 3712], sizes = [128, 128], strides = [1, 1]} : vector<128x4096xf32> to vector<128x128xf32>
      %gt3A_694 = vector.broadcast %get3A_1 : vector<128x1xf32> to vector<128x128xf32>
      %gt3A_695 = arith.cmpf ogt, %slice3A_693, %gt3A_694 : vector<128x128xf32>
      %convert_element_type3A_696 = arith.extui %gt3A_695 : vector<128x128xi1> to vector<128x128xi32>
      %convert_element_type3A_697 = arith.sitofp %convert_element_type3A_696 : vector<128x128xi32> to vector<128x128xf32>
      %ge3A_698 = vector.broadcast %get3A_1 : vector<128x1xf32> to vector<128x128xf32>
      %ge3A_699 = arith.cmpf oge, %slice3A_693, %ge3A_698 : vector<128x128xf32>
      %convert_element_type3A_700 = arith.extui %ge3A_699 : vector<128x128xi1> to vector<128x128xi32>
      %convert_element_type3A_701 = arith.sitofp %convert_element_type3A_700 : vector<128x128xi32> to vector<128x128xf32>
      %add3A_702 = arith.addf %add3A_680, %convert_element_type3A_697 : vector<128x128xf32>
      %add3A_703 = arith.addf %add3A_681, %convert_element_type3A_701 : vector<128x128xf32>
      %slice3A_704 = vector.extract_strided_slice %get3A_377 {offsets = [0, 3840], sizes = [128, 128], strides = [1, 1]} : vector<128x4096xf32> to vector<128x128xf32>
      %gt3A_705 = vector.broadcast %get3A_1 : vector<128x1xf32> to vector<128x128xf32>
      %gt3A_706 = arith.cmpf ogt, %slice3A_704, %gt3A_705 : vector<128x128xf32>
      %convert_element_type3A_707 = arith.extui %gt3A_706 : vector<128x128xi1> to vector<128x128xi32>
      %convert_element_type3A_708 = arith.sitofp %convert_element_type3A_707 : vector<128x128xi32> to vector<128x128xf32>
      %ge3A_709 = vector.broadcast %get3A_1 : vector<128x1xf32> to vector<128x128xf32>
      %ge3A_710 = arith.cmpf oge, %slice3A_704, %ge3A_709 : vector<128x128xf32>
      %convert_element_type3A_711 = arith.extui %ge3A_710 : vector<128x128xi1> to vector<128x128xi32>
      %convert_element_type3A_712 = arith.sitofp %convert_element_type3A_711 : vector<128x128xi32> to vector<128x128xf32>
      %add3A_713 = arith.addf %add3A_691, %convert_element_type3A_708 : vector<128x128xf32>
      %add3A_714 = arith.addf %add3A_692, %convert_element_type3A_712 : vector<128x128xf32>
      %slice3A_715 = vector.extract_strided_slice %get3A_377 {offsets = [0, 3968], sizes = [128, 128], strides = [1, 1]} : vector<128x4096xf32> to vector<128x128xf32>
      %gt3A_716 = vector.broadcast %get3A_1 : vector<128x1xf32> to vector<128x128xf32>
      %gt3A_717 = arith.cmpf ogt, %slice3A_715, %gt3A_716 : vector<128x128xf32>
      %convert_element_type3A_718 = arith.extui %gt3A_717 : vector<128x128xi1> to vector<128x128xi32>
      %convert_element_type3A_719 = arith.sitofp %convert_element_type3A_718 : vector<128x128xi32> to vector<128x128xf32>
      %ge3A_720 = vector.broadcast %get3A_1 : vector<128x1xf32> to vector<128x128xf32>
      %ge3A_721 = arith.cmpf oge, %slice3A_715, %ge3A_720 : vector<128x128xf32>
      %convert_element_type3A_722 = arith.extui %ge3A_721 : vector<128x128xi1> to vector<128x128xi32>
      %convert_element_type3A_723 = arith.sitofp %convert_element_type3A_722 : vector<128x128xi32> to vector<128x128xf32>
      %add3A_724 = arith.addf %add3A_702, %convert_element_type3A_719 : vector<128x128xf32>
      %add3A_725 = arith.addf %add3A_703, %convert_element_type3A_723 : vector<128x128xf32>
      %get3A_726 = arith.constant 0 : index
      %get3A_727 = arith.constant 0 : index
      %get3A_728 = vector.load %arg7[%get3A_726, %get3A_727] : memref<128x128xf32, #tpu.memory_space<vmem>>, vector<128x128xf32>
      %add3A_729 = arith.addf %add3A_713, %add3A_724 : vector<128x128xf32>
      %add3A_730 = arith.addf %get3A_728, %add3A_729 : vector<128x128xf32>
      %swap3A_731 = arith.constant 0 : index
      %swap3A_732 = arith.constant 0 : index
      %swap3A_733 = vector.load %arg7[%swap3A_731, %swap3A_732] : memref<128x128xf32, #tpu.memory_space<vmem>>, vector<128x128xf32>
      tpu.vector_store %arg7[%swap3A_731, %swap3A_732], %add3A_730 {strides = array<i32>} : memref<128x128xf32, #tpu.memory_space<vmem>>, vector<128x128xf32>,
      %get3A_734 = arith.constant 0 : index
      %get3A_735 = arith.constant 0 : index
      %get3A_736 = vector.load %arg8[%get3A_734, %get3A_735] : memref<128x128xf32, #tpu.memory_space<vmem>>, vector<128x128xf32>
      %add3A_737 = arith.addf %add3A_714, %add3A_725 : vector<128x128xf32>
      %add3A_738 = arith.addf %get3A_736, %add3A_737 : vector<128x128xf32>
      %swap3A_739 = arith.constant 0 : index
      %swap3A_740 = arith.constant 0 : index
      %swap3A_741 = vector.load %arg8[%swap3A_739, %swap3A_740] : memref<128x128xf32, #tpu.memory_space<vmem>>, vector<128x128xf32>
      tpu.vector_store %arg8[%swap3A_739, %swap3A_740], %add3A_738 {strides = array<i32>} : memref<128x128xf32, #tpu.memory_space<vmem>>, vector<128x128xf32>,
    } else {
    }
    %eq3A_8 = arith.constant 12 : i32
    %eq3A_9 = arith.cmpi eq, %arg0, %eq3A_8 : i32
    %convert_element_type3A_10 = arith.extui %eq3A_9 : i1 to i32
    %cond3A_11 = arith.constant 0 : i32
    %cond3A_12 = arith.cmpi ne, %convert_element_type3A_10, %cond3A_11 : i32
    scf.if %cond3A_12 {
      %iota3A = tpu.iota {dimensions = array<i32: 1>} : vector<128x4096xi32>
      %lt3A = arith.constant 1696 : i32
      %lt3A_13 = vector.broadcast %lt3A : i32 to vector<128x4096xi32>
      %lt3A_14 = arith.cmpi slt, %iota3A, %lt3A_13 : vector<128x4096xi32>
      %get3A_15 = arith.constant 0 : index
      %get3A_16 = arith.constant 0 : index
      %get3A_17 = vector.load %arg1[%get3A_15, %get3A_16] : memref<128x4096xf32, #tpu.memory_space<vmem>>, vector<128x4096xf32>
      %jit3A = arith.constant 0xFF800000 : f32
      %broadcast_in_dim3A = vector.broadcast %jit3A : f32 to vector<128x4096xf32>
      %select_n3A = arith.select %lt3A_14, %get3A_17, %broadcast_in_dim3A : vector<128x4096xi1>, vector<128x4096xf32>
      %slice3A = vector.extract_strided_slice %select_n3A {offsets = [0, 0], sizes = [128, 128], strides = [1, 1]} : vector<128x4096xf32> to vector<128x128xf32>
      %gt3A = vector.broadcast %get3A_1 : vector<128x1xf32> to vector<128x128xf32>
      %gt3A_18 = arith.cmpf ogt, %slice3A, %gt3A : vector<128x128xf32>
      %convert_element_type3A_19 = arith.extui %gt3A_18 : vector<128x128xi1> to vector<128x128xi32>
      %convert_element_type3A_20 = arith.sitofp %convert_element_type3A_19 : vector<128x128xi32> to vector<128x128xf32>
      %ge3A = vector.broadcast %get3A_1 : vector<128x1xf32> to vector<128x128xf32>
      %ge3A_21 = arith.cmpf oge, %slice3A, %ge3A : vector<128x128xf32>
      %convert_element_type3A_22 = arith.extui %ge3A_21 : vector<128x128xi1> to vector<128x128xi32>
      %convert_element_type3A_23 = arith.sitofp %convert_element_type3A_22 : vector<128x128xi32> to vector<128x128xf32>
      %slice3A_24 = vector.extract_strided_slice %select_n3A {offsets = [0, 128], sizes = [128, 128], strides = [1, 1]} : vector<128x4096xf32> to vector<128x128xf32>
      %gt3A_25 = vector.broadcast %get3A_1 : vector<128x1xf32> to vector<128x128xf32>
      %gt3A_26 = arith.cmpf ogt, %slice3A_24, %gt3A_25 : vector<128x128xf32>
      %convert_element_type3A_27 = arith.extui %gt3A_26 : vector<128x128xi1> to vector<128x128xi32>
      %convert_element_type3A_28 = arith.sitofp %convert_element_type3A_27 : vector<128x128xi32> to vector<128x128xf32>
      %ge3A_29 = vector.broadcast %get3A_1 : vector<128x1xf32> to vector<128x128xf32>
      %ge3A_30 = arith.cmpf oge, %slice3A_24, %ge3A_29 : vector<128x128xf32>
      %convert_element_type3A_31 = arith.extui %ge3A_30 : vector<128x128xi1> to vector<128x128xi32>
      %convert_element_type3A_32 = arith.sitofp %convert_element_type3A_31 : vector<128x128xi32> to vector<128x128xf32>
      %slice3A_33 = vector.extract_strided_slice %select_n3A {offsets = [0, 256], sizes = [128, 128], strides = [1, 1]} : vector<128x4096xf32> to vector<128x128xf32>
      %gt3A_34 = vector.broadcast %get3A_1 : vector<128x1xf32> to vector<128x128xf32>
      %gt3A_35 = arith.cmpf ogt, %slice3A_33, %gt3A_34 : vector<128x128xf32>
      %convert_element_type3A_36 = arith.extui %gt3A_35 : vector<128x128xi1> to vector<128x128xi32>
      %convert_element_type3A_37 = arith.sitofp %convert_element_type3A_36 : vector<128x128xi32> to vector<128x128xf32>
      %ge3A_38 = vector.broadcast %get3A_1 : vector<128x1xf32> to vector<128x128xf32>
      %ge3A_39 = arith.cmpf oge, %slice3A_33, %ge3A_38 : vector<128x128xf32>
      %convert_element_type3A_40 = arith.extui %ge3A_39 : vector<128x128xi1> to vector<128x128xi32>
      %convert_element_type3A_41 = arith.sitofp %convert_element_type3A_40 : vector<128x128xi32> to vector<128x128xf32>
      %add3A = arith.addf %convert_element_type3A_20, %convert_element_type3A_37 : vector<128x128xf32>
      %add3A_42 = arith.addf %convert_element_type3A_23, %convert_element_type3A_41 : vector<128x128xf32>
      %slice3A_43 = vector.extract_strided_slice %select_n3A {offsets = [0, 384], sizes = [128, 128], strides = [1, 1]} : vector<128x4096xf32> to vector<128x128xf32>
      %gt3A_44 = vector.broadcast %get3A_1 : vector<128x1xf32> to vector<128x128xf32>
      %gt3A_45 = arith.cmpf ogt, %slice3A_43, %gt3A_44 : vector<128x128xf32>
      %convert_element_type3A_46 = arith.extui %gt3A_45 : vector<128x128xi1> to vector<128x128xi32>
      %convert_element_type3A_47 = arith.sitofp %convert_element_type3A_46 : vector<128x128xi32> to vector<128x128xf32>
      %ge3A_48 = vector.broadcast %get3A_1 : vector<128x1xf32> to vector<128x128xf32>
      %ge3A_49 = arith.cmpf oge, %slice3A_43, %ge3A_48 : vector<128x128xf32>
      %convert_element_type3A_50 = arith.extui %ge3A_49 : vector<128x128xi1> to vector<128x128xi32>
      %convert_element_type3A_51 = arith.sitofp %convert_element_type3A_50 : vector<128x128xi32> to vector<128x128xf32>
      %add3A_52 = arith.addf %convert_element_type3A_28, %convert_element_type3A_47 : vector<128x128xf32>
      %add3A_53 = arith.addf %convert_element_type3A_32, %convert_element_type3A_51 : vector<128x128xf32>
      %slice3A_54 = vector.extract_strided_slice %select_n3A {offsets = [0, 512], sizes = [128, 128], strides = [1, 1]} : vector<128x4096xf32> to vector<128x128xf32>
      %gt3A_55 = vector.broadcast %get3A_1 : vector<128x1xf32> to vector<128x128xf32>
      %gt3A_56 = arith.cmpf ogt, %slice3A_54, %gt3A_55 : vector<128x128xf32>
      %convert_element_type3A_57 = arith.extui %gt3A_56 : vector<128x128xi1> to vector<128x128xi32>
      %convert_element_type3A_58 = arith.sitofp %convert_element_type3A_57 : vector<128x128xi32> to vector<128x128xf32>
      %ge3A_59 = vector.broadcast %get3A_1 : vector<128x1xf32> to vector<128x128xf32>
      %ge3A_60 = arith.cmpf oge, %slice3A_54, %ge3A_59 : vector<128x128xf32>
      %convert_element_type3A_61 = arith.extui %ge3A_60 : vector<128x128xi1> to vector<128x128xi32>
      %convert_element_type3A_62 = arith.sitofp %convert_element_type3A_61 : vector<128x128xi32> to vector<128x128xf32>
      %add3A_63 = arith.addf %add3A, %convert_element_type3A_58 : vector<128x128xf32>
      %add3A_64 = arith.addf %add3A_42, %convert_element_type3A_62 : vector<128x128xf32>
      %slice3A_65 = vector.extract_strided_slice %select_n3A {offsets = [0, 640], sizes = [128, 128], strides = [1, 1]} : vector<128x4096xf32> to vector<128x128xf32>
      %gt3A_66 = vector.broadcast %get3A_1 : vector<128x1xf32> to vector<128x128xf32>
      %gt3A_67 = arith.cmpf ogt, %slice3A_65, %gt3A_66 : vector<128x128xf32>
      %convert_element_type3A_68 = arith.extui %gt3A_67 : vector<128x128xi1> to vector<128x128xi32>
      %convert_element_type3A_69 = arith.sitofp %convert_element_type3A_68 : vector<128x128xi32> to vector<128x128xf32>
      %ge3A_70 = vector.broadcast %get3A_1 : vector<128x1xf32> to vector<128x128xf32>
      %ge3A_71 = arith.cmpf oge, %slice3A_65, %ge3A_70 : vector<128x128xf32>
      %convert_element_type3A_72 = arith.extui %ge3A_71 : vector<128x128xi1> to vector<128x128xi32>
      %convert_element_type3A_73 = arith.sitofp %convert_element_type3A_72 : vector<128x128xi32> to vector<128x128xf32>
      %add3A_74 = arith.addf %add3A_52, %convert_element_type3A_69 : vector<128x128xf32>
      %add3A_75 = arith.addf %add3A_53, %convert_element_type3A_73 : vector<128x128xf32>
      %slice3A_76 = vector.extract_strided_slice %select_n3A {offsets = [0, 768], sizes = [128, 128], strides = [1, 1]} : vector<128x4096xf32> to vector<128x128xf32>
      %gt3A_77 = vector.broadcast %get3A_1 : vector<128x1xf32> to vector<128x128xf32>
      %gt3A_78 = arith.cmpf ogt, %slice3A_76, %gt3A_77 : vector<128x128xf32>
      %convert_element_type3A_79 = arith.extui %gt3A_78 : vector<128x128xi1> to vector<128x128xi32>
      %convert_element_type3A_80 = arith.sitofp %convert_element_type3A_79 : vector<128x128xi32> to vector<128x128xf32>
      %ge3A_81 = vector.broadcast %get3A_1 : vector<128x1xf32> to vector<128x128xf32>
      %ge3A_82 = arith.cmpf oge, %slice3A_76, %ge3A_81 : vector<128x128xf32>
      %convert_element_type3A_83 = arith.extui %ge3A_82 : vector<128x128xi1> to vector<128x128xi32>
      %convert_element_type3A_84 = arith.sitofp %convert_element_type3A_83 : vector<128x128xi32> to vector<128x128xf32>
      %add3A_85 = arith.addf %add3A_63, %convert_element_type3A_80 : vector<128x128xf32>
      %add3A_86 = arith.addf %add3A_64, %convert_element_type3A_84 : vector<128x128xf32>
      %slice3A_87 = vector.extract_strided_slice %select_n3A {offsets = [0, 896], sizes = [128, 128], strides = [1, 1]} : vector<128x4096xf32> to vector<128x128xf32>
      %gt3A_88 = vector.broadcast %get3A_1 : vector<128x1xf32> to vector<128x128xf32>
      %gt3A_89 = arith.cmpf ogt, %slice3A_87, %gt3A_88 : vector<128x128xf32>
      %convert_element_type3A_90 = arith.extui %gt3A_89 : vector<128x128xi1> to vector<128x128xi32>
      %convert_element_type3A_91 = arith.sitofp %convert_element_type3A_90 : vector<128x128xi32> to vector<128x128xf32>
      %ge3A_92 = vector.broadcast %get3A_1 : vector<128x1xf32> to vector<128x128xf32>
      %ge3A_93 = arith.cmpf oge, %slice3A_87, %ge3A_92 : vector<128x128xf32>
      %convert_element_type3A_94 = arith.extui %ge3A_93 : vector<128x128xi1> to vector<128x128xi32>
      %convert_element_type3A_95 = arith.sitofp %convert_element_type3A_94 : vector<128x128xi32> to vector<128x128xf32>
      %add3A_96 = arith.addf %add3A_74, %convert_element_type3A_91 : vector<128x128xf32>
      %add3A_97 = arith.addf %add3A_75, %convert_element_type3A_95 : vector<128x128xf32>
      %slice3A_98 = vector.extract_strided_slice %select_n3A {offsets = [0, 1024], sizes = [128, 128], strides = [1, 1]} : vector<128x4096xf32> to vector<128x128xf32>
      %gt3A_99 = vector.broadcast %get3A_1 : vector<128x1xf32> to vector<128x128xf32>
      %gt3A_100 = arith.cmpf ogt, %slice3A_98, %gt3A_99 : vector<128x128xf32>
      %convert_element_type3A_101 = arith.extui %gt3A_100 : vector<128x128xi1> to vector<128x128xi32>
      %convert_element_type3A_102 = arith.sitofp %convert_element_type3A_101 : vector<128x128xi32> to vector<128x128xf32>
      %ge3A_103 = vector.broadcast %get3A_1 : vector<128x1xf32> to vector<128x128xf32>
      %ge3A_104 = arith.cmpf oge, %slice3A_98, %ge3A_103 : vector<128x128xf32>
      %convert_element_type3A_105 = arith.extui %ge3A_104 : vector<128x128xi1> to vector<128x128xi32>
      %convert_element_type3A_106 = arith.sitofp %convert_element_type3A_105 : vector<128x128xi32> to vector<128x128xf32>
      %add3A_107 = arith.addf %add3A_85, %convert_element_type3A_102 : vector<128x128xf32>
      %add3A_108 = arith.addf %add3A_86, %convert_element_type3A_106 : vector<128x128xf32>
      %slice3A_109 = vector.extract_strided_slice %select_n3A {offsets = [0, 1152], sizes = [128, 128], strides = [1, 1]} : vector<128x4096xf32> to vector<128x128xf32>
      %gt3A_110 = vector.broadcast %get3A_1 : vector<128x1xf32> to vector<128x128xf32>
      %gt3A_111 = arith.cmpf ogt, %slice3A_109, %gt3A_110 : vector<128x128xf32>
      %convert_element_type3A_112 = arith.extui %gt3A_111 : vector<128x128xi1> to vector<128x128xi32>
      %convert_element_type3A_113 = arith.sitofp %convert_element_type3A_112 : vector<128x128xi32> to vector<128x128xf32>
      %ge3A_114 = vector.broadcast %get3A_1 : vector<128x1xf32> to vector<128x128xf32>
      %ge3A_115 = arith.cmpf oge, %slice3A_109, %ge3A_114 : vector<128x128xf32>
      %convert_element_type3A_116 = arith.extui %ge3A_115 : vector<128x128xi1> to vector<128x128xi32>
      %convert_element_type3A_117 = arith.sitofp %convert_element_type3A_116 : vector<128x128xi32> to vector<128x128xf32>
      %add3A_118 = arith.addf %add3A_96, %convert_element_type3A_113 : vector<128x128xf32>
      %add3A_119 = arith.addf %add3A_97, %convert_element_type3A_117 : vector<128x128xf32>
      %slice3A_120 = vector.extract_strided_slice %select_n3A {offsets = [0, 1280], sizes = [128, 128], strides = [1, 1]} : vector<128x4096xf32> to vector<128x128xf32>
      %gt3A_121 = vector.broadcast %get3A_1 : vector<128x1xf32> to vector<128x128xf32>
      %gt3A_122 = arith.cmpf ogt, %slice3A_120, %gt3A_121 : vector<128x128xf32>
      %convert_element_type3A_123 = arith.extui %gt3A_122 : vector<128x128xi1> to vector<128x128xi32>
      %convert_element_type3A_124 = arith.sitofp %convert_element_type3A_123 : vector<128x128xi32> to vector<128x128xf32>
      %ge3A_125 = vector.broadcast %get3A_1 : vector<128x1xf32> to vector<128x128xf32>
      %ge3A_126 = arith.cmpf oge, %slice3A_120, %ge3A_125 : vector<128x128xf32>
      %convert_element_type3A_127 = arith.extui %ge3A_126 : vector<128x128xi1> to vector<128x128xi32>
      %convert_element_type3A_128 = arith.sitofp %convert_element_type3A_127 : vector<128x128xi32> to vector<128x128xf32>
      %add3A_129 = arith.addf %add3A_107, %convert_element_type3A_124 : vector<128x128xf32>
      %add3A_130 = arith.addf %add3A_108, %convert_element_type3A_128 : vector<128x128xf32>
      %slice3A_131 = vector.extract_strided_slice %select_n3A {offsets = [0, 1408], sizes = [128, 128], strides = [1, 1]} : vector<128x4096xf32> to vector<128x128xf32>
      %gt3A_132 = vector.broadcast %get3A_1 : vector<128x1xf32> to vector<128x128xf32>
      %gt3A_133 = arith.cmpf ogt, %slice3A_131, %gt3A_132 : vector<128x128xf32>
      %convert_element_type3A_134 = arith.extui %gt3A_133 : vector<128x128xi1> to vector<128x128xi32>
      %convert_element_type3A_135 = arith.sitofp %convert_element_type3A_134 : vector<128x128xi32> to vector<128x128xf32>
      %ge3A_136 = vector.broadcast %get3A_1 : vector<128x1xf32> to vector<128x128xf32>
      %ge3A_137 = arith.cmpf oge, %slice3A_131, %ge3A_136 : vector<128x128xf32>
      %convert_element_type3A_138 = arith.extui %ge3A_137 : vector<128x128xi1> to vector<128x128xi32>
      %convert_element_type3A_139 = arith.sitofp %convert_element_type3A_138 : vector<128x128xi32> to vector<128x128xf32>
      %add3A_140 = arith.addf %add3A_118, %convert_element_type3A_135 : vector<128x128xf32>
      %add3A_141 = arith.addf %add3A_119, %convert_element_type3A_139 : vector<128x128xf32>
      %slice3A_142 = vector.extract_strided_slice %select_n3A {offsets = [0, 1536], sizes = [128, 128], strides = [1, 1]} : vector<128x4096xf32> to vector<128x128xf32>
      %gt3A_143 = vector.broadcast %get3A_1 : vector<128x1xf32> to vector<128x128xf32>
      %gt3A_144 = arith.cmpf ogt, %slice3A_142, %gt3A_143 : vector<128x128xf32>
      %convert_element_type3A_145 = arith.extui %gt3A_144 : vector<128x128xi1> to vector<128x128xi32>
      %convert_element_type3A_146 = arith.sitofp %convert_element_type3A_145 : vector<128x128xi32> to vector<128x128xf32>
      %ge3A_147 = vector.broadcast %get3A_1 : vector<128x1xf32> to vector<128x128xf32>
      %ge3A_148 = arith.cmpf oge, %slice3A_142, %ge3A_147 : vector<128x128xf32>
      %convert_element_type3A_149 = arith.extui %ge3A_148 : vector<128x128xi1> to vector<128x128xi32>
      %convert_element_type3A_150 = arith.sitofp %convert_element_type3A_149 : vector<128x128xi32> to vector<128x128xf32>
      %add3A_151 = arith.addf %add3A_129, %convert_element_type3A_146 : vector<128x128xf32>
      %add3A_152 = arith.addf %add3A_130, %convert_element_type3A_150 : vector<128x128xf32>
      %slice3A_153 = vector.extract_strided_slice %select_n3A {offsets = [0, 1664], sizes = [128, 128], strides = [1, 1]} : vector<128x4096xf32> to vector<128x128xf32>
      %gt3A_154 = vector.broadcast %get3A_1 : vector<128x1xf32> to vector<128x128xf32>
      %gt3A_155 = arith.cmpf ogt, %slice3A_153, %gt3A_154 : vector<128x128xf32>
      %convert_element_type3A_156 = arith.extui %gt3A_155 : vector<128x128xi1> to vector<128x128xi32>
      %convert_element_type3A_157 = arith.sitofp %convert_element_type3A_156 : vector<128x128xi32> to vector<128x128xf32>
      %ge3A_158 = vector.broadcast %get3A_1 : vector<128x1xf32> to vector<128x128xf32>
      %ge3A_159 = arith.cmpf oge, %slice3A_153, %ge3A_158 : vector<128x128xf32>
      %convert_element_type3A_160 = arith.extui %ge3A_159 : vector<128x128xi1> to vector<128x128xi32>
      %convert_element_type3A_161 = arith.sitofp %convert_element_type3A_160 : vector<128x128xi32> to vector<128x128xf32>
      %add3A_162 = arith.addf %add3A_140, %convert_element_type3A_157 : vector<128x128xf32>
      %add3A_163 = arith.addf %add3A_141, %convert_element_type3A_161 : vector<128x128xf32>
      %slice3A_164 = vector.extract_strided_slice %select_n3A {offsets = [0, 1792], sizes = [128, 128], strides = [1, 1]} : vector<128x4096xf32> to vector<128x128xf32>
      %gt3A_165 = vector.broadcast %get3A_1 : vector<128x1xf32> to vector<128x128xf32>
      %gt3A_166 = arith.cmpf ogt, %slice3A_164, %gt3A_165 : vector<128x128xf32>
      %convert_element_type3A_167 = arith.extui %gt3A_166 : vector<128x128xi1> to vector<128x128xi32>
      %convert_element_type3A_168 = arith.sitofp %convert_element_type3A_167 : vector<128x128xi32> to vector<128x128xf32>
      %ge3A_169 = vector.broadcast %get3A_1 : vector<128x1xf32> to vector<128x128xf32>
      %ge3A_170 = arith.cmpf oge, %slice3A_164, %ge3A_169 : vector<128x128xf32>
      %convert_element_type3A_171 = arith.extui %ge3A_170 : vector<128x128xi1> to vector<128x128xi32>
      %convert_element_type3A_172 = arith.sitofp %convert_element_type3A_171 : vector<128x128xi32> to vector<128x128xf32>
      %add3A_173 = arith.addf %add3A_151, %convert_element_type3A_168 : vector<128x128xf32>
      %add3A_174 = arith.addf %add3A_152, %convert_element_type3A_172 : vector<128x128xf32>
      %slice3A_175 = vector.extract_strided_slice %select_n3A {offsets = [0, 1920], sizes = [128, 128], strides = [1, 1]} : vector<128x4096xf32> to vector<128x128xf32>
      %gt3A_176 = vector.broadcast %get3A_1 : vector<128x1xf32> to vector<128x128xf32>
      %gt3A_177 = arith.cmpf ogt, %slice3A_175, %gt3A_176 : vector<128x128xf32>
      %convert_element_type3A_178 = arith.extui %gt3A_177 : vector<128x128xi1> to vector<128x128xi32>
      %convert_element_type3A_179 = arith.sitofp %convert_element_type3A_178 : vector<128x128xi32> to vector<128x128xf32>
      %ge3A_180 = vector.broadcast %get3A_1 : vector<128x1xf32> to vector<128x128xf32>
      %ge3A_181 = arith.cmpf oge, %slice3A_175, %ge3A_180 : vector<128x128xf32>
      %convert_element_type3A_182 = arith.extui %ge3A_181 : vector<128x128xi1> to vector<128x128xi32>
      %convert_element_type3A_183 = arith.sitofp %convert_element_type3A_182 : vector<128x128xi32> to vector<128x128xf32>
      %add3A_184 = arith.addf %add3A_162, %convert_element_type3A_179 : vector<128x128xf32>
      %add3A_185 = arith.addf %add3A_163, %convert_element_type3A_183 : vector<128x128xf32>
      %slice3A_186 = vector.extract_strided_slice %select_n3A {offsets = [0, 2048], sizes = [128, 128], strides = [1, 1]} : vector<128x4096xf32> to vector<128x128xf32>
      %gt3A_187 = vector.broadcast %get3A_1 : vector<128x1xf32> to vector<128x128xf32>
      %gt3A_188 = arith.cmpf ogt, %slice3A_186, %gt3A_187 : vector<128x128xf32>
      %convert_element_type3A_189 = arith.extui %gt3A_188 : vector<128x128xi1> to vector<128x128xi32>
      %convert_element_type3A_190 = arith.sitofp %convert_element_type3A_189 : vector<128x128xi32> to vector<128x128xf32>
      %ge3A_191 = vector.broadcast %get3A_1 : vector<128x1xf32> to vector<128x128xf32>
      %ge3A_192 = arith.cmpf oge, %slice3A_186, %ge3A_191 : vector<128x128xf32>
      %convert_element_type3A_193 = arith.extui %ge3A_192 : vector<128x128xi1> to vector<128x128xi32>
      %convert_element_type3A_194 = arith.sitofp %convert_element_type3A_193 : vector<128x128xi32> to vector<128x128xf32>
      %add3A_195 = arith.addf %add3A_173, %convert_element_type3A_190 : vector<128x128xf32>
      %add3A_196 = arith.addf %add3A_174, %convert_element_type3A_194 : vector<128x128xf32>
      %slice3A_197 = vector.extract_strided_slice %select_n3A {offsets = [0, 2176], sizes = [128, 128], strides = [1, 1]} : vector<128x4096xf32> to vector<128x128xf32>
      %gt3A_198 = vector.broadcast %get3A_1 : vector<128x1xf32> to vector<128x128xf32>
      %gt3A_199 = arith.cmpf ogt, %slice3A_197, %gt3A_198 : vector<128x128xf32>
      %convert_element_type3A_200 = arith.extui %gt3A_199 : vector<128x128xi1> to vector<128x128xi32>
      %convert_element_type3A_201 = arith.sitofp %convert_element_type3A_200 : vector<128x128xi32> to vector<128x128xf32>
      %ge3A_202 = vector.broadcast %get3A_1 : vector<128x1xf32> to vector<128x128xf32>
      %ge3A_203 = arith.cmpf oge, %slice3A_197, %ge3A_202 : vector<128x128xf32>
      %convert_element_type3A_204 = arith.extui %ge3A_203 : vector<128x128xi1> to vector<128x128xi32>
      %convert_element_type3A_205 = arith.sitofp %convert_element_type3A_204 : vector<128x128xi32> to vector<128x128xf32>
      %add3A_206 = arith.addf %add3A_184, %convert_element_type3A_201 : vector<128x128xf32>
      %add3A_207 = arith.addf %add3A_185, %convert_element_type3A_205 : vector<128x128xf32>
      %slice3A_208 = vector.extract_strided_slice %select_n3A {offsets = [0, 2304], sizes = [128, 128], strides = [1, 1]} : vector<128x4096xf32> to vector<128x128xf32>
      %gt3A_209 = vector.broadcast %get3A_1 : vector<128x1xf32> to vector<128x128xf32>
      %gt3A_210 = arith.cmpf ogt, %slice3A_208, %gt3A_209 : vector<128x128xf32>
      %convert_element_type3A_211 = arith.extui %gt3A_210 : vector<128x128xi1> to vector<128x128xi32>
      %convert_element_type3A_212 = arith.sitofp %convert_element_type3A_211 : vector<128x128xi32> to vector<128x128xf32>
      %ge3A_213 = vector.broadcast %get3A_1 : vector<128x1xf32> to vector<128x128xf32>
      %ge3A_214 = arith.cmpf oge, %slice3A_208, %ge3A_213 : vector<128x128xf32>
      %convert_element_type3A_215 = arith.extui %ge3A_214 : vector<128x128xi1> to vector<128x128xi32>
      %convert_element_type3A_216 = arith.sitofp %convert_element_type3A_215 : vector<128x128xi32> to vector<128x128xf32>
      %add3A_217 = arith.addf %add3A_195, %convert_element_type3A_212 : vector<128x128xf32>
      %add3A_218 = arith.addf %add3A_196, %convert_element_type3A_216 : vector<128x128xf32>
      %slice3A_219 = vector.extract_strided_slice %select_n3A {offsets = [0, 2432], sizes = [128, 128], strides = [1, 1]} : vector<128x4096xf32> to vector<128x128xf32>
      %gt3A_220 = vector.broadcast %get3A_1 : vector<128x1xf32> to vector<128x128xf32>
      %gt3A_221 = arith.cmpf ogt, %slice3A_219, %gt3A_220 : vector<128x128xf32>
      %convert_element_type3A_222 = arith.extui %gt3A_221 : vector<128x128xi1> to vector<128x128xi32>
      %convert_element_type3A_223 = arith.sitofp %convert_element_type3A_222 : vector<128x128xi32> to vector<128x128xf32>
      %ge3A_224 = vector.broadcast %get3A_1 : vector<128x1xf32> to vector<128x128xf32>
      %ge3A_225 = arith.cmpf oge, %slice3A_219, %ge3A_224 : vector<128x128xf32>
      %convert_element_type3A_226 = arith.extui %ge3A_225 : vector<128x128xi1> to vector<128x128xi32>
      %convert_element_type3A_227 = arith.sitofp %convert_element_type3A_226 : vector<128x128xi32> to vector<128x128xf32>
      %add3A_228 = arith.addf %add3A_206, %convert_element_type3A_223 : vector<128x128xf32>
      %add3A_229 = arith.addf %add3A_207, %convert_element_type3A_227 : vector<128x128xf32>
      %slice3A_230 = vector.extract_strided_slice %select_n3A {offsets = [0, 2560], sizes = [128, 128], strides = [1, 1]} : vector<128x4096xf32> to vector<128x128xf32>
      %gt3A_231 = vector.broadcast %get3A_1 : vector<128x1xf32> to vector<128x128xf32>
      %gt3A_232 = arith.cmpf ogt, %slice3A_230, %gt3A_231 : vector<128x128xf32>
      %convert_element_type3A_233 = arith.extui %gt3A_232 : vector<128x128xi1> to vector<128x128xi32>
      %convert_element_type3A_234 = arith.sitofp %convert_element_type3A_233 : vector<128x128xi32> to vector<128x128xf32>
      %ge3A_235 = vector.broadcast %get3A_1 : vector<128x1xf32> to vector<128x128xf32>
      %ge3A_236 = arith.cmpf oge, %slice3A_230, %ge3A_235 : vector<128x128xf32>
      %convert_element_type3A_237 = arith.extui %ge3A_236 : vector<128x128xi1> to vector<128x128xi32>
      %convert_element_type3A_238 = arith.sitofp %convert_element_type3A_237 : vector<128x128xi32> to vector<128x128xf32>
      %add3A_239 = arith.addf %add3A_217, %convert_element_type3A_234 : vector<128x128xf32>
      %add3A_240 = arith.addf %add3A_218, %convert_element_type3A_238 : vector<128x128xf32>
      %slice3A_241 = vector.extract_strided_slice %select_n3A {offsets = [0, 2688], sizes = [128, 128], strides = [1, 1]} : vector<128x4096xf32> to vector<128x128xf32>
      %gt3A_242 = vector.broadcast %get3A_1 : vector<128x1xf32> to vector<128x128xf32>
      %gt3A_243 = arith.cmpf ogt, %slice3A_241, %gt3A_242 : vector<128x128xf32>
      %convert_element_type3A_244 = arith.extui %gt3A_243 : vector<128x128xi1> to vector<128x128xi32>
      %convert_element_type3A_245 = arith.sitofp %convert_element_type3A_244 : vector<128x128xi32> to vector<128x128xf32>
      %ge3A_246 = vector.broadcast %get3A_1 : vector<128x1xf32> to vector<128x128xf32>
      %ge3A_247 = arith.cmpf oge, %slice3A_241, %ge3A_246 : vector<128x128xf32>
      %convert_element_type3A_248 = arith.extui %ge3A_247 : vector<128x128xi1> to vector<128x128xi32>
      %convert_element_type3A_249 = arith.sitofp %convert_element_type3A_248 : vector<128x128xi32> to vector<128x128xf32>
      %add3A_250 = arith.addf %add3A_228, %convert_element_type3A_245 : vector<128x128xf32>
      %add3A_251 = arith.addf %add3A_229, %convert_element_type3A_249 : vector<128x128xf32>
      %slice3A_252 = vector.extract_strided_slice %select_n3A {offsets = [0, 2816], sizes = [128, 128], strides = [1, 1]} : vector<128x4096xf32> to vector<128x128xf32>
      %gt3A_253 = vector.broadcast %get3A_1 : vector<128x1xf32> to vector<128x128xf32>
      %gt3A_254 = arith.cmpf ogt, %slice3A_252, %gt3A_253 : vector<128x128xf32>
      %convert_element_type3A_255 = arith.extui %gt3A_254 : vector<128x128xi1> to vector<128x128xi32>
      %convert_element_type3A_256 = arith.sitofp %convert_element_type3A_255 : vector<128x128xi32> to vector<128x128xf32>
      %ge3A_257 = vector.broadcast %get3A_1 : vector<128x1xf32> to vector<128x128xf32>
      %ge3A_258 = arith.cmpf oge, %slice3A_252, %ge3A_257 : vector<128x128xf32>
      %convert_element_type3A_259 = arith.extui %ge3A_258 : vector<128x128xi1> to vector<128x128xi32>
      %convert_element_type3A_260 = arith.sitofp %convert_element_type3A_259 : vector<128x128xi32> to vector<128x128xf32>
      %add3A_261 = arith.addf %add3A_239, %convert_element_type3A_256 : vector<128x128xf32>
      %add3A_262 = arith.addf %add3A_240, %convert_element_type3A_260 : vector<128x128xf32>
      %slice3A_263 = vector.extract_strided_slice %select_n3A {offsets = [0, 2944], sizes = [128, 128], strides = [1, 1]} : vector<128x4096xf32> to vector<128x128xf32>
      %gt3A_264 = vector.broadcast %get3A_1 : vector<128x1xf32> to vector<128x128xf32>
      %gt3A_265 = arith.cmpf ogt, %slice3A_263, %gt3A_264 : vector<128x128xf32>
      %convert_element_type3A_266 = arith.extui %gt3A_265 : vector<128x128xi1> to vector<128x128xi32>
      %convert_element_type3A_267 = arith.sitofp %convert_element_type3A_266 : vector<128x128xi32> to vector<128x128xf32>
      %ge3A_268 = vector.broadcast %get3A_1 : vector<128x1xf32> to vector<128x128xf32>
      %ge3A_269 = arith.cmpf oge, %slice3A_263, %ge3A_268 : vector<128x128xf32>
      %convert_element_type3A_270 = arith.extui %ge3A_269 : vector<128x128xi1> to vector<128x128xi32>
      %convert_element_type3A_271 = arith.sitofp %convert_element_type3A_270 : vector<128x128xi32> to vector<128x128xf32>
      %add3A_272 = arith.addf %add3A_250, %convert_element_type3A_267 : vector<128x128xf32>
      %add3A_273 = arith.addf %add3A_251, %convert_element_type3A_271 : vector<128x128xf32>
      %slice3A_274 = vector.extract_strided_slice %select_n3A {offsets = [0, 3072], sizes = [128, 128], strides = [1, 1]} : vector<128x4096xf32> to vector<128x128xf32>
      %gt3A_275 = vector.broadcast %get3A_1 : vector<128x1xf32> to vector<128x128xf32>
      %gt3A_276 = arith.cmpf ogt, %slice3A_274, %gt3A_275 : vector<128x128xf32>
      %convert_element_type3A_277 = arith.extui %gt3A_276 : vector<128x128xi1> to vector<128x128xi32>
      %convert_element_type3A_278 = arith.sitofp %convert_element_type3A_277 : vector<128x128xi32> to vector<128x128xf32>
      %ge3A_279 = vector.broadcast %get3A_1 : vector<128x1xf32> to vector<128x128xf32>
      %ge3A_280 = arith.cmpf oge, %slice3A_274, %ge3A_279 : vector<128x128xf32>
      %convert_element_type3A_281 = arith.extui %ge3A_280 : vector<128x128xi1> to vector<128x128xi32>
      %convert_element_type3A_282 = arith.sitofp %convert_element_type3A_281 : vector<128x128xi32> to vector<128x128xf32>
      %add3A_283 = arith.addf %add3A_261, %convert_element_type3A_278 : vector<128x128xf32>
      %add3A_284 = arith.addf %add3A_262, %convert_element_type3A_282 : vector<128x128xf32>
      %slice3A_285 = vector.extract_strided_slice %select_n3A {offsets = [0, 3200], sizes = [128, 128], strides = [1, 1]} : vector<128x4096xf32> to vector<128x128xf32>
      %gt3A_286 = vector.broadcast %get3A_1 : vector<128x1xf32> to vector<128x128xf32>
      %gt3A_287 = arith.cmpf ogt, %slice3A_285, %gt3A_286 : vector<128x128xf32>
      %convert_element_type3A_288 = arith.extui %gt3A_287 : vector<128x128xi1> to vector<128x128xi32>
      %convert_element_type3A_289 = arith.sitofp %convert_element_type3A_288 : vector<128x128xi32> to vector<128x128xf32>
      %ge3A_290 = vector.broadcast %get3A_1 : vector<128x1xf32> to vector<128x128xf32>
      %ge3A_291 = arith.cmpf oge, %slice3A_285, %ge3A_290 : vector<128x128xf32>
      %convert_element_type3A_292 = arith.extui %ge3A_291 : vector<128x128xi1> to vector<128x128xi32>
      %convert_element_type3A_293 = arith.sitofp %convert_element_type3A_292 : vector<128x128xi32> to vector<128x128xf32>
      %add3A_294 = arith.addf %add3A_272, %convert_element_type3A_289 : vector<128x128xf32>
      %add3A_295 = arith.addf %add3A_273, %convert_element_type3A_293 : vector<128x128xf32>
      %slice3A_296 = vector.extract_strided_slice %select_n3A {offsets = [0, 3328], sizes = [128, 128], strides = [1, 1]} : vector<128x4096xf32> to vector<128x128xf32>
      %gt3A_297 = vector.broadcast %get3A_1 : vector<128x1xf32> to vector<128x128xf32>
      %gt3A_298 = arith.cmpf ogt, %slice3A_296, %gt3A_297 : vector<128x128xf32>
      %convert_element_type3A_299 = arith.extui %gt3A_298 : vector<128x128xi1> to vector<128x128xi32>
      %convert_element_type3A_300 = arith.sitofp %convert_element_type3A_299 : vector<128x128xi32> to vector<128x128xf32>
      %ge3A_301 = vector.broadcast %get3A_1 : vector<128x1xf32> to vector<128x128xf32>
      %ge3A_302 = arith.cmpf oge, %slice3A_296, %ge3A_301 : vector<128x128xf32>
      %convert_element_type3A_303 = arith.extui %ge3A_302 : vector<128x128xi1> to vector<128x128xi32>
      %convert_element_type3A_304 = arith.sitofp %convert_element_type3A_303 : vector<128x128xi32> to vector<128x128xf32>
      %add3A_305 = arith.addf %add3A_283, %convert_element_type3A_300 : vector<128x128xf32>
      %add3A_306 = arith.addf %add3A_284, %convert_element_type3A_304 : vector<128x128xf32>
      %slice3A_307 = vector.extract_strided_slice %select_n3A {offsets = [0, 3456], sizes = [128, 128], strides = [1, 1]} : vector<128x4096xf32> to vector<128x128xf32>
      %gt3A_308 = vector.broadcast %get3A_1 : vector<128x1xf32> to vector<128x128xf32>
      %gt3A_309 = arith.cmpf ogt, %slice3A_307, %gt3A_308 : vector<128x128xf32>
      %convert_element_type3A_310 = arith.extui %gt3A_309 : vector<128x128xi1> to vector<128x128xi32>
      %convert_element_type3A_311 = arith.sitofp %convert_element_type3A_310 : vector<128x128xi32> to vector<128x128xf32>
      %ge3A_312 = vector.broadcast %get3A_1 : vector<128x1xf32> to vector<128x128xf32>
      %ge3A_313 = arith.cmpf oge, %slice3A_307, %ge3A_312 : vector<128x128xf32>
      %convert_element_type3A_314 = arith.extui %ge3A_313 : vector<128x128xi1> to vector<128x128xi32>
      %convert_element_type3A_315 = arith.sitofp %convert_element_type3A_314 : vector<128x128xi32> to vector<128x128xf32>
      %add3A_316 = arith.addf %add3A_294, %convert_element_type3A_311 : vector<128x128xf32>
      %add3A_317 = arith.addf %add3A_295, %convert_element_type3A_315 : vector<128x128xf32>
      %slice3A_318 = vector.extract_strided_slice %select_n3A {offsets = [0, 3584], sizes = [128, 128], strides = [1, 1]} : vector<128x4096xf32> to vector<128x128xf32>
      %gt3A_319 = vector.broadcast %get3A_1 : vector<128x1xf32> to vector<128x128xf32>
      %gt3A_320 = arith.cmpf ogt, %slice3A_318, %gt3A_319 : vector<128x128xf32>
      %convert_element_type3A_321 = arith.extui %gt3A_320 : vector<128x128xi1> to vector<128x128xi32>
      %convert_element_type3A_322 = arith.sitofp %convert_element_type3A_321 : vector<128x128xi32> to vector<128x128xf32>
      %ge3A_323 = vector.broadcast %get3A_1 : vector<128x1xf32> to vector<128x128xf32>
      %ge3A_324 = arith.cmpf oge, %slice3A_318, %ge3A_323 : vector<128x128xf32>
      %convert_element_type3A_325 = arith.extui %ge3A_324 : vector<128x128xi1> to vector<128x128xi32>
      %convert_element_type3A_326 = arith.sitofp %convert_element_type3A_325 : vector<128x128xi32> to vector<128x128xf32>
      %add3A_327 = arith.addf %add3A_305, %convert_element_type3A_322 : vector<128x128xf32>
      %add3A_328 = arith.addf %add3A_306, %convert_element_type3A_326 : vector<128x128xf32>
      %slice3A_329 = vector.extract_strided_slice %select_n3A {offsets = [0, 3712], sizes = [128, 128], strides = [1, 1]} : vector<128x4096xf32> to vector<128x128xf32>
      %gt3A_330 = vector.broadcast %get3A_1 : vector<128x1xf32> to vector<128x128xf32>
      %gt3A_331 = arith.cmpf ogt, %slice3A_329, %gt3A_330 : vector<128x128xf32>
      %convert_element_type3A_332 = arith.extui %gt3A_331 : vector<128x128xi1> to vector<128x128xi32>
      %convert_element_type3A_333 = arith.sitofp %convert_element_type3A_332 : vector<128x128xi32> to vector<128x128xf32>
      %ge3A_334 = vector.broadcast %get3A_1 : vector<128x1xf32> to vector<128x128xf32>
      %ge3A_335 = arith.cmpf oge, %slice3A_329, %ge3A_334 : vector<128x128xf32>
      %convert_element_type3A_336 = arith.extui %ge3A_335 : vector<128x128xi1> to vector<128x128xi32>
      %convert_element_type3A_337 = arith.sitofp %convert_element_type3A_336 : vector<128x128xi32> to vector<128x128xf32>
      %add3A_338 = arith.addf %add3A_316, %convert_element_type3A_333 : vector<128x128xf32>
      %add3A_339 = arith.addf %add3A_317, %convert_element_type3A_337 : vector<128x128xf32>
      %slice3A_340 = vector.extract_strided_slice %select_n3A {offsets = [0, 3840], sizes = [128, 128], strides = [1, 1]} : vector<128x4096xf32> to vector<128x128xf32>
      %gt3A_341 = vector.broadcast %get3A_1 : vector<128x1xf32> to vector<128x128xf32>
      %gt3A_342 = arith.cmpf ogt, %slice3A_340, %gt3A_341 : vector<128x128xf32>
      %convert_element_type3A_343 = arith.extui %gt3A_342 : vector<128x128xi1> to vector<128x128xi32>
      %convert_element_type3A_344 = arith.sitofp %convert_element_type3A_343 : vector<128x128xi32> to vector<128x128xf32>
      %ge3A_345 = vector.broadcast %get3A_1 : vector<128x1xf32> to vector<128x128xf32>
      %ge3A_346 = arith.cmpf oge, %slice3A_340, %ge3A_345 : vector<128x128xf32>
      %convert_element_type3A_347 = arith.extui %ge3A_346 : vector<128x128xi1> to vector<128x128xi32>
      %convert_element_type3A_348 = arith.sitofp %convert_element_type3A_347 : vector<128x128xi32> to vector<128x128xf32>
      %add3A_349 = arith.addf %add3A_327, %convert_element_type3A_344 : vector<128x128xf32>
      %add3A_350 = arith.addf %add3A_328, %convert_element_type3A_348 : vector<128x128xf32>
      %slice3A_351 = vector.extract_strided_slice %select_n3A {offsets = [0, 3968], sizes = [128, 128], strides = [1, 1]} : vector<128x4096xf32> to vector<128x128xf32>
      %gt3A_352 = vector.broadcast %get3A_1 : vector<128x1xf32> to vector<128x128xf32>
      %gt3A_353 = arith.cmpf ogt, %slice3A_351, %gt3A_352 : vector<128x128xf32>
      %convert_element_type3A_354 = arith.extui %gt3A_353 : vector<128x128xi1> to vector<128x128xi32>
      %convert_element_type3A_355 = arith.sitofp %convert_element_type3A_354 : vector<128x128xi32> to vector<128x128xf32>
      %ge3A_356 = vector.broadcast %get3A_1 : vector<128x1xf32> to vector<128x128xf32>
      %ge3A_357 = arith.cmpf oge, %slice3A_351, %ge3A_356 : vector<128x128xf32>
      %convert_element_type3A_358 = arith.extui %ge3A_357 : vector<128x128xi1> to vector<128x128xi32>
      %convert_element_type3A_359 = arith.sitofp %convert_element_type3A_358 : vector<128x128xi32> to vector<128x128xf32>
      %add3A_360 = arith.addf %add3A_338, %convert_element_type3A_355 : vector<128x128xf32>
      %add3A_361 = arith.addf %add3A_339, %convert_element_type3A_359 : vector<128x128xf32>
      %get3A_362 = arith.constant 0 : index
      %get3A_363 = arith.constant 0 : index
      %get3A_364 = vector.load %arg7[%get3A_362, %get3A_363] : memref<128x128xf32, #tpu.memory_space<vmem>>, vector<128x128xf32>
      %add3A_365 = arith.addf %add3A_349, %add3A_360 : vector<128x128xf32>
      %add3A_366 = arith.addf %get3A_364, %add3A_365 : vector<128x128xf32>
      %swap3A = arith.constant 0 : index
      %swap3A_367 = arith.constant 0 : index
      %swap3A_368 = vector.load %arg7[%swap3A, %swap3A_367] : memref<128x128xf32, #tpu.memory_space<vmem>>, vector<128x128xf32>
      tpu.vector_store %arg7[%swap3A, %swap3A_367], %add3A_366 {strides = array<i32>} : memref<128x128xf32, #tpu.memory_space<vmem>>, vector<128x128xf32>,
      %get3A_369 = arith.constant 0 : index
      %get3A_370 = arith.constant 0 : index
      %get3A_371 = vector.load %arg8[%get3A_369, %get3A_370] : memref<128x128xf32, #tpu.memory_space<vmem>>, vector<128x128xf32>
      %add3A_372 = arith.addf %add3A_350, %add3A_361 : vector<128x128xf32>
      %add3A_373 = arith.addf %get3A_371, %add3A_372 : vector<128x128xf32>
      %swap3A_374 = arith.constant 0 : index
      %swap3A_375 = arith.constant 0 : index
      %swap3A_376 = vector.load %arg8[%swap3A_374, %swap3A_375] : memref<128x128xf32, #tpu.memory_space<vmem>>, vector<128x128xf32>
      tpu.vector_store %arg8[%swap3A_374, %swap3A_375], %add3A_373 {strides = array<i32>} : memref<128x128xf32, #tpu.memory_space<vmem>>, vector<128x128xf32>,
      %lt3A_377 = arith.constant -2400 : i32
      %lt3A_378 = vector.broadcast %lt3A_377 : i32 to vector<128x4096xi32>
      %lt3A_379 = arith.cmpi slt, %iota3A, %lt3A_378 : vector<128x4096xi32>
      %get3A_380 = arith.constant 0 : index
      %get3A_381 = arith.constant 0 : index
      %get3A_382 = vector.load %arg2[%get3A_380, %get3A_381] : memref<128x4096xf32, #tpu.memory_space<vmem>>, vector<128x4096xf32>
      %jit3A_383 = arith.constant 0xFF800000 : f32
      %broadcast_in_dim3A_384 = vector.broadcast %jit3A_383 : f32 to vector<128x4096xf32>
      %select_n3A_385 = arith.select %lt3A_379, %get3A_382, %broadcast_in_dim3A_384 : vector<128x4096xi1>, vector<128x4096xf32>
      %slice3A_386 = vector.extract_strided_slice %select_n3A_385 {offsets = [0, 0], sizes = [128, 128], strides = [1, 1]} : vector<128x4096xf32> to vector<128x128xf32>
      %gt3A_387 = vector.broadcast %get3A_1 : vector<128x1xf32> to vector<128x128xf32>
      %gt3A_388 = arith.cmpf ogt, %slice3A_386, %gt3A_387 : vector<128x128xf32>
      %convert_element_type3A_389 = arith.extui %gt3A_388 : vector<128x128xi1> to vector<128x128xi32>
      %convert_element_type3A_390 = arith.sitofp %convert_element_type3A_389 : vector<128x128xi32> to vector<128x128xf32>
      %ge3A_391 = vector.broadcast %get3A_1 : vector<128x1xf32> to vector<128x128xf32>
      %ge3A_392 = arith.cmpf oge, %slice3A_386, %ge3A_391 : vector<128x128xf32>
      %convert_element_type3A_393 = arith.extui %ge3A_392 : vector<128x128xi1> to vector<128x128xi32>
      %convert_element_type3A_394 = arith.sitofp %convert_element_type3A_393 : vector<128x128xi32> to vector<128x128xf32>
      %slice3A_395 = vector.extract_strided_slice %select_n3A_385 {offsets = [0, 128], sizes = [128, 128], strides = [1, 1]} : vector<128x4096xf32> to vector<128x128xf32>
      %gt3A_396 = vector.broadcast %get3A_1 : vector<128x1xf32> to vector<128x128xf32>
      %gt3A_397 = arith.cmpf ogt, %slice3A_395, %gt3A_396 : vector<128x128xf32>
      %convert_element_type3A_398 = arith.extui %gt3A_397 : vector<128x128xi1> to vector<128x128xi32>
      %convert_element_type3A_399 = arith.sitofp %convert_element_type3A_398 : vector<128x128xi32> to vector<128x128xf32>
      %ge3A_400 = vector.broadcast %get3A_1 : vector<128x1xf32> to vector<128x128xf32>
      %ge3A_401 = arith.cmpf oge, %slice3A_395, %ge3A_400 : vector<128x128xf32>
      %convert_element_type3A_402 = arith.extui %ge3A_401 : vector<128x128xi1> to vector<128x128xi32>
      %convert_element_type3A_403 = arith.sitofp %convert_element_type3A_402 : vector<128x128xi32> to vector<128x128xf32>
      %slice3A_404 = vector.extract_strided_slice %select_n3A_385 {offsets = [0, 256], sizes = [128, 128], strides = [1, 1]} : vector<128x4096xf32> to vector<128x128xf32>
      %gt3A_405 = vector.broadcast %get3A_1 : vector<128x1xf32> to vector<128x128xf32>
      %gt3A_406 = arith.cmpf ogt, %slice3A_404, %gt3A_405 : vector<128x128xf32>
      %convert_element_type3A_407 = arith.extui %gt3A_406 : vector<128x128xi1> to vector<128x128xi32>
      %convert_element_type3A_408 = arith.sitofp %convert_element_type3A_407 : vector<128x128xi32> to vector<128x128xf32>
      %ge3A_409 = vector.broadcast %get3A_1 : vector<128x1xf32> to vector<128x128xf32>
      %ge3A_410 = arith.cmpf oge, %slice3A_404, %ge3A_409 : vector<128x128xf32>
      %convert_element_type3A_411 = arith.extui %ge3A_410 : vector<128x128xi1> to vector<128x128xi32>
      %convert_element_type3A_412 = arith.sitofp %convert_element_type3A_411 : vector<128x128xi32> to vector<128x128xf32>
      %add3A_413 = arith.addf %convert_element_type3A_390, %convert_element_type3A_408 : vector<128x128xf32>
      %add3A_414 = arith.addf %convert_element_type3A_394, %convert_element_type3A_412 : vector<128x128xf32>
      %slice3A_415 = vector.extract_strided_slice %select_n3A_385 {offsets = [0, 384], sizes = [128, 128], strides = [1, 1]} : vector<128x4096xf32> to vector<128x128xf32>
      %gt3A_416 = vector.broadcast %get3A_1 : vector<128x1xf32> to vector<128x128xf32>
      %gt3A_417 = arith.cmpf ogt, %slice3A_415, %gt3A_416 : vector<128x128xf32>
      %convert_element_type3A_418 = arith.extui %gt3A_417 : vector<128x128xi1> to vector<128x128xi32>
      %convert_element_type3A_419 = arith.sitofp %convert_element_type3A_418 : vector<128x128xi32> to vector<128x128xf32>
      %ge3A_420 = vector.broadcast %get3A_1 : vector<128x1xf32> to vector<128x128xf32>
      %ge3A_421 = arith.cmpf oge, %slice3A_415, %ge3A_420 : vector<128x128xf32>
      %convert_element_type3A_422 = arith.extui %ge3A_421 : vector<128x128xi1> to vector<128x128xi32>
      %convert_element_type3A_423 = arith.sitofp %convert_element_type3A_422 : vector<128x128xi32> to vector<128x128xf32>
      %add3A_424 = arith.addf %convert_element_type3A_399, %convert_element_type3A_419 : vector<128x128xf32>
      %add3A_425 = arith.addf %convert_element_type3A_403, %convert_element_type3A_423 : vector<128x128xf32>
      %slice3A_426 = vector.extract_strided_slice %select_n3A_385 {offsets = [0, 512], sizes = [128, 128], strides = [1, 1]} : vector<128x4096xf32> to vector<128x128xf32>
      %gt3A_427 = vector.broadcast %get3A_1 : vector<128x1xf32> to vector<128x128xf32>
      %gt3A_428 = arith.cmpf ogt, %slice3A_426, %gt3A_427 : vector<128x128xf32>
      %convert_element_type3A_429 = arith.extui %gt3A_428 : vector<128x128xi1> to vector<128x128xi32>
      %convert_element_type3A_430 = arith.sitofp %convert_element_type3A_429 : vector<128x128xi32> to vector<128x128xf32>
      %ge3A_431 = vector.broadcast %get3A_1 : vector<128x1xf32> to vector<128x128xf32>
      %ge3A_432 = arith.cmpf oge, %slice3A_426, %ge3A_431 : vector<128x128xf32>
      %convert_element_type3A_433 = arith.extui %ge3A_432 : vector<128x128xi1> to vector<128x128xi32>
      %convert_element_type3A_434 = arith.sitofp %convert_element_type3A_433 : vector<128x128xi32> to vector<128x128xf32>
      %add3A_435 = arith.addf %add3A_413, %convert_element_type3A_430 : vector<128x128xf32>
      %add3A_436 = arith.addf %add3A_414, %convert_element_type3A_434 : vector<128x128xf32>
      %slice3A_437 = vector.extract_strided_slice %select_n3A_385 {offsets = [0, 640], sizes = [128, 128], strides = [1, 1]} : vector<128x4096xf32> to vector<128x128xf32>
      %gt3A_438 = vector.broadcast %get3A_1 : vector<128x1xf32> to vector<128x128xf32>
      %gt3A_439 = arith.cmpf ogt, %slice3A_437, %gt3A_438 : vector<128x128xf32>
      %convert_element_type3A_440 = arith.extui %gt3A_439 : vector<128x128xi1> to vector<128x128xi32>
      %convert_element_type3A_441 = arith.sitofp %convert_element_type3A_440 : vector<128x128xi32> to vector<128x128xf32>
      %ge3A_442 = vector.broadcast %get3A_1 : vector<128x1xf32> to vector<128x128xf32>
      %ge3A_443 = arith.cmpf oge, %slice3A_437, %ge3A_442 : vector<128x128xf32>
      %convert_element_type3A_444 = arith.extui %ge3A_443 : vector<128x128xi1> to vector<128x128xi32>
      %convert_element_type3A_445 = arith.sitofp %convert_element_type3A_444 : vector<128x128xi32> to vector<128x128xf32>
      %add3A_446 = arith.addf %add3A_424, %convert_element_type3A_441 : vector<128x128xf32>
      %add3A_447 = arith.addf %add3A_425, %convert_element_type3A_445 : vector<128x128xf32>
      %slice3A_448 = vector.extract_strided_slice %select_n3A_385 {offsets = [0, 768], sizes = [128, 128], strides = [1, 1]} : vector<128x4096xf32> to vector<128x128xf32>
      %gt3A_449 = vector.broadcast %get3A_1 : vector<128x1xf32> to vector<128x128xf32>
      %gt3A_450 = arith.cmpf ogt, %slice3A_448, %gt3A_449 : vector<128x128xf32>
      %convert_element_type3A_451 = arith.extui %gt3A_450 : vector<128x128xi1> to vector<128x128xi32>
      %convert_element_type3A_452 = arith.sitofp %convert_element_type3A_451 : vector<128x128xi32> to vector<128x128xf32>
      %ge3A_453 = vector.broadcast %get3A_1 : vector<128x1xf32> to vector<128x128xf32>
      %ge3A_454 = arith.cmpf oge, %slice3A_448, %ge3A_453 : vector<128x128xf32>
      %convert_element_type3A_455 = arith.extui %ge3A_454 : vector<128x128xi1> to vector<128x128xi32>
      %convert_element_type3A_456 = arith.sitofp %convert_element_type3A_455 : vector<128x128xi32> to vector<128x128xf32>
      %add3A_457 = arith.addf %add3A_435, %convert_element_type3A_452 : vector<128x128xf32>
      %add3A_458 = arith.addf %add3A_436, %convert_element_type3A_456 : vector<128x128xf32>
      %slice3A_459 = vector.extract_strided_slice %select_n3A_385 {offsets = [0, 896], sizes = [128, 128], strides = [1, 1]} : vector<128x4096xf32> to vector<128x128xf32>
      %gt3A_460 = vector.broadcast %get3A_1 : vector<128x1xf32> to vector<128x128xf32>
      %gt3A_461 = arith.cmpf ogt, %slice3A_459, %gt3A_460 : vector<128x128xf32>
      %convert_element_type3A_462 = arith.extui %gt3A_461 : vector<128x128xi1> to vector<128x128xi32>
      %convert_element_type3A_463 = arith.sitofp %convert_element_type3A_462 : vector<128x128xi32> to vector<128x128xf32>
      %ge3A_464 = vector.broadcast %get3A_1 : vector<128x1xf32> to vector<128x128xf32>
      %ge3A_465 = arith.cmpf oge, %slice3A_459, %ge3A_464 : vector<128x128xf32>
      %convert_element_type3A_466 = arith.extui %ge3A_465 : vector<128x128xi1> to vector<128x128xi32>
      %convert_element_type3A_467 = arith.sitofp %convert_element_type3A_466 : vector<128x128xi32> to vector<128x128xf32>
      %add3A_468 = arith.addf %add3A_446, %convert_element_type3A_463 : vector<128x128xf32>
      %add3A_469 = arith.addf %add3A_447, %convert_element_type3A_467 : vector<128x128xf32>
      %slice3A_470 = vector.extract_strided_slice %select_n3A_385 {offsets = [0, 1024], sizes = [128, 128], strides = [1, 1]} : vector<128x4096xf32> to vector<128x128xf32>
      %gt3A_471 = vector.broadcast %get3A_1 : vector<128x1xf32> to vector<128x128xf32>
      %gt3A_472 = arith.cmpf ogt, %slice3A_470, %gt3A_471 : vector<128x128xf32>
      %convert_element_type3A_473 = arith.extui %gt3A_472 : vector<128x128xi1> to vector<128x128xi32>
      %convert_element_type3A_474 = arith.sitofp %convert_element_type3A_473 : vector<128x128xi32> to vector<128x128xf32>
      %ge3A_475 = vector.broadcast %get3A_1 : vector<128x1xf32> to vector<128x128xf32>
      %ge3A_476 = arith.cmpf oge, %slice3A_470, %ge3A_475 : vector<128x128xf32>
      %convert_element_type3A_477 = arith.extui %ge3A_476 : vector<128x128xi1> to vector<128x128xi32>
      %convert_element_type3A_478 = arith.sitofp %convert_element_type3A_477 : vector<128x128xi32> to vector<128x128xf32>
      %add3A_479 = arith.addf %add3A_457, %convert_element_type3A_474 : vector<128x128xf32>
      %add3A_480 = arith.addf %add3A_458, %convert_element_type3A_478 : vector<128x128xf32>
      %slice3A_481 = vector.extract_strided_slice %select_n3A_385 {offsets = [0, 1152], sizes = [128, 128], strides = [1, 1]} : vector<128x4096xf32> to vector<128x128xf32>
      %gt3A_482 = vector.broadcast %get3A_1 : vector<128x1xf32> to vector<128x128xf32>
      %gt3A_483 = arith.cmpf ogt, %slice3A_481, %gt3A_482 : vector<128x128xf32>
      %convert_element_type3A_484 = arith.extui %gt3A_483 : vector<128x128xi1> to vector<128x128xi32>
      %convert_element_type3A_485 = arith.sitofp %convert_element_type3A_484 : vector<128x128xi32> to vector<128x128xf32>
      %ge3A_486 = vector.broadcast %get3A_1 : vector<128x1xf32> to vector<128x128xf32>
      %ge3A_487 = arith.cmpf oge, %slice3A_481, %ge3A_486 : vector<128x128xf32>
      %convert_element_type3A_488 = arith.extui %ge3A_487 : vector<128x128xi1> to vector<128x128xi32>
      %convert_element_type3A_489 = arith.sitofp %convert_element_type3A_488 : vector<128x128xi32> to vector<128x128xf32>
      %add3A_490 = arith.addf %add3A_468, %convert_element_type3A_485 : vector<128x128xf32>
      %add3A_491 = arith.addf %add3A_469, %convert_element_type3A_489 : vector<128x128xf32>
      %slice3A_492 = vector.extract_strided_slice %select_n3A_385 {offsets = [0, 1280], sizes = [128, 128], strides = [1, 1]} : vector<128x4096xf32> to vector<128x128xf32>
      %gt3A_493 = vector.broadcast %get3A_1 : vector<128x1xf32> to vector<128x128xf32>
      %gt3A_494 = arith.cmpf ogt, %slice3A_492, %gt3A_493 : vector<128x128xf32>
      %convert_element_type3A_495 = arith.extui %gt3A_494 : vector<128x128xi1> to vector<128x128xi32>
      %convert_element_type3A_496 = arith.sitofp %convert_element_type3A_495 : vector<128x128xi32> to vector<128x128xf32>
      %ge3A_497 = vector.broadcast %get3A_1 : vector<128x1xf32> to vector<128x128xf32>
      %ge3A_498 = arith.cmpf oge, %slice3A_492, %ge3A_497 : vector<128x128xf32>
      %convert_element_type3A_499 = arith.extui %ge3A_498 : vector<128x128xi1> to vector<128x128xi32>
      %convert_element_type3A_500 = arith.sitofp %convert_element_type3A_499 : vector<128x128xi32> to vector<128x128xf32>
      %add3A_501 = arith.addf %add3A_479, %convert_element_type3A_496 : vector<128x128xf32>
      %add3A_502 = arith.addf %add3A_480, %convert_element_type3A_500 : vector<128x128xf32>
      %slice3A_503 = vector.extract_strided_slice %select_n3A_385 {offsets = [0, 1408], sizes = [128, 128], strides = [1, 1]} : vector<128x4096xf32> to vector<128x128xf32>
      %gt3A_504 = vector.broadcast %get3A_1 : vector<128x1xf32> to vector<128x128xf32>
      %gt3A_505 = arith.cmpf ogt, %slice3A_503, %gt3A_504 : vector<128x128xf32>
      %convert_element_type3A_506 = arith.extui %gt3A_505 : vector<128x128xi1> to vector<128x128xi32>
      %convert_element_type3A_507 = arith.sitofp %convert_element_type3A_506 : vector<128x128xi32> to vector<128x128xf32>
      %ge3A_508 = vector.broadcast %get3A_1 : vector<128x1xf32> to vector<128x128xf32>
      %ge3A_509 = arith.cmpf oge, %slice3A_503, %ge3A_508 : vector<128x128xf32>
      %convert_element_type3A_510 = arith.extui %ge3A_509 : vector<128x128xi1> to vector<128x128xi32>
      %convert_element_type3A_511 = arith.sitofp %convert_element_type3A_510 : vector<128x128xi32> to vector<128x128xf32>
      %add3A_512 = arith.addf %add3A_490, %convert_element_type3A_507 : vector<128x128xf32>
      %add3A_513 = arith.addf %add3A_491, %convert_element_type3A_511 : vector<128x128xf32>
      %slice3A_514 = vector.extract_strided_slice %select_n3A_385 {offsets = [0, 1536], sizes = [128, 128], strides = [1, 1]} : vector<128x4096xf32> to vector<128x128xf32>
      %gt3A_515 = vector.broadcast %get3A_1 : vector<128x1xf32> to vector<128x128xf32>
      %gt3A_516 = arith.cmpf ogt, %slice3A_514, %gt3A_515 : vector<128x128xf32>
      %convert_element_type3A_517 = arith.extui %gt3A_516 : vector<128x128xi1> to vector<128x128xi32>
      %convert_element_type3A_518 = arith.sitofp %convert_element_type3A_517 : vector<128x128xi32> to vector<128x128xf32>
      %ge3A_519 = vector.broadcast %get3A_1 : vector<128x1xf32> to vector<128x128xf32>
      %ge3A_520 = arith.cmpf oge, %slice3A_514, %ge3A_519 : vector<128x128xf32>
      %convert_element_type3A_521 = arith.extui %ge3A_520 : vector<128x128xi1> to vector<128x128xi32>
      %convert_element_type3A_522 = arith.sitofp %convert_element_type3A_521 : vector<128x128xi32> to vector<128x128xf32>
      %add3A_523 = arith.addf %add3A_501, %convert_element_type3A_518 : vector<128x128xf32>
      %add3A_524 = arith.addf %add3A_502, %convert_element_type3A_522 : vector<128x128xf32>
      %slice3A_525 = vector.extract_strided_slice %select_n3A_385 {offsets = [0, 1664], sizes = [128, 128], strides = [1, 1]} : vector<128x4096xf32> to vector<128x128xf32>
      %gt3A_526 = vector.broadcast %get3A_1 : vector<128x1xf32> to vector<128x128xf32>
      %gt3A_527 = arith.cmpf ogt, %slice3A_525, %gt3A_526 : vector<128x128xf32>
      %convert_element_type3A_528 = arith.extui %gt3A_527 : vector<128x128xi1> to vector<128x128xi32>
      %convert_element_type3A_529 = arith.sitofp %convert_element_type3A_528 : vector<128x128xi32> to vector<128x128xf32>
      %ge3A_530 = vector.broadcast %get3A_1 : vector<128x1xf32> to vector<128x128xf32>
      %ge3A_531 = arith.cmpf oge, %slice3A_525, %ge3A_530 : vector<128x128xf32>
      %convert_element_type3A_532 = arith.extui %ge3A_531 : vector<128x128xi1> to vector<128x128xi32>
      %convert_element_type3A_533 = arith.sitofp %convert_element_type3A_532 : vector<128x128xi32> to vector<128x128xf32>
      %add3A_534 = arith.addf %add3A_512, %convert_element_type3A_529 : vector<128x128xf32>
      %add3A_535 = arith.addf %add3A_513, %convert_element_type3A_533 : vector<128x128xf32>
      %slice3A_536 = vector.extract_strided_slice %select_n3A_385 {offsets = [0, 1792], sizes = [128, 128], strides = [1, 1]} : vector<128x4096xf32> to vector<128x128xf32>
      %gt3A_537 = vector.broadcast %get3A_1 : vector<128x1xf32> to vector<128x128xf32>
      %gt3A_538 = arith.cmpf ogt, %slice3A_536, %gt3A_537 : vector<128x128xf32>
      %convert_element_type3A_539 = arith.extui %gt3A_538 : vector<128x128xi1> to vector<128x128xi32>
      %convert_element_type3A_540 = arith.sitofp %convert_element_type3A_539 : vector<128x128xi32> to vector<128x128xf32>
      %ge3A_541 = vector.broadcast %get3A_1 : vector<128x1xf32> to vector<128x128xf32>
      %ge3A_542 = arith.cmpf oge, %slice3A_536, %ge3A_541 : vector<128x128xf32>
      %convert_element_type3A_543 = arith.extui %ge3A_542 : vector<128x128xi1> to vector<128x128xi32>
      %convert_element_type3A_544 = arith.sitofp %convert_element_type3A_543 : vector<128x128xi32> to vector<128x128xf32>
      %add3A_545 = arith.addf %add3A_523, %convert_element_type3A_540 : vector<128x128xf32>
      %add3A_546 = arith.addf %add3A_524, %convert_element_type3A_544 : vector<128x128xf32>
      %slice3A_547 = vector.extract_strided_slice %select_n3A_385 {offsets = [0, 1920], sizes = [128, 128], strides = [1, 1]} : vector<128x4096xf32> to vector<128x128xf32>
      %gt3A_548 = vector.broadcast %get3A_1 : vector<128x1xf32> to vector<128x128xf32>
      %gt3A_549 = arith.cmpf ogt, %slice3A_547, %gt3A_548 : vector<128x128xf32>
      %convert_element_type3A_550 = arith.extui %gt3A_549 : vector<128x128xi1> to vector<128x128xi32>
      %convert_element_type3A_551 = arith.sitofp %convert_element_type3A_550 : vector<128x128xi32> to vector<128x128xf32>
      %ge3A_552 = vector.broadcast %get3A_1 : vector<128x1xf32> to vector<128x128xf32>
      %ge3A_553 = arith.cmpf oge, %slice3A_547, %ge3A_552 : vector<128x128xf32>
      %convert_element_type3A_554 = arith.extui %ge3A_553 : vector<128x128xi1> to vector<128x128xi32>
      %convert_element_type3A_555 = arith.sitofp %convert_element_type3A_554 : vector<128x128xi32> to vector<128x128xf32>
      %add3A_556 = arith.addf %add3A_534, %convert_element_type3A_551 : vector<128x128xf32>
      %add3A_557 = arith.addf %add3A_535, %convert_element_type3A_555 : vector<128x128xf32>
      %slice3A_558 = vector.extract_strided_slice %select_n3A_385 {offsets = [0, 2048], sizes = [128, 128], strides = [1, 1]} : vector<128x4096xf32> to vector<128x128xf32>
      %gt3A_559 = vector.broadcast %get3A_1 : vector<128x1xf32> to vector<128x128xf32>
      %gt3A_560 = arith.cmpf ogt, %slice3A_558, %gt3A_559 : vector<128x128xf32>
      %convert_element_type3A_561 = arith.extui %gt3A_560 : vector<128x128xi1> to vector<128x128xi32>
      %convert_element_type3A_562 = arith.sitofp %convert_element_type3A_561 : vector<128x128xi32> to vector<128x128xf32>
      %ge3A_563 = vector.broadcast %get3A_1 : vector<128x1xf32> to vector<128x128xf32>
      %ge3A_564 = arith.cmpf oge, %slice3A_558, %ge3A_563 : vector<128x128xf32>
      %convert_element_type3A_565 = arith.extui %ge3A_564 : vector<128x128xi1> to vector<128x128xi32>
      %convert_element_type3A_566 = arith.sitofp %convert_element_type3A_565 : vector<128x128xi32> to vector<128x128xf32>
      %add3A_567 = arith.addf %add3A_545, %convert_element_type3A_562 : vector<128x128xf32>
      %add3A_568 = arith.addf %add3A_546, %convert_element_type3A_566 : vector<128x128xf32>
      %slice3A_569 = vector.extract_strided_slice %select_n3A_385 {offsets = [0, 2176], sizes = [128, 128], strides = [1, 1]} : vector<128x4096xf32> to vector<128x128xf32>
      %gt3A_570 = vector.broadcast %get3A_1 : vector<128x1xf32> to vector<128x128xf32>
      %gt3A_571 = arith.cmpf ogt, %slice3A_569, %gt3A_570 : vector<128x128xf32>
      %convert_element_type3A_572 = arith.extui %gt3A_571 : vector<128x128xi1> to vector<128x128xi32>
      %convert_element_type3A_573 = arith.sitofp %convert_element_type3A_572 : vector<128x128xi32> to vector<128x128xf32>
      %ge3A_574 = vector.broadcast %get3A_1 : vector<128x1xf32> to vector<128x128xf32>
      %ge3A_575 = arith.cmpf oge, %slice3A_569, %ge3A_574 : vector<128x128xf32>
      %convert_element_type3A_576 = arith.extui %ge3A_575 : vector<128x128xi1> to vector<128x128xi32>
      %convert_element_type3A_577 = arith.sitofp %convert_element_type3A_576 : vector<128x128xi32> to vector<128x128xf32>
      %add3A_578 = arith.addf %add3A_556, %convert_element_type3A_573 : vector<128x128xf32>
      %add3A_579 = arith.addf %add3A_557, %convert_element_type3A_577 : vector<128x128xf32>
      %slice3A_580 = vector.extract_strided_slice %select_n3A_385 {offsets = [0, 2304], sizes = [128, 128], strides = [1, 1]} : vector<128x4096xf32> to vector<128x128xf32>
      %gt3A_581 = vector.broadcast %get3A_1 : vector<128x1xf32> to vector<128x128xf32>
      %gt3A_582 = arith.cmpf ogt, %slice3A_580, %gt3A_581 : vector<128x128xf32>
      %convert_element_type3A_583 = arith.extui %gt3A_582 : vector<128x128xi1> to vector<128x128xi32>
      %convert_element_type3A_584 = arith.sitofp %convert_element_type3A_583 : vector<128x128xi32> to vector<128x128xf32>
      %ge3A_585 = vector.broadcast %get3A_1 : vector<128x1xf32> to vector<128x128xf32>
      %ge3A_586 = arith.cmpf oge, %slice3A_580, %ge3A_585 : vector<128x128xf32>
      %convert_element_type3A_587 = arith.extui %ge3A_586 : vector<128x128xi1> to vector<128x128xi32>
      %convert_element_type3A_588 = arith.sitofp %convert_element_type3A_587 : vector<128x128xi32> to vector<128x128xf32>
      %add3A_589 = arith.addf %add3A_567, %convert_element_type3A_584 : vector<128x128xf32>
      %add3A_590 = arith.addf %add3A_568, %convert_element_type3A_588 : vector<128x128xf32>
      %slice3A_591 = vector.extract_strided_slice %select_n3A_385 {offsets = [0, 2432], sizes = [128, 128], strides = [1, 1]} : vector<128x4096xf32> to vector<128x128xf32>
      %gt3A_592 = vector.broadcast %get3A_1 : vector<128x1xf32> to vector<128x128xf32>
      %gt3A_593 = arith.cmpf ogt, %slice3A_591, %gt3A_592 : vector<128x128xf32>
      %convert_element_type3A_594 = arith.extui %gt3A_593 : vector<128x128xi1> to vector<128x128xi32>
      %convert_element_type3A_595 = arith.sitofp %convert_element_type3A_594 : vector<128x128xi32> to vector<128x128xf32>
      %ge3A_596 = vector.broadcast %get3A_1 : vector<128x1xf32> to vector<128x128xf32>
      %ge3A_597 = arith.cmpf oge, %slice3A_591, %ge3A_596 : vector<128x128xf32>
      %convert_element_type3A_598 = arith.extui %ge3A_597 : vector<128x128xi1> to vector<128x128xi32>
      %convert_element_type3A_599 = arith.sitofp %convert_element_type3A_598 : vector<128x128xi32> to vector<128x128xf32>
      %add3A_600 = arith.addf %add3A_578, %convert_element_type3A_595 : vector<128x128xf32>
      %add3A_601 = arith.addf %add3A_579, %convert_element_type3A_599 : vector<128x128xf32>
      %slice3A_602 = vector.extract_strided_slice %select_n3A_385 {offsets = [0, 2560], sizes = [128, 128], strides = [1, 1]} : vector<128x4096xf32> to vector<128x128xf32>
      %gt3A_603 = vector.broadcast %get3A_1 : vector<128x1xf32> to vector<128x128xf32>
      %gt3A_604 = arith.cmpf ogt, %slice3A_602, %gt3A_603 : vector<128x128xf32>
      %convert_element_type3A_605 = arith.extui %gt3A_604 : vector<128x128xi1> to vector<128x128xi32>
      %convert_element_type3A_606 = arith.sitofp %convert_element_type3A_605 : vector<128x128xi32> to vector<128x128xf32>
      %ge3A_607 = vector.broadcast %get3A_1 : vector<128x1xf32> to vector<128x128xf32>
      %ge3A_608 = arith.cmpf oge, %slice3A_602, %ge3A_607 : vector<128x128xf32>
      %convert_element_type3A_609 = arith.extui %ge3A_608 : vector<128x128xi1> to vector<128x128xi32>
      %convert_element_type3A_610 = arith.sitofp %convert_element_type3A_609 : vector<128x128xi32> to vector<128x128xf32>
      %add3A_611 = arith.addf %add3A_589, %convert_element_type3A_606 : vector<128x128xf32>
      %add3A_612 = arith.addf %add3A_590, %convert_element_type3A_610 : vector<128x128xf32>
      %slice3A_613 = vector.extract_strided_slice %select_n3A_385 {offsets = [0, 2688], sizes = [128, 128], strides = [1, 1]} : vector<128x4096xf32> to vector<128x128xf32>
      %gt3A_614 = vector.broadcast %get3A_1 : vector<128x1xf32> to vector<128x128xf32>
      %gt3A_615 = arith.cmpf ogt, %slice3A_613, %gt3A_614 : vector<128x128xf32>
      %convert_element_type3A_616 = arith.extui %gt3A_615 : vector<128x128xi1> to vector<128x128xi32>
      %convert_element_type3A_617 = arith.sitofp %convert_element_type3A_616 : vector<128x128xi32> to vector<128x128xf32>
      %ge3A_618 = vector.broadcast %get3A_1 : vector<128x1xf32> to vector<128x128xf32>
      %ge3A_619 = arith.cmpf oge, %slice3A_613, %ge3A_618 : vector<128x128xf32>
      %convert_element_type3A_620 = arith.extui %ge3A_619 : vector<128x128xi1> to vector<128x128xi32>
      %convert_element_type3A_621 = arith.sitofp %convert_element_type3A_620 : vector<128x128xi32> to vector<128x128xf32>
      %add3A_622 = arith.addf %add3A_600, %convert_element_type3A_617 : vector<128x128xf32>
      %add3A_623 = arith.addf %add3A_601, %convert_element_type3A_621 : vector<128x128xf32>
      %slice3A_624 = vector.extract_strided_slice %select_n3A_385 {offsets = [0, 2816], sizes = [128, 128], strides = [1, 1]} : vector<128x4096xf32> to vector<128x128xf32>
      %gt3A_625 = vector.broadcast %get3A_1 : vector<128x1xf32> to vector<128x128xf32>
      %gt3A_626 = arith.cmpf ogt, %slice3A_624, %gt3A_625 : vector<128x128xf32>
      %convert_element_type3A_627 = arith.extui %gt3A_626 : vector<128x128xi1> to vector<128x128xi32>
      %convert_element_type3A_628 = arith.sitofp %convert_element_type3A_627 : vector<128x128xi32> to vector<128x128xf32>
      %ge3A_629 = vector.broadcast %get3A_1 : vector<128x1xf32> to vector<128x128xf32>
      %ge3A_630 = arith.cmpf oge, %slice3A_624, %ge3A_629 : vector<128x128xf32>
      %convert_element_type3A_631 = arith.extui %ge3A_630 : vector<128x128xi1> to vector<128x128xi32>
      %convert_element_type3A_632 = arith.sitofp %convert_element_type3A_631 : vector<128x128xi32> to vector<128x128xf32>
      %add3A_633 = arith.addf %add3A_611, %convert_element_type3A_628 : vector<128x128xf32>
      %add3A_634 = arith.addf %add3A_612, %convert_element_type3A_632 : vector<128x128xf32>
      %slice3A_635 = vector.extract_strided_slice %select_n3A_385 {offsets = [0, 2944], sizes = [128, 128], strides = [1, 1]} : vector<128x4096xf32> to vector<128x128xf32>
      %gt3A_636 = vector.broadcast %get3A_1 : vector<128x1xf32> to vector<128x128xf32>
      %gt3A_637 = arith.cmpf ogt, %slice3A_635, %gt3A_636 : vector<128x128xf32>
      %convert_element_type3A_638 = arith.extui %gt3A_637 : vector<128x128xi1> to vector<128x128xi32>
      %convert_element_type3A_639 = arith.sitofp %convert_element_type3A_638 : vector<128x128xi32> to vector<128x128xf32>
      %ge3A_640 = vector.broadcast %get3A_1 : vector<128x1xf32> to vector<128x128xf32>
      %ge3A_641 = arith.cmpf oge, %slice3A_635, %ge3A_640 : vector<128x128xf32>
      %convert_element_type3A_642 = arith.extui %ge3A_641 : vector<128x128xi1> to vector<128x128xi32>
      %convert_element_type3A_643 = arith.sitofp %convert_element_type3A_642 : vector<128x128xi32> to vector<128x128xf32>
      %add3A_644 = arith.addf %add3A_622, %convert_element_type3A_639 : vector<128x128xf32>
      %add3A_645 = arith.addf %add3A_623, %convert_element_type3A_643 : vector<128x128xf32>
      %slice3A_646 = vector.extract_strided_slice %select_n3A_385 {offsets = [0, 3072], sizes = [128, 128], strides = [1, 1]} : vector<128x4096xf32> to vector<128x128xf32>
      %gt3A_647 = vector.broadcast %get3A_1 : vector<128x1xf32> to vector<128x128xf32>
      %gt3A_648 = arith.cmpf ogt, %slice3A_646, %gt3A_647 : vector<128x128xf32>
      %convert_element_type3A_649 = arith.extui %gt3A_648 : vector<128x128xi1> to vector<128x128xi32>
      %convert_element_type3A_650 = arith.sitofp %convert_element_type3A_649 : vector<128x128xi32> to vector<128x128xf32>
      %ge3A_651 = vector.broadcast %get3A_1 : vector<128x1xf32> to vector<128x128xf32>
      %ge3A_652 = arith.cmpf oge, %slice3A_646, %ge3A_651 : vector<128x128xf32>
      %convert_element_type3A_653 = arith.extui %ge3A_652 : vector<128x128xi1> to vector<128x128xi32>
      %convert_element_type3A_654 = arith.sitofp %convert_element_type3A_653 : vector<128x128xi32> to vector<128x128xf32>
      %add3A_655 = arith.addf %add3A_633, %convert_element_type3A_650 : vector<128x128xf32>
      %add3A_656 = arith.addf %add3A_634, %convert_element_type3A_654 : vector<128x128xf32>
      %slice3A_657 = vector.extract_strided_slice %select_n3A_385 {offsets = [0, 3200], sizes = [128, 128], strides = [1, 1]} : vector<128x4096xf32> to vector<128x128xf32>
      %gt3A_658 = vector.broadcast %get3A_1 : vector<128x1xf32> to vector<128x128xf32>
      %gt3A_659 = arith.cmpf ogt, %slice3A_657, %gt3A_658 : vector<128x128xf32>
      %convert_element_type3A_660 = arith.extui %gt3A_659 : vector<128x128xi1> to vector<128x128xi32>
      %convert_element_type3A_661 = arith.sitofp %convert_element_type3A_660 : vector<128x128xi32> to vector<128x128xf32>
      %ge3A_662 = vector.broadcast %get3A_1 : vector<128x1xf32> to vector<128x128xf32>
      %ge3A_663 = arith.cmpf oge, %slice3A_657, %ge3A_662 : vector<128x128xf32>
      %convert_element_type3A_664 = arith.extui %ge3A_663 : vector<128x128xi1> to vector<128x128xi32>
      %convert_element_type3A_665 = arith.sitofp %convert_element_type3A_664 : vector<128x128xi32> to vector<128x128xf32>
      %add3A_666 = arith.addf %add3A_644, %convert_element_type3A_661 : vector<128x128xf32>
      %add3A_667 = arith.addf %add3A_645, %convert_element_type3A_665 : vector<128x128xf32>
      %slice3A_668 = vector.extract_strided_slice %select_n3A_385 {offsets = [0, 3328], sizes = [128, 128], strides = [1, 1]} : vector<128x4096xf32> to vector<128x128xf32>
      %gt3A_669 = vector.broadcast %get3A_1 : vector<128x1xf32> to vector<128x128xf32>
      %gt3A_670 = arith.cmpf ogt, %slice3A_668, %gt3A_669 : vector<128x128xf32>
      %convert_element_type3A_671 = arith.extui %gt3A_670 : vector<128x128xi1> to vector<128x128xi32>
      %convert_element_type3A_672 = arith.sitofp %convert_element_type3A_671 : vector<128x128xi32> to vector<128x128xf32>
      %ge3A_673 = vector.broadcast %get3A_1 : vector<128x1xf32> to vector<128x128xf32>
      %ge3A_674 = arith.cmpf oge, %slice3A_668, %ge3A_673 : vector<128x128xf32>
      %convert_element_type3A_675 = arith.extui %ge3A_674 : vector<128x128xi1> to vector<128x128xi32>
      %convert_element_type3A_676 = arith.sitofp %convert_element_type3A_675 : vector<128x128xi32> to vector<128x128xf32>
      %add3A_677 = arith.addf %add3A_655, %convert_element_type3A_672 : vector<128x128xf32>
      %add3A_678 = arith.addf %add3A_656, %convert_element_type3A_676 : vector<128x128xf32>
      %slice3A_679 = vector.extract_strided_slice %select_n3A_385 {offsets = [0, 3456], sizes = [128, 128], strides = [1, 1]} : vector<128x4096xf32> to vector<128x128xf32>
      %gt3A_680 = vector.broadcast %get3A_1 : vector<128x1xf32> to vector<128x128xf32>
      %gt3A_681 = arith.cmpf ogt, %slice3A_679, %gt3A_680 : vector<128x128xf32>
      %convert_element_type3A_682 = arith.extui %gt3A_681 : vector<128x128xi1> to vector<128x128xi32>
      %convert_element_type3A_683 = arith.sitofp %convert_element_type3A_682 : vector<128x128xi32> to vector<128x128xf32>
      %ge3A_684 = vector.broadcast %get3A_1 : vector<128x1xf32> to vector<128x128xf32>
      %ge3A_685 = arith.cmpf oge, %slice3A_679, %ge3A_684 : vector<128x128xf32>
      %convert_element_type3A_686 = arith.extui %ge3A_685 : vector<128x128xi1> to vector<128x128xi32>
      %convert_element_type3A_687 = arith.sitofp %convert_element_type3A_686 : vector<128x128xi32> to vector<128x128xf32>
      %add3A_688 = arith.addf %add3A_666, %convert_element_type3A_683 : vector<128x128xf32>
      %add3A_689 = arith.addf %add3A_667, %convert_element_type3A_687 : vector<128x128xf32>
      %slice3A_690 = vector.extract_strided_slice %select_n3A_385 {offsets = [0, 3584], sizes = [128, 128], strides = [1, 1]} : vector<128x4096xf32> to vector<128x128xf32>
      %gt3A_691 = vector.broadcast %get3A_1 : vector<128x1xf32> to vector<128x128xf32>
      %gt3A_692 = arith.cmpf ogt, %slice3A_690, %gt3A_691 : vector<128x128xf32>
      %convert_element_type3A_693 = arith.extui %gt3A_692 : vector<128x128xi1> to vector<128x128xi32>
      %convert_element_type3A_694 = arith.sitofp %convert_element_type3A_693 : vector<128x128xi32> to vector<128x128xf32>
      %ge3A_695 = vector.broadcast %get3A_1 : vector<128x1xf32> to vector<128x128xf32>
      %ge3A_696 = arith.cmpf oge, %slice3A_690, %ge3A_695 : vector<128x128xf32>
      %convert_element_type3A_697 = arith.extui %ge3A_696 : vector<128x128xi1> to vector<128x128xi32>
      %convert_element_type3A_698 = arith.sitofp %convert_element_type3A_697 : vector<128x128xi32> to vector<128x128xf32>
      %add3A_699 = arith.addf %add3A_677, %convert_element_type3A_694 : vector<128x128xf32>
      %add3A_700 = arith.addf %add3A_678, %convert_element_type3A_698 : vector<128x128xf32>
      %slice3A_701 = vector.extract_strided_slice %select_n3A_385 {offsets = [0, 3712], sizes = [128, 128], strides = [1, 1]} : vector<128x4096xf32> to vector<128x128xf32>
      %gt3A_702 = vector.broadcast %get3A_1 : vector<128x1xf32> to vector<128x128xf32>
      %gt3A_703 = arith.cmpf ogt, %slice3A_701, %gt3A_702 : vector<128x128xf32>
      %convert_element_type3A_704 = arith.extui %gt3A_703 : vector<128x128xi1> to vector<128x128xi32>
      %convert_element_type3A_705 = arith.sitofp %convert_element_type3A_704 : vector<128x128xi32> to vector<128x128xf32>
      %ge3A_706 = vector.broadcast %get3A_1 : vector<128x1xf32> to vector<128x128xf32>
      %ge3A_707 = arith.cmpf oge, %slice3A_701, %ge3A_706 : vector<128x128xf32>
      %convert_element_type3A_708 = arith.extui %ge3A_707 : vector<128x128xi1> to vector<128x128xi32>
      %convert_element_type3A_709 = arith.sitofp %convert_element_type3A_708 : vector<128x128xi32> to vector<128x128xf32>
      %add3A_710 = arith.addf %add3A_688, %convert_element_type3A_705 : vector<128x128xf32>
      %add3A_711 = arith.addf %add3A_689, %convert_element_type3A_709 : vector<128x128xf32>
      %slice3A_712 = vector.extract_strided_slice %select_n3A_385 {offsets = [0, 3840], sizes = [128, 128], strides = [1, 1]} : vector<128x4096xf32> to vector<128x128xf32>
      %gt3A_713 = vector.broadcast %get3A_1 : vector<128x1xf32> to vector<128x128xf32>
      %gt3A_714 = arith.cmpf ogt, %slice3A_712, %gt3A_713 : vector<128x128xf32>
      %convert_element_type3A_715 = arith.extui %gt3A_714 : vector<128x128xi1> to vector<128x128xi32>
      %convert_element_type3A_716 = arith.sitofp %convert_element_type3A_715 : vector<128x128xi32> to vector<128x128xf32>
      %ge3A_717 = vector.broadcast %get3A_1 : vector<128x1xf32> to vector<128x128xf32>
      %ge3A_718 = arith.cmpf oge, %slice3A_712, %ge3A_717 : vector<128x128xf32>
      %convert_element_type3A_719 = arith.extui %ge3A_718 : vector<128x128xi1> to vector<128x128xi32>
      %convert_element_type3A_720 = arith.sitofp %convert_element_type3A_719 : vector<128x128xi32> to vector<128x128xf32>
      %add3A_721 = arith.addf %add3A_699, %convert_element_type3A_716 : vector<128x128xf32>
      %add3A_722 = arith.addf %add3A_700, %convert_element_type3A_720 : vector<128x128xf32>
      %slice3A_723 = vector.extract_strided_slice %select_n3A_385 {offsets = [0, 3968], sizes = [128, 128], strides = [1, 1]} : vector<128x4096xf32> to vector<128x128xf32>
      %gt3A_724 = vector.broadcast %get3A_1 : vector<128x1xf32> to vector<128x128xf32>
      %gt3A_725 = arith.cmpf ogt, %slice3A_723, %gt3A_724 : vector<128x128xf32>
      %convert_element_type3A_726 = arith.extui %gt3A_725 : vector<128x128xi1> to vector<128x128xi32>
      %convert_element_type3A_727 = arith.sitofp %convert_element_type3A_726 : vector<128x128xi32> to vector<128x128xf32>
      %ge3A_728 = vector.broadcast %get3A_1 : vector<128x1xf32> to vector<128x128xf32>
      %ge3A_729 = arith.cmpf oge, %slice3A_723, %ge3A_728 : vector<128x128xf32>
      %convert_element_type3A_730 = arith.extui %ge3A_729 : vector<128x128xi1> to vector<128x128xi32>
      %convert_element_type3A_731 = arith.sitofp %convert_element_type3A_730 : vector<128x128xi32> to vector<128x128xf32>
      %add3A_732 = arith.addf %add3A_710, %convert_element_type3A_727 : vector<128x128xf32>
      %add3A_733 = arith.addf %add3A_711, %convert_element_type3A_731 : vector<128x128xf32>
      %get3A_734 = arith.constant 0 : index
      %get3A_735 = arith.constant 0 : index
      %get3A_736 = vector.load %arg7[%get3A_734, %get3A_735] : memref<128x128xf32, #tpu.memory_space<vmem>>, vector<128x128xf32>
      %add3A_737 = arith.addf %add3A_721, %add3A_732 : vector<128x128xf32>
      %add3A_738 = arith.addf %get3A_736, %add3A_737 : vector<128x128xf32>
      %swap3A_739 = arith.constant 0 : index
      %swap3A_740 = arith.constant 0 : index
      %swap3A_741 = vector.load %arg7[%swap3A_739, %swap3A_740] : memref<128x128xf32, #tpu.memory_space<vmem>>, vector<128x128xf32>
      tpu.vector_store %arg7[%swap3A_739, %swap3A_740], %add3A_738 {strides = array<i32>} : memref<128x128xf32, #tpu.memory_space<vmem>>, vector<128x128xf32>,
      %get3A_742 = arith.constant 0 : index
      %get3A_743 = arith.constant 0 : index
      %get3A_744 = vector.load %arg8[%get3A_742, %get3A_743] : memref<128x128xf32, #tpu.memory_space<vmem>>, vector<128x128xf32>
      %add3A_745 = arith.addf %add3A_722, %add3A_733 : vector<128x128xf32>
      %add3A_746 = arith.addf %get3A_744, %add3A_745 : vector<128x128xf32>
      %swap3A_747 = arith.constant 0 : index
      %swap3A_748 = arith.constant 0 : index
      %swap3A_749 = vector.load %arg8[%swap3A_747, %swap3A_748] : memref<128x128xf32, #tpu.memory_space<vmem>>, vector<128x128xf32>
      tpu.vector_store %arg8[%swap3A_747, %swap3A_748], %add3A_746 {strides = array<i32>} : memref<128x128xf32, #tpu.memory_space<vmem>>, vector<128x128xf32>,
      %get3A_750 = arith.constant 0 : index
      %get3A_751 = arith.constant 0 : index
      %get3A_752 = vector.load %arg7[%get3A_750, %get3A_751] : memref<128x128xf32, #tpu.memory_space<vmem>>, vector<128x128xf32>
      %reduce_sum3A = arith.constant dense<0.000000e+00> : vector<128xf32>
      %reduce_sum3A_753 = vector.multi_reduction <add>, %get3A_752, %reduce_sum3A [1] : vector<128x128xf32> to vector<128xf32>
      %broadcast_in_dim3A_754 = vector.shape_cast %reduce_sum3A_753 : vector<128xf32> to vector<128x1xf32>
      %get3A_755 = arith.constant 0 : index
      %get3A_756 = arith.constant 0 : index
      %get3A_757 = vector.load %arg8[%get3A_755, %get3A_756] : memref<128x128xf32, #tpu.memory_space<vmem>>, vector<128x128xf32>
      %reduce_sum3A_758 = arith.constant dense<0.000000e+00> : vector<128xf32>
      %reduce_sum3A_759 = vector.multi_reduction <add>, %get3A_757, %reduce_sum3A_758 [1] : vector<128x128xf32> to vector<128xf32>
      %broadcast_in_dim3A_760 = vector.shape_cast %reduce_sum3A_759 : vector<128xf32> to vector<128x1xf32>
      %le3A = arith.constant 4.000000e+00 : f32
      %le3A_761 = vector.broadcast %le3A : f32 to vector<128x1xf32>
      %le3A_762 = arith.cmpf ole, %broadcast_in_dim3A_754, %le3A_761 : vector<128x1xf32>
      %le3A_763 = arith.constant 5.000000e+00 : f32
      %le3A_764 = vector.broadcast %le3A_763 : f32 to vector<128x1xf32>
      %le3A_765 = arith.cmpf ole, %broadcast_in_dim3A_760, %le3A_764 : vector<128x1xf32>
      %and3A = arith.andi %le3A_762, %le3A_765 : vector<128x1xi1>
      %le3A_766 = arith.constant 4.000000e+00 : f32
      %le3A_767 = vector.broadcast %le3A_766 : f32 to vector<128x1xf32>
      %le3A_768 = arith.cmpf ole, %broadcast_in_dim3A_754, %le3A_767 : vector<128x1xf32>
      %ge3A_769 = arith.constant 6.000000e+00 : f32
      %ge3A_770 = vector.broadcast %ge3A_769 : f32 to vector<128x1xf32>
      %ge3A_771 = arith.cmpf oge, %broadcast_in_dim3A_760, %ge3A_770 : vector<128x1xf32>
      %and3A_772 = arith.andi %le3A_768, %ge3A_771 : vector<128x1xi1>
      %convert_element_type3A_773 = arith.extui %and3A : vector<128x1xi1> to vector<128x1xi32>
      %reduce_sum3A_774 = vector.shape_cast %convert_element_type3A_773 : vector<128x1xi32> to vector<1x128x1xi32>
      %reduce_sum3A_775 = arith.constant dense<0> : vector<1xi32>
      %reduce_sum3A_776 = vector.multi_reduction <add>, %reduce_sum3A_774, %reduce_sum3A_775 [1, 2] : vector<1x128x1xi32> to vector<1xi32>
      %reduce_sum3A_777 = vector.shape_cast %reduce_sum3A_776 : vector<1xi32> to vector<1x1x1xi32>
      %reduce_sum3A_778 = vector.extract %reduce_sum3A_777[0, 0, 0] : i32 from vector<1x1x1xi32>
      %swap3A_779 = arith.constant 0 : index
      %swap3A_780 = arith.constant 0 : index
      %swap3A_781 = memref.load %arg4[%swap3A_779, %swap3A_780] : memref<1x1xi32, #tpu.memory_space<smem>>
      memref.store %reduce_sum3A_778, %arg4[%swap3A_779, %swap3A_780] : memref<1x1xi32, #tpu.memory_space<smem>>
      %convert_element_type3A_782 = arith.sitofp %reduce_sum3A_778 : i32 to f32
      %mul3A = arith.constant 7.812500e-03 : f32
      %mul3A_783 = arith.mulf %convert_element_type3A_782, %mul3A : f32
      %swap3A_784 = arith.constant 0 : index
      %swap3A_785 = arith.constant 0 : index
      %swap3A_786 = memref.load %arg5[%swap3A_784, %swap3A_785] : memref<1x1xf32, #tpu.memory_space<smem>>
      memref.store %mul3A_783, %arg5[%swap3A_784, %swap3A_785] : memref<1x1xf32, #tpu.memory_space<smem>>
      %convert_element_type3A_787 = arith.extui %and3A_772 : vector<128x1xi1> to vector<128x1xi32>
      %reduce_sum3A_788 = vector.shape_cast %convert_element_type3A_787 : vector<128x1xi32> to vector<1x128x1xi32>
      %reduce_sum3A_789 = arith.constant dense<0> : vector<1xi32>
      %reduce_sum3A_790 = vector.multi_reduction <add>, %reduce_sum3A_788, %reduce_sum3A_789 [1, 2] : vector<1x128x1xi32> to vector<1xi32>
      %reduce_sum3A_791 = vector.shape_cast %reduce_sum3A_790 : vector<1xi32> to vector<1x1x1xi32>
      %reduce_sum3A_792 = vector.extract %reduce_sum3A_791[0, 0, 0] : i32 from vector<1x1x1xi32>
      %swap3A_793 = arith.constant 0 : index
      %swap3A_794 = arith.constant 0 : index
      %swap3A_795 = memref.load %arg6[%swap3A_793, %swap3A_794] : memref<1x1xi32, #tpu.memory_space<smem>>
      memref.store %reduce_sum3A_792, %arg6[%swap3A_793, %swap3A_794] : memref<1x1xi32, #tpu.memory_space<smem>>
    } else {
    }
    return
  }
  func.func @transform_0(%arg0: i32) -> (i32, i32) {
    %mul3A = arith.constant 2 : i32
    %mul3A_0 = arith.muli %arg0, %mul3A : i32
    %add3A = arith.constant 0 : i32
    %add3A_1 = arith.addi %mul3A_0, %add3A : i32
    %min3A = arith.constant 24 : i32
    %min3A_2 = arith.minsi %add3A_1, %min3A : i32
    %c0_i32 = arith.constant 0 : i32
    %c0_i32_3 = arith.constant 0 : i32
    return %c0_i32, %min3A_2 : i32, i32
  }
  func.func @transform_1(%arg0: i32) -> (i32, i32) {
    %mul3A = arith.constant 2 : i32
    %mul3A_0 = arith.muli %arg0, %mul3A : i32
    %add3A = arith.constant 1 : i32
    %add3A_1 = arith.addi %mul3A_0, %add3A : i32
    %min3A = arith.constant 24 : i32
    %min3A_2 = arith.minsi %add3A_1, %min3A : i32
    %c0_i32 = arith.constant 0 : i32
    %c0_i32_3 = arith.constant 0 : i32
    return %c0_i32, %min3A_2 : i32, i32
  }
  func.func @transform_2(%arg0: i32) -> (i32, i32) {
    %c0_i32 = arith.constant 0 : i32
    %c0_i32_0 = arith.constant 0 : i32
    %c0_i32_1 = arith.constant 0 : i32
    return %c0_i32, %c0_i32_0 : i32, i32
  }
  func.func @transform_3(%arg0: i32) -> (i32, i32) {
    %c0_i32 = arith.constant 0 : i32
    %c0_i32_0 = arith.constant 0 : i32
    %c0_i32_1 = arith.constant 0 : i32
    return %c0_i32, %c0_i32_0 : i32, i32
  }
  func.func @transform_4(%arg0: i32) -> (i32, i32) {
    %c0_i32 = arith.constant 0 : i32
    %c0_i32_0 = arith.constant 0 : i32
    %c0_i32_1 = arith.constant 0 : i32
    return %c0_i32, %c0_i32_0 : i32, i32
  }
  func.func @transform_5(%arg0: i32) -> (i32, i32) {
    %c0_i32 = arith.constant 0 : i32
    %c0_i32_0 = arith.constant 0 : i32
    %c0_i32_1 = arith.constant 0 : i32
    return %c0_i32, %c0_i32_0 : i32, i32
  }
}

module attributes {stable_mosaic.version = 14 : i64} {
  func.func @_exact_body(%arg0: i32, %arg1: memref<128x4096xf32, #tpu.memory_space<vmem>>, %arg2: memref<128x1xf32, #tpu.memory_space<vmem>>, %arg3: memref<128x1xi32, #tpu.memory_space<vmem>>, %arg4: memref<1x1xi32, #tpu.memory_space<smem>>, %arg5: memref<1x1xf32, #tpu.memory_space<smem>>, %arg6: memref<128x1xi32, #tpu.memory_space<vmem>>) attributes {dimension_semantics = [#tpu.dimension_semantics<arbitrary>], iteration_bounds = array<i64: 25>, scalar_prefetch = 0 : i64, scratch_operands = 1 : i64, tpu.core_type = #tpu.core_type<tc>, window_params = [{transform_indices = @transform_0, window_bounds = array<i64: 128, 4096>}, {pipeline_mode = #tpu.pipeline_mode<synchronous>, transform_indices = @transform_1, window_bounds = array<i64: 128, 1>}, {pipeline_mode = #tpu.pipeline_mode<synchronous>, transform_indices = @transform_2, window_bounds = array<i64: 128, 1>}, {transform_indices = @transform_3, window_bounds = array<i64: 1, 1>}, {transform_indices = @transform_4, window_bounds = array<i64: 1, 1>}]} {
    %get3A = arith.constant 0 : index
    %get3A_0 = arith.constant 0 : index
    %get3A_1 = vector.load %arg1[%get3A, %get3A_0] : memref<128x4096xf32, #tpu.memory_space<vmem>>, vector<128x4096xf32>
    %get3A_2 = arith.constant 0 : index
    %get3A_3 = arith.constant 0 : index
    %get3A_4 = vector.load %arg2[%get3A_2, %get3A_3] : memref<128x1xf32, #tpu.memory_space<vmem>>, vector<128x1xf32>
    %get3A_5 = arith.constant 0 : index
    %get3A_6 = arith.constant 0 : index
    %get3A_7 = vector.load %arg3[%get3A_5, %get3A_6] : memref<128x1xi32, #tpu.memory_space<vmem>>, vector<128x1xi32>
    %mul3A = arith.constant 4096 : i32
    %mul3A_8 = arith.muli %arg0, %mul3A : i32
    %iota3A = tpu.iota {dimensions = array<i32: 1>} : vector<128x4096xi32>
    %add3A = vector.broadcast %mul3A_8 : i32 to vector<128x4096xi32>
    %add3A_9 = arith.addi %add3A, %iota3A : vector<128x4096xi32>
    %lt3A = arith.constant 100000 : i32
    %lt3A_10 = vector.broadcast %lt3A : i32 to vector<128x4096xi32>
    %lt3A_11 = arith.cmpi slt, %add3A_9, %lt3A_10 : vector<128x4096xi32>
    %gt3A = vector.broadcast %get3A_4 : vector<128x1xf32> to vector<128x4096xf32>
    %gt3A_12 = arith.cmpf ogt, %get3A_1, %gt3A : vector<128x4096xf32>
    %eq3A = vector.broadcast %get3A_4 : vector<128x1xf32> to vector<128x4096xf32>
    %eq3A_13 = arith.cmpf oeq, %get3A_1, %eq3A : vector<128x4096xf32>
    %lt3A_14 = vector.broadcast %get3A_7 : vector<128x1xi32> to vector<128x4096xi32>
    %lt3A_15 = arith.cmpi slt, %add3A_9, %lt3A_14 : vector<128x4096xi32>
    %and3A = arith.andi %eq3A_13, %lt3A_15 : vector<128x4096xi1>
    %or3A = arith.ori %gt3A_12, %and3A : vector<128x4096xi1>
    %and3A_16 = arith.andi %or3A, %lt3A_11 : vector<128x4096xi1>
    %convert_element_type3A = arith.extui %and3A_16 : vector<128x4096xi1> to vector<128x4096xi32>
    %reduce_sum3A = arith.constant dense<0> : vector<128xi32>
    %reduce_sum3A_17 = vector.multi_reduction <add>, %convert_element_type3A, %reduce_sum3A [1] : vector<128x4096xi32> to vector<128xi32>
    %broadcast_in_dim3A = vector.shape_cast %reduce_sum3A_17 : vector<128xi32> to vector<128x1xi32>
    %eq3A_18 = arith.constant 0 : i32
    %eq3A_19 = arith.cmpi eq, %arg0, %eq3A_18 : i32
    %convert_element_type3A_20 = arith.extui %eq3A_19 : i1 to i32
    %cond3A = arith.constant 0 : i32
    %cond3A_21 = arith.cmpi ne, %convert_element_type3A_20, %cond3A : i32
    scf.if %cond3A_21 {
      %broadcast_in_dim3A_33 = arith.constant 0 : i32
      %broadcast_in_dim3A_34 = vector.broadcast %broadcast_in_dim3A_33 : i32 to vector<128x1xi32>
      %swap3A_35 = arith.constant 0 : index
      %swap3A_36 = arith.constant 0 : index
      %swap3A_37 = vector.load %arg6[%swap3A_35, %swap3A_36] : memref<128x1xi32, #tpu.memory_space<vmem>>, vector<128x1xi32>
      tpu.vector_store %arg6[%swap3A_35, %swap3A_36], %broadcast_in_dim3A_34 {strides = array<i32>} : memref<128x1xi32, #tpu.memory_space<vmem>>, vector<128x1xi32>,
    } else {
    }
    %get3A_22 = arith.constant 0 : index
    %get3A_23 = arith.constant 0 : index
    %get3A_24 = vector.load %arg6[%get3A_22, %get3A_23] : memref<128x1xi32, #tpu.memory_space<vmem>>, vector<128x1xi32>
    %add3A_25 = arith.addi %get3A_24, %broadcast_in_dim3A : vector<128x1xi32>
    %swap3A = arith.constant 0 : index
    %swap3A_26 = arith.constant 0 : index
    %swap3A_27 = vector.load %arg6[%swap3A, %swap3A_26] : memref<128x1xi32, #tpu.memory_space<vmem>>, vector<128x1xi32>
    tpu.vector_store %arg6[%swap3A, %swap3A_26], %add3A_25 {strides = array<i32>} : memref<128x1xi32, #tpu.memory_space<vmem>>, vector<128x1xi32>,
    %eq3A_28 = arith.constant 24 : i32
    %eq3A_29 = arith.cmpi eq, %arg0, %eq3A_28 : i32
    %convert_element_type3A_30 = arith.extui %eq3A_29 : i1 to i32
    %cond3A_31 = arith.constant 0 : i32
    %cond3A_32 = arith.cmpi ne, %convert_element_type3A_30, %cond3A_31 : i32
    scf.if %cond3A_32 {
      %get3A_33 = arith.constant 0 : index
      %get3A_34 = arith.constant 0 : index
      %get3A_35 = vector.load %arg6[%get3A_33, %get3A_34] : memref<128x1xi32, #tpu.memory_space<vmem>>, vector<128x1xi32>
      %lt3A_36 = arith.constant 5 : i32
      %lt3A_37 = vector.broadcast %lt3A_36 : i32 to vector<128x1xi32>
      %lt3A_38 = arith.cmpi slt, %get3A_35, %lt3A_37 : vector<128x1xi32>
      %convert_element_type3A_39 = arith.extui %lt3A_38 : vector<128x1xi1> to vector<128x1xi32>
      %reduce_sum3A_40 = vector.shape_cast %convert_element_type3A_39 : vector<128x1xi32> to vector<1x128x1xi32>
      %reduce_sum3A_41 = arith.constant dense<0> : vector<1xi32>
      %reduce_sum3A_42 = vector.multi_reduction <add>, %reduce_sum3A_40, %reduce_sum3A_41 [1, 2] : vector<1x128x1xi32> to vector<1xi32>
      %reduce_sum3A_43 = vector.shape_cast %reduce_sum3A_42 : vector<1xi32> to vector<1x1x1xi32>
      %reduce_sum3A_44 = vector.extract %reduce_sum3A_43[0, 0, 0] : i32 from vector<1x1x1xi32>
      %swap3A_45 = arith.constant 0 : index
      %swap3A_46 = arith.constant 0 : index
      %swap3A_47 = memref.load %arg4[%swap3A_45, %swap3A_46] : memref<1x1xi32, #tpu.memory_space<smem>>
      memref.store %reduce_sum3A_44, %arg4[%swap3A_45, %swap3A_46] : memref<1x1xi32, #tpu.memory_space<smem>>
      %convert_element_type3A_48 = arith.sitofp %reduce_sum3A_44 : i32 to f32
      %mul3A_49 = arith.constant 7.812500e-03 : f32
      %mul3A_50 = arith.mulf %convert_element_type3A_48, %mul3A_49 : f32
      %swap3A_51 = arith.constant 0 : index
      %swap3A_52 = arith.constant 0 : index
      %swap3A_53 = memref.load %arg5[%swap3A_51, %swap3A_52] : memref<1x1xf32, #tpu.memory_space<smem>>
      memref.store %mul3A_50, %arg5[%swap3A_51, %swap3A_52] : memref<1x1xf32, #tpu.memory_space<smem>>
    } else {
    }
    return
  }
  func.func @transform_0(%arg0: i32) -> (i32, i32) {
    %c0_i32 = arith.constant 0 : i32
    %c0_i32_0 = arith.constant 0 : i32
    return %c0_i32, %arg0 : i32, i32
  }
  func.func @transform_1(%arg0: i32) -> (i32, i32) {
    %c0_i32 = arith.constant 0 : i32
    %c0_i32_0 = arith.constant 0 : i32
    %c0_i32_1 = arith.constant 0 : i32
    return %c0_i32, %c0_i32_0 : i32, i32
  }
  func.func @transform_2(%arg0: i32) -> (i32, i32) {
    %c0_i32 = arith.constant 0 : i32
    %c0_i32_0 = arith.constant 0 : i32
    %c0_i32_1 = arith.constant 0 : i32
    return %c0_i32, %c0_i32_0 : i32, i32
  }
  func.func @transform_3(%arg0: i32) -> (i32, i32) {
    %c0_i32 = arith.constant 0 : i32
    %c0_i32_0 = arith.constant 0 : i32
    %c0_i32_1 = arith.constant 0 : i32
    return %c0_i32, %c0_i32_0 : i32, i32
  }
  func.func @transform_4(%arg0: i32) -> (i32, i32) {
    %c0_i32 = arith.constant 0 : i32
    %c0_i32_0 = arith.constant 0 : i32
    %c0_i32_1 = arith.constant 0 : i32
    return %c0_i32, %c0_i32_0 : i32, i32
  }
}

</mosaic_0001>

<sc_bundles>
// kernel: kernel.4.cloned.1.call-start
scs
__scs_entry_jumppad:
0x0: {  	(pc) =	sbr.rel $0x88, $3  }
0x1: {  	(tag) =	ssettag $0x0;
	lr =	simm.s32 $0x1  }
0x2: {  	[smem:$0x3F9F] =	sst lr;
	_ =	strace $0xD0000000  }
0x3: {  	_ = 	snop  }
0x4: {  	_ = 	snop  }
0x5: {  	_ = 	snop  }
0x6: {  	_ = 	snop  }
0x7: {  	_ = 	snop  }
__scs_overlays_trampoline_lowered:
0x8: {  	[smem:$0x3FAE] =	sst s0  }
0x9: {  	[smem:$0x3FAF] =	sst s1  }
0xa: {  	[smem:$0x3FB0] =	sst s2  }
0xb: {  	[smem:$0x3FB1] =	sst s3  }
0xc: {  	[smem:$0x3FB2] =	sst s4  }
0xd: {  	[smem:$0x3FB3] =	sst s5  }
0xe: {  	[smem:$0x3FB4] =	sst s6  }
0xf: {  	[smem:$0x3FB5] =	sst s7  }
0x10: {  	[smem:$0x3FB6] =	sst s8  }
0x11: {  	[smem:$0x3FB7] =	sst s9;
	s0 =	simm.s32 @!p0 $0x0  }
0x12: {  	s1 =	sld [smem:$0x3F9D];
	s0 =	simm.s32 @p0 $0x1  }
0x13: {  	[smem:$0x3FB8] =	sst s0;
	s0 =	simm.s32 @!p1 $0x0  }
0x14: {  	s2 =	sld [smem:$0x3F9C];
	s0 =	simm.s32 @p1 $0x1  }
0x15: {  	[smem:$0x3FB9] =	sst s0;
	s0 =	simm.s32 @!p2 $0x0  }
0x16: {  	s3 =	sld [smem:$0x3FDB];
	s0 =	simm.s32 @p2 $0x1  }
0x17: {  	s4 =	simm.s32 $0x1BF5;
	[smem:$0x3FBB] =	sst s0  }
0x18: {  	s0 =	sld [smem:$0x3F9E];
	_ =	swait.ge [sflag:s4], $0x0  }
0x19: {  	s7 =	sld [smem:$0x3F9F]  }
0x1a: {  	s8 =	sadd.s32 $0xFFFFE003, lr  }
0x1b: {  	s9 =	sadd.s32 $0xFFFFFEF7, lr;
	s5 =	simm.s32 $0xFFFFFFFF;
	p2 =	slt.u32 s8, $0xFFFFF086  }
0x1c: {  	p1 =	slt.u32 s9, $0xF7A;
	s5 =	simm.s32 @!p2 $0x0  }
0x1d: {  	s5 =	simm.s32 @p1 $0x1;
	p0 =	seq.s32 s7, s2  }
0x1e: {  	s7 =	smul.u32 @!p0 $0xF7A, s2;
	p2 =	seq.s32 @!p0 s5, $0x0  }
0x1f: {  	s9 =	smul.u32 $0xF7A, s1;
	s8 =	simm.s32 @!p0 $0x1BF5;
	p2 =	por !p2, p0  }
0x20: {  	[sflag:s8] =	ssyncset.s32 @!p0 $0xFFFFF086;
	s6 =	sadd.s32 @!p0 s3, s7;
	s7 =	simm.s32 @!p0 $0x108  }
0x21: {  	s3 =	sadd.s32 s3, s9;
	s6 =	sadd.s32 @!p0 $0x88, s6;
	s7 =	simm.s32 @p2 $0x1082  }
0x22: {  	[simem:s7], [sflag:s8] =	dma.local @!p0 [hbm:s6], $0xF7A  }
0x23: {  	s9 =	sor.u32 $0xD0000000, s2;
	s6 =	simm.s32 $0x108;
	_ =	swait.ge @!p0 [sflag:s8], $0x0  }
0x24: {  	s3 =	sadd.s32 $0x88, s3;
	s6 =	simm.s32 @!p1 $0x1082;
	[sflag:s4] =	ssyncset.s32 $0xFFFFF086  }
0x25: {  	[simem:s6], [sflag:s4] =	dma.local [hbm:s3], $0xF7A  }
0x26: {  	[smem:$0x3F9F] =	sst s1;
	(tag) =	ssettag s2;
	_ =	strace s9  }
0x27: {  	s1 =	sld [smem:$0x3FAF]  }
0x28: {  	s2 =	sld [smem:$0x3FB0]  }
0x29: {  	s4 =	sld [smem:$0x3FB2]  }
0x2a: {  	p0 =	seq.s32 s5, $0x0;
	s5 =	sld [smem:$0x3FB3]  }
0x2b: {  	s6 =	sld [smem:$0x3FB4]  }
0x2c: {  	s7 =	sld [smem:$0x3FB5]  }
0x2d: {  	s3 =	simm.s32 $0x108;
	s8 =	sld [smem:$0x3FB6]  }
0x2e: {  	s3 =	simm.s32 @!p0 $0x1082;
	s9 =	sld [smem:$0x3FB7]  }
0x2f: {  	lr =	sadd.s32 s0, s3;
	s0 =	sld [smem:$0x3FAE]  }
0x30: {  	s3 =	sld [smem:$0x3FB1]  }
0x31: {  	[smem:$0x3FBA] =	sst s10  }
0x32: {  	s10 =	sld [smem:$0x3FB8];
	_ =	sdelay $0x3  }
0x33: {  	p0 =	seq.s32 s10, $0x1;
	s10 =	sld [smem:$0x3FBA];
	_ =	sdelay $0x3  }
0x34: {  	[smem:$0x3FBA] =	sst s10  }
0x35: {  	s10 =	sld [smem:$0x3FB9];
	_ =	sdelay $0x3  }
0x36: {  	p1 =	seq.s32 s10, $0x1;
	s10 =	sld [smem:$0x3FBA];
	_ =	sdelay $0x3  }
0x37: {  	[smem:$0x3FBA] =	sst s10  }
0x38: {  	s10 =	sld [smem:$0x3FBB]  }
0x39: {  	_ = 	snop;
	(pc) =	sbr.ind lr, $3  }
0x3a: {  	_ = 	snop  }
0x3b: {  	_ = 	snop  }
0x3c: {  	p2 =	seq.s32 s10, $0x1;
	s10 =	sld [smem:$0x3FBA]  }
0x3d: {  	_ =	shalt  }
0x3e: {  	_ =	shalt  }
0x3f: {  	_ =	shalt  }
0x40: {  	_ =	shalt  }
0x41: {  	_ =	shalt  }
0x42: {  	_ =	shalt  }
0x43: {  	_ =	shalt  }
0x44: {  	_ =	shalt  }
0x45: {  	_ =	shalt  }
0x46: {  	_ =	shalt  }
0x47: {  	_ =	shalt  }
0x48: {  	_ =	shalt  }
0x49: {  	_ =	shalt  }
0x4a: {  	_ =	shalt  }
0x4b: {  	_ =	shalt  }
0x4c: {  	_ =	shalt  }
0x4d: {  	_ =	shalt  }
0x4e: {  	_ =	shalt  }
0x4f: {  	_ =	shalt  }
0x50: {  	_ =	shalt  }
0x51: {  	_ =	shalt  }
0x52: {  	_ =	shalt  }
0x53: {  	_ =	shalt  }
0x54: {  	_ =	shalt  }
0x55: {  	_ =	shalt  }
0x56: {  	_ =	shalt  }
0x57: {  	_ =	shalt  }
0x58: {  	_ =	shalt  }
0x59: {  	_ =	shalt  }
0x5a: {  	_ =	shalt  }
0x5b: {  	_ =	shalt  }
0x5c: {  	_ =	shalt  }
0x5d: {  	_ =	shalt  }
0x5e: {  	_ =	shalt  }
0x5f: {  	_ =	shalt  }
0x60: {  	_ =	shalt  }
0x61: {  	_ =	shalt  }
0x62: {  	_ =	shalt  }
0x63: {  	_ =	shalt  }
0x64: {  	_ =	shalt  }
0x65: {  	_ =	shalt  }
0x66: {  	_ =	shalt  }
0x67: {  	_ =	shalt  }
0x68: {  	_ =	shalt  }
0x69: {  	_ =	shalt  }
0x6a: {  	_ =	shalt  }
0x6b: {  	_ =	shalt  }
0x6c: {  	_ =	shalt  }
0x6d: {  	_ =	shalt  }
0x6e: {  	_ =	shalt  }
0x6f: {  	_ =	shalt  }
0x70: {  	_ =	shalt  }
0x71: {  	_ =	shalt  }
0x72: {  	_ =	shalt  }
0x73: {  	_ =	shalt  }
0x74: {  	_ =	shalt  }
0x75: {  	_ =	shalt  }
0x76: {  	_ =	shalt  }
0x77: {  	_ =	shalt  }
0x78: {  	_ =	shalt  }
0x79: {  	_ =	shalt  }
0x7a: {  	_ =	shalt  }
0x7b: {  	_ =	shalt  }
0x7c: {  	_ =	shalt  }
0x7d: {  	_ =	shalt  }
0x7e: {  	_ =	shalt  }
0x7f: {  	_ =	shalt  }
0x80: {  	_ =	shalt  }
0x81: {  	_ =	shalt  }
0x82: {  	_ =	shalt  }
0x83: {  	_ =	shalt  }
0x84: {  	_ =	shalt  }
0x85: {  	_ =	shalt  }
0x86: {  	_ =	shalt  }
0x87: {  	_ =	shalt  }
.Lfunc_end0:
.L_simem_size_0:
called_computation_lowered:
.L_overlay_start_0:
0x88: {  	s0 =	sld [smem:$0x3FD9]  }
0x89: {  	s1 =	sld [smem:$0x3FFE];
	_ =	sdelay $0x3  }
0x8a: {  	s0 =	sadd.s32 s1, s0  }
0x8b: {  	[smem:$0x3FC6] =	sst s0  }
0x8c: {  	_ = 	snop  }
0x8d: {  	s0 =	sld [smem:$0x3FD0];
	_ =	sdelay $0x2  }
0x8e: {  	s13 =	simm.s32 $0xA;
	s2 =	simm.s32 $0x10  }
0x8f: {  	[smem:s2], [sflag:s13] =	dma.local [hbm:s0], $0x1  }
0x90: {  	_ =	swait.eq [sflag:s13], $0x1  }
0x91: {  	[sflag:s13] =	ssyncset.done $0x0  }
0x92: {  	s14 =	sld [smem:$0x10];
	[sflag:s13] =	ssyncadd.s32 $0xFFFFFFFF  }
0x93: {  	s15 =	sld [smem:$0x12];
	(tm) =	ssettm $0x1  }
0x94: {  	s16 =	sld [smem:$0x3FFB];
	_ =	sdelay $0x3  }
0x95: {  	_ =	strace s16  }
0x96: {  	s2 =	sld [smem:$0x3FFC];
	_ =	sdelay $0x3  }
0x97: {  	_ =	strace s2  }
0x98: {  	s2 =	sld [smem:$0x3FFD];
	_ =	sdelay $0x3  }
0x99: {  	_ =	strace s2  }
0x9a: {  	_ =	strace $0x8FFFFFFF  }
0x9b: {  	s17 =	sld [smem:$0x3FDB];
	_ =	sdelay $0x1  }
0x9c: {  	s3 =	simm.s32 $_scs_section_size  }
0x9d: {  	s4 =	simm.s32 $_size__tile_overlayer_lowered;
	s5 =	simm.s32 $_tile_overlayer_lowered  }
0x9e: {  	s20 =	simm.s32 $0x1BFF;
	s19 =	sshll.u32 s5, $0x1;
	s2 =	sadd.s32 s3, s17  }
0x9f: {  	s6 =	simm.s32 $0x0;
	s18 =	sshll.u32 s4, $0x1;
	s4 =	sadd.s32 s19, s2  }
0xa0: {  	[timem:s6], [sflag:s20] =	dma.local [hbm:s4], s18  }
0xa1: {  	_ =	swait.ge [sflag:s20], s18  }
0xa2: {  	s3 =	ssub.s32 $0x0, s18;
	[sflag:s20] =	ssyncset.done $0x0  }
0xa3: {  	[sflag:s20] =	ssyncadd.s32 s3;
	_ =	sdelay $0x1  }
0xa4: {  	s21 =	simm.s32 $0x1B8B  }
0xa5: {  	_ =	swait.ge [sflag:s21], $0x1  }
0xa6: {  	[sflag:s21] =	ssyncset.done $0x0  }
0xa7: {  	s23 =	simm.s32 $0x1B8E;
	s22 =	sld [smem:$0x3FFE];
	[sflag:s21] =	ssyncadd.s32 $0xFFFFFFFF  }
0xa8: {  	s24 =	simm.s32 $execute0_lowered;
	[smem:$0x3FD2] =	sst s23  }
0xa9: {  	s4 =	sshll.u32 s24, $0x1;
	_ =	strace $0x80000046;
	[dreg:$0x1] =	wrdreg $0xFFFFFFFF  }
0xaa: {  	s25 =	simm.s32 $_size_execute0_lowered;
	s2 =	sadd.s32 s2, s4;
	[dreg:$0x0] =	wrdreg $0x0  }
0xab: {  	s4 =	sshll.u32 s25, $0x1;
	[dreg:$0x2] =	wrdreg s2  }
0xac: {  	[dreg:$0x3] =	wrdreg s4  }
0xad: {  	[dreg:$0x4] =	wrdreg $0xC0  }
0xae: {  	_ =	task [dreg:s6], $0x5FFFF  }
0xaf: {  	[dreg:$0x1] =	wrdreg $0xFFFFFFFF  }
0xb0: {  	[dreg:$0x0] =	wrdreg $0x60  }
0xb1: {  	[dreg:$0x2] =	wrdreg s22  }
0xb2: {  	[dreg:$0x3] =	wrdreg s14  }
0xb3: {  	[dreg:$0x4] =	wrdreg s15  }
0xb4: {  	[dreg:$0x5] =	wrdreg $0x9  }
0xb5: {  	_ =	task.clear_ibuf [dreg:s6], $0x6FFFF;
	_ =	strace $0x90000046  }
0xb6: {  	s26 =	simm.s32 $0x9;
	_ =	strace $0x80000048  }
0xb7: {  	_ =	swait.ge [sflag:s26], $0x1  }
0xb8: {  	[sflag:s26] =	ssyncadd.s32 $0xFFFFFFFF  }
0xb9: {  	_ =	strace $0x90000048  }
0xba: {  	_ =	sfence  }
0xbb: {  	s28 =	sld [smem:$0x0];
	_ =	sdelay $0x1  }
0xbc: {  	s29 =	srdreg.scid  }
0xbd: {  	s30 =	sshll.u32 s29, $0xD;
	s31 =	sshrl.u32 s29, $0x2  }
0xbe: {  	s1 =	sand.u32 $0x1, s29;
	s2 =	sand.u32 $0x4000, s30;
	s0 =	sadd.s32 s31, s28  }
0xbf: {  	s1 =	sor.u32 s2, s1;
	s0 =	sshll.u32 s0, $0x11  }
0xc0: {  	s0 =	sor.u32 s0, s1  }
0xc1: {  	s0 =	sadd.s32 $0x8F2B, s0  }
0xc2: {  	[sflag:s0] =	ssyncadd.remote.s32 $0x1  }
0xc3: {  	_ =	sfence.sel $0xFFFF  }
0xc4: {  	[dreg:$0x0] =	wrdreg $0xFFFFFFFF;
	(pc) =	sbr.abs _section_cstart, $3  }
0xc5: {  	[dreg:$0x1] =	wrdreg $0xFFFFFFFF  }
0xc6: {  	_ =	task.clear_ibuf [dreg:s6], $0x2FFFF;
	_ =	strace $0x9FFFFFFF  }
0xc7: {  	(tm) =	ssettm $0x7FFFFFFF  }
tec
execute0_lowered:
.L_overlay_start_1:
0x0: {  	(tag) =	ssettag $0x1  }
0x1: {  	s1 =	stileid.u32  }
0x2: {  	p0 =	sgt.u32 s1, $0x3  }
.Ltmp0:
0x3: {  	s2 =	rddreg [dreg:$0x0];
	(pc) =	sbr.rel @p0 .LBB2_2-.Ltmp0, $4  }
0x4: {  	s4 =	rddreg [dreg:$0x1]  }
0x5: {  	s6 =	rddreg [dreg:$0x2];
	s3 =	simm.s32 $0x0  }
0x6: {  	[smem:$0x7FF] =	sst s3  }
0x7: {  	s0 =	rddreg [dreg:$0x3];
	_ =	strace $0x80000047  }
0x8: {  	s5 =	sshll.u32 s1, $0x2  }
0x9: {  	s4 =	sadd.s32 s4, s5  }
0xa: {  	[tilespmem:s3], [sflag:$0x2] =	stream.linear.gather [hbm4b:s4+s3], $0x10, $0x38;
	[tilespmem:$0x4180] =	vst v63  }
0xb: {  	s4 =	simm.s32 $0x2  }
0xc: {  	_ =	swait.ge [sflag:s4], $0x10  }
0xd: {  	[sflag:s4] =	ssyncset.done $0x0  }
0xe: {  	s7 =	simm.s32 $0x80;
	s6 =	sadd.s32 s6, s5;
	[sflag:s4] =	ssyncadd.s32 $0xFFFFFFF0  }
0xf: {  	[tilespmem:s7], [sflag:$0x2] =	stream.linear.gather [hbm4b:s6+s3], $0x10, $0x38;
	[tilespmem:$0x4180] =	vst v63  }
0x10: {  	_ =	swait.ge [sflag:s4], $0x10  }
0x11: {  	[sflag:s4] =	ssyncset.done $0x0  }
0x12: {  	[sflag:s4] =	ssyncadd.s32 $0xFFFFFFF0  }
0x13: {  	v0 =	vld [tilespmem:$0x0];
	_ =	sdelay $0x3  }
0x14: {  	vm0 =	vmmov $0x1  }
0x15: {  	v1 =	vnsel vm0, $0xFFFFFFFF, v0  }
0x16: {  	v1 =	vxor.u32 $0x80000000, v1  }
0x17: {  	(xrf0) =	vmax.scan.msk.u32 $0xffff, v1;
	_ =	sdelay $0x3  }
0x18: {  	vm10 =	vcmask $0x308  }
0x19: {  	v35 =	vsel vm10, $0xFFFFFFFF, v0  }
0x1a: {  	v1 =	vxor.u32 $0x80000000, v35;
	v2, _, _ =	vpop (xrf0)  }
0x1b: {  	(xrf0) =	vmax.scan.msk.u32 $0xffff, v1;
	(v2sf) =	vpush v2, $0xF;
	_ =	sdelay $0x2  }
0x1c: {  	vm11 =	vcmask $0x70C  }
0x1d: {  	v36 =	vsel vm11, $0xFFFFFFFF, v0  }
0x1e: {  	v1 =	vxor.u32 $0x80000000, v36  }
0x1f: {  	v37, _, _ =	vpop (xrf0);
	(xrf0) =	vmax.scan.msk.u32 $0xffff, v1  }
0x20: {  	(v2sf) =	vpush v37, $0xF;
	_ =	sdelay $0x1  }
0x21: {  	vm12 =	vcmask $0xB10  }
0x22: {  	v38 =	vsel vm12, $0xFFFFFFFF, v0  }
0x23: {  	v1 =	vxor.u32 $0x80000000, v38  }
0x24: {  	v39, _, _ =	vpop (xrf0);
	(xrf0) =	vmax.scan.msk.u32 $0xffff, v1;
	_ =	sdelay $0x1  }
0x25: {  	(v2sf) =	vpush v39, $0xF  }
0x26: {  	s19 =	spop (v2sf)  }
0x27: {  	s8 =	smul.u32 $0x30E000, s1;
	vm13 =	vcmask $0xF14;
	s6 =	sshll.u32 s19, $0x3  }
0x28: {  	v40 =	vsel vm13, $0xFFFFFFFF, v0;
	s6 =	sand.u32 $0xFFFFFC00, s6  }
0x29: {  	v41 =	vxor.u32 $0x80000000, v40;
	v1, _, _ =	vpop (xrf0);
	s6 =	sadd.s32 s8, s6  }
0x2a: {  	s7 =	sadd.s32 $0x1200, s2;
	(xrf0) =	vmax.scan.msk.u32 $0xffff, v41;
	(v2sf) =	vpush v1, $0xF;
	s6 =	sshrl.u32 s6, $0x3  }
0x2b: {  	s9 =	sadd.s32 s7, s6;
	s6 =	simm.s32 $0x100  }
0x2c: {  	[tilespmem:s6], [sflag:$0x1] =	stream.linear.gather [hbm4b:s9+s3], $0x400, $0x38;
	[tilespmem:$0x4180] =	vst v63  }
0x2d: {  	vm14 =	vcmask $0x1318;
	s20 =	spop (v2sf)  }
0x2e: {  	v42 =	vsel vm14, $0xFFFFFFFF, v0;
	s9 =	sshll.u32 s20, $0x3  }
0x2f: {  	v1 =	vxor.u32 $0x80000000, v42;
	s9 =	sand.u32 $0xFFFFFC00, s9  }
0x30: {  	v43, _, _ =	vpop (xrf0);
	(xrf0) =	vmax.scan.msk.u32 $0xffff, v1;
	s9 =	sadd.s32 s8, s9  }
0x31: {  	s9 =	sshrl.u32 s9, $0x3  }
0x32: {  	s10 =	simm.s32 $0x500;
	(v2sf) =	vpush v43, $0xF;
	s9 =	sadd.s32 s7, s9  }
0x33: {  	vm15 =	vcmask $0x171C;
	[tilespmem:s10], [sflag:$0x1] =	stream.linear.gather [hbm4b:s9+s3], $0x400, $0x38;
	[tilespmem:$0x4180] =	vst v63  }
0x34: {  	v44 =	vsel vm15, $0xFFFFFFFF, v0;
	s21 =	spop (v2sf)  }
0x35: {  	v1 =	vxor.u32 $0x80000000, v44;
	s9 =	sshll.u32 s21, $0x3  }
0x36: {  	s9 =	sand.u32 $0xFFFFFC00, s9;
	v45, _, _ =	vpop (xrf0);
	(xrf0) =	vmax.scan.msk.u32 $0xffff, v1  }
0x37: {  	s9 =	sadd.s32 s8, s9  }
0x38: {  	s9 =	sshrl.u32 s9, $0x3  }
0x39: {  	s22 =	simm.s32 $0x900;
	vm4 =	vcmask $0x1B20;
	s9 =	sadd.s32 s7, s9;
	s23 =	spop (v2sf);
	(v2sf) =	vpush v45, $0xF  }
0x3a: {  	v46 =	vsel vm4, $0xFFFFFFFF, v0;
	[tilespmem:s22], [sflag:$0x1] =	stream.linear.gather [hbm4b:s9+s3], $0x400, $0x38;
	[tilespmem:$0x4180] =	vst v63  }
0x3b: {  	v1 =	vxor.u32 $0x80000000, v46;
	s9 =	sshll.u32 s23, $0x3  }
0x3c: {  	s9 =	sand.u32 $0xFFFFFC00, s9;
	v47, _, _ =	vpop (xrf0);
	(xrf0) =	vmax.scan.msk.u32 $0xffff, v1  }
0x3d: {  	s9 =	sadd.s32 s8, s9  }
0x3e: {  	(v2sf) =	vpush v47, $0xF;
	s9 =	sshrl.u32 s9, $0x3  }
0x3f: {  	s24 =	simm.s32 $0xD00;
	s9 =	sadd.s32 s7, s9  }
0x40: {  	vm5 =	vcmask $0x1F24;
	[tilespmem:s24], [sflag:$0x1] =	stream.linear.gather [hbm4b:s9+s3], $0x400, $0x38;
	[tilespmem:$0x4180] =	vst v63  }
0x41: {  	v48 =	vsel vm5, $0xFFFFFFFF, v0;
	s25 =	spop (v2sf)  }
0x42: {  	v49 =	vxor.u32 $0x80000000, v48;
	s9 =	sshll.u32 s25, $0x3;
	v1, _, _ =	vpop (xrf0)  }
0x43: {  	s9 =	sand.u32 $0xFFFFFC00, s9;
	(xrf0) =	vmax.scan.msk.u32 $0xffff, v49;
	(v2sf) =	vpush v1, $0xF  }
0x44: {  	s9 =	sadd.s32 s8, s9  }
0x45: {  	s9 =	sshrl.u32 s9, $0x3  }
0x46: {  	s26 =	simm.s32 $0x1100;
	s9 =	sadd.s32 s7, s9  }
0x47: {  	vm6 =	vcmask $0x2328;
	[tilespmem:s26], [sflag:$0x1] =	stream.linear.gather [hbm4b:s9+s3], $0x400, $0x38;
	[tilespmem:$0x4180] =	vst v63  }
0x48: {  	v50 =	vsel vm6, $0xFFFFFFFF, v0;
	s28 =	spop (v2sf)  }
0x49: {  	v1 =	vxor.u32 $0x80000000, v50;
	v51, _, _ =	vpop (xrf0);
	s9 =	sshll.u32 s28, $0x3  }
0x4a: {  	(xrf0) =	vmax.scan.msk.u32 $0xffff, v1;
	(v2sf) =	vpush v51, $0xF;
	s9 =	sand.u32 $0xFFFFFC00, s9  }
0x4b: {  	s9 =	sadd.s32 s8, s9  }
0x4c: {  	s9 =	sshrl.u32 s9, $0x3  }
0x4d: {  	s29 =	simm.s32 $0x1500;
	vm7 =	vcmask $0x272C;
	s30 =	spop (v2sf);
	s9 =	sadd.s32 s7, s9  }
0x4e: {  	v52 =	vsel vm7, $0xFFFFFFFF, v0;
	[tilespmem:s29], [sflag:$0x1] =	stream.linear.gather [hbm4b:s9+s3], $0x400, $0x38;
	[tilespmem:$0x4180] =	vst v63  }
0x4f: {  	v1 =	vxor.u32 $0x80000000, v52;
	s9 =	sshll.u32 s30, $0x3  }
0x50: {  	v53, _, _ =	vpop (xrf0);
	(xrf0) =	vmax.scan.msk.u32 $0xffff, v1;
	s9 =	sand.u32 $0xFFFFFC00, s9  }
0x51: {  	s9 =	sadd.s32 s8, s9  }
0x52: {  	s9 =	sshrl.u32 s9, $0x3;
	s10 =	spop (v2sf);
	(v2sf) =	vpush v53, $0xF  }
0x53: {  	s31 =	simm.s32 $0x1900;
	vm8 =	vcmask $0x2B30;
	s9 =	sadd.s32 s7, s9  }
0x54: {  	v54 =	vsel vm8, $0xFFFFFFFF, v0;
	[tilespmem:s31], [sflag:$0x1] =	stream.linear.gather [hbm4b:s9+s3], $0x400, $0x38;
	[tilespmem:$0x4180] =	vst v63  }
0x55: {  	v1 =	vxor.u32 $0x80000000, v54;
	s9 =	sshll.u32 s10, $0x3  }
0x56: {  	v55, _, _ =	vpop (xrf0);
	(xrf0) =	vmax.scan.msk.u32 $0xffff, v1;
	s9 =	sand.u32 $0xFFFFFC00, s9  }
0x57: {  	(v2sf) =	vpush v55, $0xF;
	s9 =	sadd.s32 s8, s9  }
0x58: {  	s9 =	sshrl.u32 s9, $0x3  }
0x59: {  	s11 =	simm.s32 $0x1D00;
	vm9 =	vcmask $0x2F34;
	s9 =	sadd.s32 s7, s9;
	s12 =	spop (v2sf)  }
0x5a: {  	v56 =	vsel vm9, $0xFFFFFFFF, v0;
	[tilespmem:s11], [sflag:$0x1] =	stream.linear.gather [hbm4b:s9+s3], $0x400, $0x38;
	[tilespmem:$0x4180] =	vst v63  }
0x5b: {  	v57 =	vxor.u32 $0x80000000, v56;
	s9 =	sshll.u32 s12, $0x3  }
0x5c: {  	s8 =	sadd.s32 $0xC3800, s8;
	s9 =	sand.u32 $0xFFFFFC00, s9;
	v1, _, _ =	vpop (xrf0);
	(xrf0) =	vmax.scan.msk.u32 $0xffff, v57  }
0x5d: {  	s9 =	sadd.s32 s8, s9;
	(v2sf) =	vpush v1, $0xF  }
0x5e: {  	s9 =	sshrl.u32 s9, $0x3  }
0x5f: {  	s13 =	simm.s32 $0x2100;
	s9 =	sadd.s32 s7, s9  }
0x60: {  	[tilespmem:s13], [sflag:$0x1] =	stream.linear.gather [hbm4b:s9+s3], $0x400, $0x38;
	[tilespmem:$0x4180] =	vst v63  }
0x61: {  	vm10 =	vcmask $0x3338;
	s14 =	spop (v2sf)  }
0x62: {  	v58 =	vsel vm10, $0xFFFFFFFF, v0;
	v59, _, _ =	vpop (xrf0);
	s9 =	sshll.u32 s14, $0x3  }
0x63: {  	v1 =	vxor.u32 $0x80000000, v58;
	(v2sf) =	vpush v59, $0xF;
	s9 =	sand.u32 $0xFFFFFC00, s9  }
0x64: {  	(xrf0) =	vmax.scan.msk.u32 $0xffff, v1;
	s9 =	sadd.s32 s8, s9  }
0x65: {  	s9 =	sshrl.u32 s9, $0x3  }
0x66: {  	s15 =	simm.s32 $0x2500;
	s16 =	spop (v2sf);
	s9 =	sadd.s32 s7, s9  }
0x67: {  	[tilespmem:s15], [sflag:$0x1] =	stream.linear.gather [hbm4b:s9+s3], $0x400, $0x38;
	[tilespmem:$0x4180] =	vst v63  }
0x68: {  	vm11 =	vcmask $0x373C;
	s9 =	sshll.u32 s16, $0x3  }
0x69: {  	v60 =	vsel vm11, $0xFFFFFFFF, v0;
	s9 =	sand.u32 $0xFFFFFC00, s9  }
0x6a: {  	v1 =	vxor.u32 $0x80000000, v60;
	v61, _, _ =	vpop (xrf0);
	s9 =	sadd.s32 s8, s9  }
0x6b: {  	(xrf0) =	vmax.scan.msk.u32 $0xffff, v1;
	(v2sf) =	vpush v61, $0xF;
	s9 =	sshrl.u32 s9, $0x3  }
0x6c: {  	s17 =	simm.s32 $0x2900;
	s18 =	spop (v2sf);
	s9 =	sadd.s32 s7, s9  }
0x6d: {  	[tilespmem:s17], [sflag:$0x1] =	stream.linear.gather [hbm4b:s9+s3], $0x400, $0x38;
	[tilespmem:$0x4180] =	vst v63  }
0x6e: {  	s9 =	sshll.u32 s18, $0x3  }
0x6f: {  	vm12 =	vmmov $0x7fff;
	s9 =	sand.u32 $0xFFFFFC00, s9  }
0x70: {  	v0 =	vsel vm12, $0xFFFFFFFF, v0;
	s9 =	sadd.s32 s8, s9  }
0x71: {  	v0 =	vxor.u32 $0x80000000, v0;
	v1, _, _ =	vpop (xrf0);
	s9 =	sshrl.u32 s9, $0x3  }
0x72: {  	s19 =	simm.s32 $0x2D00;
	(xrf0) =	vmax.scan.msk.u32 $0xffff, v0;
	(v2sf) =	vpush v1, $0xF;
	s9 =	sadd.s32 s7, s9;
	s20 =	spop (v2sf)  }
0x73: {  	[tilespmem:s19], [sflag:$0x1] =	stream.linear.gather [hbm4b:s9+s3], $0x400, $0x38;
	[tilespmem:$0x4180] =	vst v63  }
0x74: {  	s9 =	sshll.u32 s20, $0x3  }
0x75: {  	s9 =	sand.u32 $0xFFFFFC00, s9  }
0x76: {  	s9 =	sadd.s32 s8, s9  }
0x77: {  	s9 =	sshrl.u32 s9, $0x3  }
0x78: {  	s21 =	simm.s32 $0x3100;
	v0, _, _ =	vpop (xrf0);
	s9 =	sadd.s32 s7, s9  }
0x79: {  	(v2sf) =	vpush v0, $0xF;
	[tilespmem:s21], [sflag:$0x1] =	stream.linear.gather [hbm4b:s9+s3], $0x400, $0x38;
	[tilespmem:$0x4180] =	vst v63  }
0x7a: {  	s22 =	spop (v2sf)  }
0x7b: {  	s9 =	sshll.u32 s22, $0x3  }
0x7c: {  	s9 =	sand.u32 $0xFFFFFC00, s9  }
0x7d: {  	s9 =	sadd.s32 s8, s9  }
0x7e: {  	s9 =	sshrl.u32 s9, $0x3  }
0x7f: {  	s23 =	simm.s32 $0x3500;
	s9 =	sadd.s32 s7, s9  }
0x80: {  	[tilespmem:s23], [sflag:$0x1] =	stream.linear.gather [hbm4b:s9+s3], $0x400, $0x38;
	[tilespmem:$0x4180] =	vst v63  }
0x81: {  	s24 =	spop (v2sf)  }
0x82: {  	s9 =	sshll.u32 s24, $0x3  }
0x83: {  	s9 =	sand.u32 $0xFFFFFC00, s9  }
0x84: {  	s9 =	sadd.s32 s8, s9  }
0x85: {  	s9 =	sshrl.u32 s9, $0x3  }
0x86: {  	s25 =	simm.s32 $0x3900;
	s9 =	sadd.s32 s7, s9  }
0x87: {  	[tilespmem:s25], [sflag:$0x1] =	stream.linear.gather [hbm4b:s9+s3], $0x400, $0x38;
	[tilespmem:$0x4180] =	vst v63  }
0x88: {  	s26 =	spop (v2sf)  }
0x89: {  	s9 =	sshll.u32 s26, $0x3  }
0x8a: {  	s9 =	sand.u32 $0xFFFFFC00, s9  }
0x8b: {  	s8 =	sadd.s32 s8, s9  }
0x8c: {  	s8 =	sshrl.u32 s8, $0x3  }
0x8d: {  	s28 =	simm.s32 $0x3D00;
	s29 =	simm.s32 $0x1;
	s7 =	sadd.s32 s7, s8  }
0x8e: {  	[tilespmem:s28], [sflag:$0x1] =	stream.linear.gather [hbm4b:s7+s3], $0x400, $0x38;
	[tilespmem:$0x4180] =	vst v63  }
0x8f: {  	_ =	swait.ge [sflag:s29], $0x400  }
0x90: {  	[sflag:s29] =	ssyncset.done $0x0  }
0x91: {  	[sflag:s29] =	ssyncadd.s32 $0xFFFFFC00  }
0x92: {  	_ =	swait.ge [sflag:s29], $0x400  }
0x93: {  	[sflag:s29] =	ssyncset.done $0x0  }
0x94: {  	[sflag:s29] =	ssyncadd.s32 $0xFFFFFC00  }
0x95: {  	_ =	swait.ge [sflag:s29], $0x400  }
0x96: {  	[sflag:s29] =	ssyncset.done $0x0  }
0x97: {  	[sflag:s29] =	ssyncadd.s32 $0xFFFFFC00  }
0x98: {  	_ =	swait.ge [sflag:s29], $0x400  }
0x99: {  	[sflag:s29] =	ssyncset.done $0x0  }
0x9a: {  	[sflag:s29] =	ssyncadd.s32 $0xFFFFFC00  }
0x9b: {  	_ =	swait.ge [sflag:s29], $0x400  }
0x9c: {  	[sflag:s29] =	ssyncset.done $0x0  }
0x9d: {  	[sflag:s29] =	ssyncadd.s32 $0xFFFFFC00  }
0x9e: {  	_ =	swait.ge [sflag:s29], $0x400  }
0x9f: {  	[sflag:s29] =	ssyncset.done $0x0  }
0xa0: {  	[sflag:s29] =	ssyncadd.s32 $0xFFFFFC00  }
0xa1: {  	_ =	swait.ge [sflag:s29], $0x400  }
0xa2: {  	[sflag:s29] =	ssyncset.done $0x0  }
0xa3: {  	[sflag:s29] =	ssyncadd.s32 $0xFFFFFC00  }
0xa4: {  	_ =	swait.ge [sflag:s29], $0x400  }
0xa5: {  	[sflag:s29] =	ssyncset.done $0x0  }
0xa6: {  	[sflag:s29] =	ssyncadd.s32 $0xFFFFFC00  }
0xa7: {  	_ =	swait.ge [sflag:s29], $0x400  }
0xa8: {  	[sflag:s29] =	ssyncset.done $0x0  }
0xa9: {  	[sflag:s29] =	ssyncadd.s32 $0xFFFFFC00  }
0xaa: {  	_ =	swait.ge [sflag:s29], $0x400  }
0xab: {  	[sflag:s29] =	ssyncset.done $0x0  }
0xac: {  	[sflag:s29] =	ssyncadd.s32 $0xFFFFFC00  }
0xad: {  	_ =	swait.ge [sflag:s29], $0x400  }
0xae: {  	[sflag:s29] =	ssyncset.done $0x0  }
0xaf: {  	[sflag:s29] =	ssyncadd.s32 $0xFFFFFC00  }
0xb0: {  	_ =	swait.ge [sflag:s29], $0x400  }
0xb1: {  	[sflag:s29] =	ssyncset.done $0x0  }
0xb2: {  	[sflag:s29] =	ssyncadd.s32 $0xFFFFFC00  }
0xb3: {  	_ =	swait.ge [sflag:s29], $0x400  }
0xb4: {  	v62 =	vimm.s32 $0x3F80;
	vm13 =	vcmask $0x300;
	[sflag:s29] =	ssyncset.done $0x0  }
0xb5: {  	vm14 =	vcmask $0x704;
	v0 =	vsel vm13, $0x0, v62;
	[sflag:s29] =	ssyncadd.s32 $0xFFFFFC00  }
0xb6: {  	vm15 =	vcmask $0xB08;
	v0 =	vsel vm14, $0x480, v0;
	_ =	swait.ge [sflag:s29], $0x400  }
0xb7: {  	vm4 =	vcmask $0xF0C;
	v0 =	vsel vm15, $0x900, v0;
	[sflag:s29] =	ssyncset.done $0x0  }
0xb8: {  	vm5 =	vcmask $0x1310;
	v0 =	vsel vm4, $0xD80, v0;
	[sflag:s29] =	ssyncadd.s32 $0xFFFFFC00  }
0xb9: {  	vm6 =	vcmask $0x1714;
	v0 =	vsel vm5, $0x1200, v0;
	_ =	swait.ge [sflag:s29], $0x400  }
0xba: {  	vm7 =	vcmask $0x1B18;
	v0 =	vsel vm6, $0x1680, v0;
	[sflag:s29] =	ssyncset.done $0x0  }
0xbb: {  	vm8 =	vcmask $0x1F1C;
	v0 =	vsel vm7, $0x1B00, v0;
	[sflag:s29] =	ssyncadd.s32 $0xFFFFFC00  }
0xbc: {  	vm9 =	vcmask $0x2320;
	v0 =	vsel vm8, $0x1F80, v0;
	_ =	swait.ge [sflag:s29], $0x400  }
0xbd: {  	vm10 =	vcmask $0x2724;
	v0 =	vsel vm9, $0x2000, v0;
	[sflag:s29] =	ssyncset.done $0x0  }
0xbe: {  	vm11 =	vcmask $0x2B28;
	v0 =	vsel vm10, $0x2480, v0;
	[sflag:s29] =	ssyncadd.s32 $0xFFFFFC00  }
0xbf: {  	vm12 =	vcmask $0x2F2C;
	v0 =	vsel vm11, $0x2900, v0;
	v63 =	vld [tilespmem:$0x80]  }
0xc0: {  	vm13 =	vcmask $0x3330;
	v0 =	vsel vm12, $0x2D80, v0  }
0xc1: {  	vm14 =	vcmask $0x3734;
	v0 =	vsel vm13, $0x3200, v0  }
0xc2: {  	vm15 =	vcmask $0x3B38;
	v0 =	vsel vm14, $0x3680, v0  }
0xc3: {  	v0 =	vsel vm15, $0x3B00, v0  }
0xc4: {  	v0 =	vadd.s32 v0, v63;
	_ =	sdelay $0x4  }
0xc5: {  	v0 =	vld.idx.msk [tilespmem:v0+s6+$0x0], $0xffff;
	_ =	sdelay $0x3  }
0xc6: {  	s30 =	sadd.s32 $0x188200, s2  }
0xc7: {  	s2 =	sadd.s32 s30, s5;
	s31 =	simm.s32 $0x4100;
	[tilespmem:$0x4100] =	vst v0  }
0xc8: {  	[hbm4b:s2+s3] =	stream.linear.scatter [tilespmem:s31], [sflag:$0x2], $0x10, $0x38;
	[tilespmem:$0x4180] =	vst v63  }
0xc9: {  	_ =	swait.ge [sflag:s4], $0x10  }
0xca: {  	[sflag:s4] =	ssyncset.done $0x0  }
0xcb: {  	[sflag:s4] =	ssyncadd.s32 $0xFFFFFFF0  }
.LBB2_2:
0xcc: {  	_ =	sfence.sel $0x180000  }
0xcd: {  	[bflag:$0x0] =	sbarrier.arrive $0xFFFF  }
0xce: {  	p0 =	sne.s32 s1, $0x0;
	_ =	strace $0x90000047  }
0xcf: {  	s0 =	sadd.s32 @!p0 $0x100000, s0;
	[bflag:$0x2] =	sbarrier.arrive $0xFFFF  }
0xd0: {  	[sflag:s0] =	ssyncadd.tile.s32 @!p0 $0x1;
	_ =	shalt  }
.Lfunc_end2:
_tile_overlayer_lowered:
.L_overlay_start_2:
0xd1: {  	(tag) =	ssettag $0x2  }
0xd2: {  	s0 =	rddreg [dreg:$0x0];
	s2 =	stileid.u32  }
0xd3: {  	s1 =	rddreg [dreg:$0x1];
	p0 =	sne.s32 s2, $0x0  }
0xd4: {  	s3 =	rddreg [dreg:$0x2];
	[bflag:$0x3] =	sbarrier.arrive $0xFFFF;
	s2 =	simm.s32 @!p0 $0x1C02  }
0xd5: {  	[timem:s3], [sflag:s2] =	dma.local @!p0 [hbm:s0], s1  }
0xd6: {  	s0 =	simm.s32 @!p0 $0x2  }
0xd7: {  	_ =	swait.ge @!p0 [sflag:s0], s1  }
0xd8: {  	s1 =	ssub.s32 @!p0 $0x0, s1;
	[sflag:s0] =	ssyncset.done @!p0 $0x0  }
0xd9: {  	[sflag:s0] =	ssyncadd.s32 @!p0 s1  }
0xda: {  	[bflag:$0x3] =	sbarrier.arrive $0xFFFF  }
0xdb: {  	_ =	shalt  }

</sc_bundles>
